<compile_context>
chip_gen: v7x
topology: tpu7x:2x2x1
jax: 0.10.2.dev20260603
libtpu: 0.0.44.dev20260713+nightly
codegen_flags: <defaults>
</compile_context>

<pallas_src>
import jax
import jax.numpy as jnp
from jax import lax
from jax.experimental import pallas as pl
from jax.experimental.pallas import tpu as pltpu
from jax.experimental.pallas import tpu_sc as plsc

N_EDGES = 320000
N_NODES = 10000
D_FEAT = 128

NUM_CORES = 2
NUM_SUBCORES = 16
NODES_PER_CORE = N_NODES // NUM_CORES
ACC_ROWS = 5008
DUMMY_ROW = 5000
CHUNK = 80
E_PER_TILE = N_EDGES // NUM_SUBCORES
N_CHUNKS = E_PER_TILE // CHUNK
NBUF = 6
SD = 1
LA = 4
R_PER_TILE = 312
R_TAIL = NODES_PER_CORE - NUM_SUBCORES * R_PER_TILE
Z_PER_TILE = ACC_ROWS // NUM_SUBCORES
WB_OFFS = (0, 80, 160, 232)
Z_OFFS = (0, 80, 160, 233)


def _sc_body(src_hbm, idx_hbm, out_hbm, idxall,
             rows0, rows1, rows2, rows3, rows4, rows5,
             li0, li1, li2, li3, li4, li5,
             lsem0, lsem1, lsem2, lsem3, lsem4, lsem5,
             ssem0, ssem1, ssem2, ssem3, ssem4, ssem5,
             acc):
    rows = (rows0, rows1, rows2, rows3, rows4, rows5)
    lidx = (li0, li1, li2, li3, li4, li5)
    lsem = (lsem0, lsem1, lsem2, lsem3, lsem4, lsem5)
    ssem = (ssem0, ssem1, ssem2, ssem3, ssem4, ssem5)
    c = lax.axis_index("c")
    s = lax.axis_index("s")
    lo = c * NODES_PER_CORE
    hi = lo + NODES_PER_CORE

    zbuf = rows[NBUF - 1]

    def zero_row(r, carry):
        for j in range(D_FEAT // 16):
            zbuf[r, pl.ds(j * 16, 16)] = jnp.zeros((16,), jnp.float32)
        return carry

    lax.fori_loop(0, CHUNK, zero_row, 0)
    zbase = s * Z_PER_TILE
    for off in Z_OFFS:
        pltpu.sync_copy(zbuf, acc.at[pl.ds(zbase + off, CHUNK)])

    pltpu.sync_copy(idx_hbm.at[pl.ds(s * E_PER_TILE, E_PER_TILE)], idxall)
    plsc.subcore_barrier()

    def first_chunk_where(pred):
        def step(t, st):
            lo_c, hi_c = st
            mid = (lo_c + hi_c) // 2
            v = pred(mid)
            new_hi = jnp.where(v, mid, hi_c)
            new_lo = jnp.where(v, lo_c, mid + 1)
            done = lo_c >= hi_c
            return (jnp.where(done, lo_c, new_lo),
                    jnp.where(done, hi_c, new_hi))

        return lax.fori_loop(0, 8, step, (0, N_CHUNKS))[0]

    c_start = first_chunk_where(
        lambda ci: idxall[pl.ds(ci * CHUNK + CHUNK - 16, 16)][15] >= lo)
    c_end = first_chunk_where(
        lambda ci: idxall[pl.ds(ci * CHUNK, 16)][0] >= hi)

    ebase = s * E_PER_TILE

    def load_slice(i):
        return src_hbm.at[pl.ds(ebase + i * CHUNK, CHUNK)]

    def wait_scatter(b):
        pltpu.make_async_copy(rows[b], acc.at[lidx[b]], ssem[b]).wait()

    for t in range(LA):
        @pl.when(c_start + t < c_end)
        def _(t=t):
            pltpu.async_copy(load_slice(c_start + t), rows[t], lsem[t])

    n_groups = (c_end - c_start + NBUF - 1) // NBUF

    def group(g, carry):
        i0 = c_start + g * NBUF
        for b in range(NBUF):
            i = i0 + b

            @pl.when(i < c_end)
            def _(b=b, i=i):
                pltpu.make_async_copy(load_slice(i), rows[b], lsem[b]).wait()
                for j in range(CHUNK // 16):
                    v = idxall[pl.ds(i * CHUNK + j * 16, 16)]
                    ok = jnp.logical_and(v >= lo, v < hi)
                    lidx[b][pl.ds(j * 16, 16)] = jnp.where(ok, v - lo, DUMMY_ROW)
                pltpu.async_copy(rows[b], acc.at[lidx[b]], ssem[b], add=True)

                @pl.when(i - SD >= c_start)
                def _():
                    wait_scatter((b - SD) % NBUF)

                @pl.when(i + LA < c_end)
                def _(i=i):
                    pltpu.async_copy(load_slice(i + LA),
                                     rows[(b + LA) % NBUF],
                                     lsem[(b + LA) % NBUF])

        return carry

    lax.fori_loop(0, n_groups, group, 0)

    last = c_end - 1
    bm = lax.rem(last - c_start, NBUF)
    for b in range(NBUF):
        i_b = last - lax.rem(bm - b + NBUF, NBUF)

        @pl.when(jnp.logical_and(c_end > c_start,
                                 jnp.logical_and(i_b >= c_end - SD,
                                                 i_b >= c_start)))
        def _(b=b):
            wait_scatter(b)

    plsc.subcore_barrier()

    rbase = s * R_PER_TILE
    for b, off in enumerate(WB_OFFS):
        pltpu.async_copy(acc.at[pl.ds(rbase + off, CHUNK)], rows[b], lsem[b])
    for b, off in enumerate(WB_OFFS):
        pltpu.make_async_copy(acc.at[pl.ds(rbase + off, CHUNK)],
                              rows[b], lsem[b]).wait()
        pltpu.async_copy(rows[b], out_hbm.at[pl.ds(lo + rbase + off, CHUNK)],
                         ssem[b])
    for b, off in enumerate(WB_OFFS):
        pltpu.make_async_copy(rows[b],
                              out_hbm.at[pl.ds(lo + rbase + off, CHUNK)],
                              ssem[b]).wait()

    @pl.when(s == 0)
    def _():
        tbase = NUM_SUBCORES * R_PER_TILE
        pltpu.sync_copy(acc.at[pl.ds(tbase, R_TAIL)],
                        rows[4].at[pl.ds(0, R_TAIL)])
        pltpu.sync_copy(rows[4].at[pl.ds(0, R_TAIL)],
                        out_hbm.at[pl.ds(lo + tbase, R_TAIL)])


@jax.jit
def _segment_sum_sc(src, index):
    mesh = plsc.VectorSubcoreMesh(core_axis_name="c", subcore_axis_name="s")
    return pl.kernel(
        _sc_body,
        out_type=jax.ShapeDtypeStruct((N_NODES, D_FEAT), jnp.float32),
        mesh=mesh,
        scratch_types=[
            pltpu.VMEM((E_PER_TILE,), jnp.int32),
            pltpu.VMEM((CHUNK, D_FEAT), jnp.float32),
            pltpu.VMEM((CHUNK, D_FEAT), jnp.float32),
            pltpu.VMEM((CHUNK, D_FEAT), jnp.float32),
            pltpu.VMEM((CHUNK, D_FEAT), jnp.float32),
            pltpu.VMEM((CHUNK, D_FEAT), jnp.float32),
            pltpu.VMEM((CHUNK, D_FEAT), jnp.float32),
            pltpu.VMEM((CHUNK,), jnp.int32),
            pltpu.VMEM((CHUNK,), jnp.int32),
            pltpu.VMEM((CHUNK,), jnp.int32),
            pltpu.VMEM((CHUNK,), jnp.int32),
            pltpu.VMEM((CHUNK,), jnp.int32),
            pltpu.VMEM((CHUNK,), jnp.int32),
            pltpu.SemaphoreType.DMA,
            pltpu.SemaphoreType.DMA,
            pltpu.SemaphoreType.DMA,
            pltpu.SemaphoreType.DMA,
            pltpu.SemaphoreType.DMA,
            pltpu.SemaphoreType.DMA,
            pltpu.SemaphoreType.DMA,
            pltpu.SemaphoreType.DMA,
            pltpu.SemaphoreType.DMA,
            pltpu.SemaphoreType.DMA,
            pltpu.SemaphoreType.DMA,
            pltpu.SemaphoreType.DMA,
            pltpu.VMEM_SHARED((ACC_ROWS, D_FEAT), jnp.float32),
        ],
    )(src, index)


def kernel(src, index, dim, dim_size):
    del dim, dim_size
    return _segment_sum_sc(src, index.astype(jnp.int32))

# --- scband reference (transcript-rebuilt; emitter-appended) ---
"""Pipeline reference for scband-scatter-impl-2954937499912 (READ-ONLY COPY).

The authoritative reference and input builder live on the scoring server;
editing this copy changes nothing except your own understanding.
"""

import jax, jax.numpy as jnp
import numpy as np

N_EDGES = 320000
D_FEAT = 128
N_NODES = 10000

def setup_inputs(seed: int = 0) -> dict:
    key = jax.random.key(seed)
    k1, k2 = jax.random.split(key)
    src = jax.random.normal(k1, (N_EDGES, D_FEAT), dtype=jnp.float32)
    index = jnp.sort(jax.random.randint(k2, (N_EDGES,), 0, N_NODES, dtype=jnp.int64))
    return {"src": src, "index": index, "dim": 0, "dim_size": N_NODES}

def reference(src, index, dim, dim_size):
    # Faithful translation of ScatterImpl.forward with reduce='sum', out=None:
    # scatter_reduce_(dim=0, index broadcast over trailing dims, src, 'sum', include_self=False)
    # on a zero-initialized output of shape [dim_size, d_feat] == segment-sum along dim 0.
    out = jax.ops.segment_sum(src, index, num_segments=N_NODES)
    zero = (jnp.asarray(dim) * 0 + jnp.asarray(dim_size) * 0).astype(src.dtype)
    return out + zero

if __name__ == "__main__":
    import jax
    _d = setup_inputs()
    print(jax.jit(kernel)(*tuple(_d.values())))

</pallas_src>

<mosaic_0001>
#map = affine_map<(d0, d1) -> (0, 0)>
#map1 = affine_map<(d0, d1) -> (0)>
module attributes {stable_mosaic.version = 14 : i64} {
  func.func @_sc_body(%arg0: i32, %arg1: i32, %arg2: memref<320000x128xf32, #tpu.memory_space<hbm>>, %arg3: memref<320000xi32, #tpu.memory_space<hbm>>, %arg4: memref<10000x128xf32, #tpu.memory_space<hbm>>, %arg5: memref<20000xi32, #tpu.memory_space<vmem>>, %arg6: memref<80x128xf32, #tpu.memory_space<vmem>>, %arg7: memref<80x128xf32, #tpu.memory_space<vmem>>, %arg8: memref<80x128xf32, #tpu.memory_space<vmem>>, %arg9: memref<80x128xf32, #tpu.memory_space<vmem>>, %arg10: memref<80x128xf32, #tpu.memory_space<vmem>>, %arg11: memref<80x128xf32, #tpu.memory_space<vmem>>, %arg12: memref<80xi32, #tpu.memory_space<vmem>>, %arg13: memref<80xi32, #tpu.memory_space<vmem>>, %arg14: memref<80xi32, #tpu.memory_space<vmem>>, %arg15: memref<80xi32, #tpu.memory_space<vmem>>, %arg16: memref<80xi32, #tpu.memory_space<vmem>>, %arg17: memref<80xi32, #tpu.memory_space<vmem>>, %arg18: memref<!tpu.dma_semaphore, #tpu.memory_space<semaphore_mem>>, %arg19: memref<!tpu.dma_semaphore, #tpu.memory_space<semaphore_mem>>, %arg20: memref<!tpu.dma_semaphore, #tpu.memory_space<semaphore_mem>>, %arg21: memref<!tpu.dma_semaphore, #tpu.memory_space<semaphore_mem>>, %arg22: memref<!tpu.dma_semaphore, #tpu.memory_space<semaphore_mem>>, %arg23: memref<!tpu.dma_semaphore, #tpu.memory_space<semaphore_mem>>, %arg24: memref<!tpu.dma_semaphore, #tpu.memory_space<semaphore_mem>>, %arg25: memref<!tpu.dma_semaphore, #tpu.memory_space<semaphore_mem>>, %arg26: memref<!tpu.dma_semaphore, #tpu.memory_space<semaphore_mem>>, %arg27: memref<!tpu.dma_semaphore, #tpu.memory_space<semaphore_mem>>, %arg28: memref<!tpu.dma_semaphore, #tpu.memory_space<semaphore_mem>>, %arg29: memref<!tpu.dma_semaphore, #tpu.memory_space<semaphore_mem>>, %arg30: memref<5008x128xf32, #tpu.memory_space<vmem_shared>>) attributes {dimension_semantics = [#tpu.dimension_semantics<core_parallel>, #tpu.dimension_semantics<subcore_parallel>], iteration_bounds = array<i64: 2, 16>, scalar_prefetch = 0 : i64, scratch_operands = 26 : i64, tpu.core_type = #tpu.core_type<sc_vector_subcore>, window_params = [{transform_indices = #map}, {transform_indices = #map1}, {transform_indices = #map}]} {
    %mul3A = arith.constant 5000 : i32
    %mul3A_0 = arith.muli %arg0, %mul3A : i32
    %add3A = arith.constant 5000 : i32
    %add3A_1 = arith.addi %mul3A_0, %add3A : i32
    %scan3A = arith.constant 0 : i32
    %scan3A_2 = arith.constant 0 : i32
    %scan3A_3 = arith.constant 80 : i32
    %scan3A_4 = arith.addi %scan3A_2, %scan3A_3 : i32
    %scan3A_5 = arith.constant 1 : i32
    scf.for %scan3A_302 = %scan3A_2 to %scan3A_4 step %scan3A_5  : i32 {
      %broadcast_in_dim3A = arith.constant 0.000000e+00 : f32
      %broadcast_in_dim3A_303 = vector.broadcast %broadcast_in_dim3A : f32 to vector<16xf32>
      %swap3A = arith.index_cast %scan3A_302 : i32 to index
      %swap3A_304 = arith.constant 0 : index
      %swap3A_305 = tpu.vector_load %arg11[%swap3A, %swap3A_304] {strides = array<i32>} : memref<80x128xf32, #tpu.memory_space<vmem>>, vector<1x16xf32>,
      %swap3A_306 = vector.shape_cast %swap3A_305 : vector<1x16xf32> to vector<16xf32>
      %swap3A_307 = vector.shape_cast %broadcast_in_dim3A_303 : vector<16xf32> to vector<1x16xf32>
      tpu.vector_store %arg11[%swap3A, %swap3A_304], %swap3A_307 {strides = array<i32>} : memref<80x128xf32, #tpu.memory_space<vmem>>, vector<1x16xf32>,
      %broadcast_in_dim3A_308 = arith.constant 0.000000e+00 : f32
      %broadcast_in_dim3A_309 = vector.broadcast %broadcast_in_dim3A_308 : f32 to vector<16xf32>
      %swap3A_310 = arith.index_cast %scan3A_302 : i32 to index
      %swap3A_311 = arith.constant 16 : index
      %swap3A_312 = tpu.vector_load %arg11[%swap3A_310, %swap3A_311] {strides = array<i32>} : memref<80x128xf32, #tpu.memory_space<vmem>>, vector<1x16xf32>,
      %swap3A_313 = vector.shape_cast %swap3A_312 : vector<1x16xf32> to vector<16xf32>
      %swap3A_314 = vector.shape_cast %broadcast_in_dim3A_309 : vector<16xf32> to vector<1x16xf32>
      tpu.vector_store %arg11[%swap3A_310, %swap3A_311], %swap3A_314 {strides = array<i32>} : memref<80x128xf32, #tpu.memory_space<vmem>>, vector<1x16xf32>,
      %broadcast_in_dim3A_315 = arith.constant 0.000000e+00 : f32
      %broadcast_in_dim3A_316 = vector.broadcast %broadcast_in_dim3A_315 : f32 to vector<16xf32>
      %swap3A_317 = arith.index_cast %scan3A_302 : i32 to index
      %swap3A_318 = arith.constant 32 : index
      %swap3A_319 = tpu.vector_load %arg11[%swap3A_317, %swap3A_318] {strides = array<i32>} : memref<80x128xf32, #tpu.memory_space<vmem>>, vector<1x16xf32>,
      %swap3A_320 = vector.shape_cast %swap3A_319 : vector<1x16xf32> to vector<16xf32>
      %swap3A_321 = vector.shape_cast %broadcast_in_dim3A_316 : vector<16xf32> to vector<1x16xf32>
      tpu.vector_store %arg11[%swap3A_317, %swap3A_318], %swap3A_321 {strides = array<i32>} : memref<80x128xf32, #tpu.memory_space<vmem>>, vector<1x16xf32>,
      %broadcast_in_dim3A_322 = arith.constant 0.000000e+00 : f32
      %broadcast_in_dim3A_323 = vector.broadcast %broadcast_in_dim3A_322 : f32 to vector<16xf32>
      %swap3A_324 = arith.index_cast %scan3A_302 : i32 to index
      %swap3A_325 = arith.constant 48 : index
      %swap3A_326 = tpu.vector_load %arg11[%swap3A_324, %swap3A_325] {strides = array<i32>} : memref<80x128xf32, #tpu.memory_space<vmem>>, vector<1x16xf32>,
      %swap3A_327 = vector.shape_cast %swap3A_326 : vector<1x16xf32> to vector<16xf32>
      %swap3A_328 = vector.shape_cast %broadcast_in_dim3A_323 : vector<16xf32> to vector<1x16xf32>
      tpu.vector_store %arg11[%swap3A_324, %swap3A_325], %swap3A_328 {strides = array<i32>} : memref<80x128xf32, #tpu.memory_space<vmem>>, vector<1x16xf32>,
      %broadcast_in_dim3A_329 = arith.constant 0.000000e+00 : f32
      %broadcast_in_dim3A_330 = vector.broadcast %broadcast_in_dim3A_329 : f32 to vector<16xf32>
      %swap3A_331 = arith.index_cast %scan3A_302 : i32 to index
      %swap3A_332 = arith.constant 64 : index
      %swap3A_333 = tpu.vector_load %arg11[%swap3A_331, %swap3A_332] {strides = array<i32>} : memref<80x128xf32, #tpu.memory_space<vmem>>, vector<1x16xf32>,
      %swap3A_334 = vector.shape_cast %swap3A_333 : vector<1x16xf32> to vector<16xf32>
      %swap3A_335 = vector.shape_cast %broadcast_in_dim3A_330 : vector<16xf32> to vector<1x16xf32>
      tpu.vector_store %arg11[%swap3A_331, %swap3A_332], %swap3A_335 {strides = array<i32>} : memref<80x128xf32, #tpu.memory_space<vmem>>, vector<1x16xf32>,
      %broadcast_in_dim3A_336 = arith.constant 0.000000e+00 : f32
      %broadcast_in_dim3A_337 = vector.broadcast %broadcast_in_dim3A_336 : f32 to vector<16xf32>
      %swap3A_338 = arith.index_cast %scan3A_302 : i32 to index
      %swap3A_339 = arith.constant 80 : index
      %swap3A_340 = tpu.vector_load %arg11[%swap3A_338, %swap3A_339] {strides = array<i32>} : memref<80x128xf32, #tpu.memory_space<vmem>>, vector<1x16xf32>,
      %swap3A_341 = vector.shape_cast %swap3A_340 : vector<1x16xf32> to vector<16xf32>
      %swap3A_342 = vector.shape_cast %broadcast_in_dim3A_337 : vector<16xf32> to vector<1x16xf32>
      tpu.vector_store %arg11[%swap3A_338, %swap3A_339], %swap3A_342 {strides = array<i32>} : memref<80x128xf32, #tpu.memory_space<vmem>>, vector<1x16xf32>,
      %broadcast_in_dim3A_343 = arith.constant 0.000000e+00 : f32
      %broadcast_in_dim3A_344 = vector.broadcast %broadcast_in_dim3A_343 : f32 to vector<16xf32>
      %swap3A_345 = arith.index_cast %scan3A_302 : i32 to index
      %swap3A_346 = arith.constant 96 : index
      %swap3A_347 = tpu.vector_load %arg11[%swap3A_345, %swap3A_346] {strides = array<i32>} : memref<80x128xf32, #tpu.memory_space<vmem>>, vector<1x16xf32>,
      %swap3A_348 = vector.shape_cast %swap3A_347 : vector<1x16xf32> to vector<16xf32>
      %swap3A_349 = vector.shape_cast %broadcast_in_dim3A_344 : vector<16xf32> to vector<1x16xf32>
      tpu.vector_store %arg11[%swap3A_345, %swap3A_346], %swap3A_349 {strides = array<i32>} : memref<80x128xf32, #tpu.memory_space<vmem>>, vector<1x16xf32>,
      %broadcast_in_dim3A_350 = arith.constant 0.000000e+00 : f32
      %broadcast_in_dim3A_351 = vector.broadcast %broadcast_in_dim3A_350 : f32 to vector<16xf32>
      %swap3A_352 = arith.index_cast %scan3A_302 : i32 to index
      %swap3A_353 = arith.constant 112 : index
      %swap3A_354 = tpu.vector_load %arg11[%swap3A_352, %swap3A_353] {strides = array<i32>} : memref<80x128xf32, #tpu.memory_space<vmem>>, vector<1x16xf32>,
      %swap3A_355 = vector.shape_cast %swap3A_354 : vector<1x16xf32> to vector<16xf32>
      %swap3A_356 = vector.shape_cast %broadcast_in_dim3A_351 : vector<16xf32> to vector<1x16xf32>
      tpu.vector_store %arg11[%swap3A_352, %swap3A_353], %swap3A_356 {strides = array<i32>} : memref<80x128xf32, #tpu.memory_space<vmem>>, vector<1x16xf32>,
    }
    %scan3A_6 = arith.constant 80 : i32
    %mul3A_7 = arith.constant 313 : i32
    %mul3A_8 = arith.muli %arg1, %mul3A_7 : i32
    %add3A_9 = arith.constant 0 : i32
    %add3A_10 = arith.addi %mul3A_8, %add3A_9 : i32
    "tpu.region"() ({
      %run_scoped3A = tpu.sem_alloc : memref<!tpu.dma_semaphore, #tpu.memory_space<semaphore_mem>>
      %dma_start3A_302 = arith.constant 0 : i32
      %dma_start3A_303 = tpu.memref_slice %arg30[%add3A_10, %dma_start3A_302] : memref<5008x128xf32, #tpu.memory_space<vmem_shared>> -> memref<80x128xf32, #tpu.memory_space<vmem_shared>>
      %dma_start3A_304 = arith.constant 0 : i32
      %dma_start3A_305 = tpu.memref_slice %arg30[%add3A_10, %dma_start3A_304] : memref<5008x128xf32, #tpu.memory_space<vmem_shared>> -> memref<80x128xf32, #tpu.memory_space<vmem_shared>>
      tpu.enqueue_dma source(%arg11 : memref<80x128xf32, #tpu.memory_space<vmem>>) target(%dma_start3A_305 : memref<80x128xf32, #tpu.memory_space<vmem_shared>>) target_semaphore(%run_scoped3A : memref<!tpu.dma_semaphore, #tpu.memory_space<semaphore_mem>>)
      %dma_wait3A_306 = arith.constant 0 : i32
      %dma_wait3A_307 = tpu.memref_slice %arg30[%add3A_10, %dma_wait3A_306] : memref<5008x128xf32, #tpu.memory_space<vmem_shared>> -> memref<80x128xf32, #tpu.memory_space<vmem_shared>>
      %dma_wait3A_308 = arith.constant 0 : i32
      %dma_wait3A_309 = tpu.memref_slice %arg30[%add3A_10, %dma_wait3A_308] : memref<5008x128xf32, #tpu.memory_space<vmem_shared>> -> memref<80x128xf32, #tpu.memory_space<vmem_shared>>
      tpu.wait_dma2 semaphore(%run_scoped3A : memref<!tpu.dma_semaphore, #tpu.memory_space<semaphore_mem>>) src(%arg11 : memref<80x128xf32, #tpu.memory_space<vmem>>) dst(%dma_wait3A_309 : memref<80x128xf32, #tpu.memory_space<vmem_shared>>)
      tpu.yield
    }) : () -> ()
    %add3A_11 = arith.constant 80 : i32
    %add3A_12 = arith.addi %mul3A_8, %add3A_11 : i32
    "tpu.region"() ({
      %run_scoped3A = tpu.sem_alloc : memref<!tpu.dma_semaphore, #tpu.memory_space<semaphore_mem>>
      %dma_start3A_302 = arith.constant 0 : i32
      %dma_start3A_303 = tpu.memref_slice %arg30[%add3A_12, %dma_start3A_302] : memref<5008x128xf32, #tpu.memory_space<vmem_shared>> -> memref<80x128xf32, #tpu.memory_space<vmem_shared>>
      %dma_start3A_304 = arith.constant 0 : i32
      %dma_start3A_305 = tpu.memref_slice %arg30[%add3A_12, %dma_start3A_304] : memref<5008x128xf32, #tpu.memory_space<vmem_shared>> -> memref<80x128xf32, #tpu.memory_space<vmem_shared>>
      tpu.enqueue_dma source(%arg11 : memref<80x128xf32, #tpu.memory_space<vmem>>) target(%dma_start3A_305 : memref<80x128xf32, #tpu.memory_space<vmem_shared>>) target_semaphore(%run_scoped3A : memref<!tpu.dma_semaphore, #tpu.memory_space<semaphore_mem>>)
      %dma_wait3A_306 = arith.constant 0 : i32
      %dma_wait3A_307 = tpu.memref_slice %arg30[%add3A_12, %dma_wait3A_306] : memref<5008x128xf32, #tpu.memory_space<vmem_shared>> -> memref<80x128xf32, #tpu.memory_space<vmem_shared>>
      %dma_wait3A_308 = arith.constant 0 : i32
      %dma_wait3A_309 = tpu.memref_slice %arg30[%add3A_12, %dma_wait3A_308] : memref<5008x128xf32, #tpu.memory_space<vmem_shared>> -> memref<80x128xf32, #tpu.memory_space<vmem_shared>>
      tpu.wait_dma2 semaphore(%run_scoped3A : memref<!tpu.dma_semaphore, #tpu.memory_space<semaphore_mem>>) src(%arg11 : memref<80x128xf32, #tpu.memory_space<vmem>>) dst(%dma_wait3A_309 : memref<80x128xf32, #tpu.memory_space<vmem_shared>>)
      tpu.yield
    }) : () -> ()
    %add3A_13 = arith.constant 160 : i32
    %add3A_14 = arith.addi %mul3A_8, %add3A_13 : i32
    "tpu.region"() ({
      %run_scoped3A = tpu.sem_alloc : memref<!tpu.dma_semaphore, #tpu.memory_space<semaphore_mem>>
      %dma_start3A_302 = arith.constant 0 : i32
      %dma_start3A_303 = tpu.memref_slice %arg30[%add3A_14, %dma_start3A_302] : memref<5008x128xf32, #tpu.memory_space<vmem_shared>> -> memref<80x128xf32, #tpu.memory_space<vmem_shared>>
      %dma_start3A_304 = arith.constant 0 : i32
      %dma_start3A_305 = tpu.memref_slice %arg30[%add3A_14, %dma_start3A_304] : memref<5008x128xf32, #tpu.memory_space<vmem_shared>> -> memref<80x128xf32, #tpu.memory_space<vmem_shared>>
      tpu.enqueue_dma source(%arg11 : memref<80x128xf32, #tpu.memory_space<vmem>>) target(%dma_start3A_305 : memref<80x128xf32, #tpu.memory_space<vmem_shared>>) target_semaphore(%run_scoped3A : memref<!tpu.dma_semaphore, #tpu.memory_space<semaphore_mem>>)
      %dma_wait3A_306 = arith.constant 0 : i32
      %dma_wait3A_307 = tpu.memref_slice %arg30[%add3A_14, %dma_wait3A_306] : memref<5008x128xf32, #tpu.memory_space<vmem_shared>> -> memref<80x128xf32, #tpu.memory_space<vmem_shared>>
      %dma_wait3A_308 = arith.constant 0 : i32
      %dma_wait3A_309 = tpu.memref_slice %arg30[%add3A_14, %dma_wait3A_308] : memref<5008x128xf32, #tpu.memory_space<vmem_shared>> -> memref<80x128xf32, #tpu.memory_space<vmem_shared>>
      tpu.wait_dma2 semaphore(%run_scoped3A : memref<!tpu.dma_semaphore, #tpu.memory_space<semaphore_mem>>) src(%arg11 : memref<80x128xf32, #tpu.memory_space<vmem>>) dst(%dma_wait3A_309 : memref<80x128xf32, #tpu.memory_space<vmem_shared>>)
      tpu.yield
    }) : () -> ()
    %add3A_15 = arith.constant 233 : i32
    %add3A_16 = arith.addi %mul3A_8, %add3A_15 : i32
    "tpu.region"() ({
      %run_scoped3A = tpu.sem_alloc : memref<!tpu.dma_semaphore, #tpu.memory_space<semaphore_mem>>
      %dma_start3A_302 = arith.constant 0 : i32
      %dma_start3A_303 = tpu.memref_slice %arg30[%add3A_16, %dma_start3A_302] : memref<5008x128xf32, #tpu.memory_space<vmem_shared>> -> memref<80x128xf32, #tpu.memory_space<vmem_shared>>
      %dma_start3A_304 = arith.constant 0 : i32
      %dma_start3A_305 = tpu.memref_slice %arg30[%add3A_16, %dma_start3A_304] : memref<5008x128xf32, #tpu.memory_space<vmem_shared>> -> memref<80x128xf32, #tpu.memory_space<vmem_shared>>
      tpu.enqueue_dma source(%arg11 : memref<80x128xf32, #tpu.memory_space<vmem>>) target(%dma_start3A_305 : memref<80x128xf32, #tpu.memory_space<vmem_shared>>) target_semaphore(%run_scoped3A : memref<!tpu.dma_semaphore, #tpu.memory_space<semaphore_mem>>)
      %dma_wait3A_306 = arith.constant 0 : i32
      %dma_wait3A_307 = tpu.memref_slice %arg30[%add3A_16, %dma_wait3A_306] : memref<5008x128xf32, #tpu.memory_space<vmem_shared>> -> memref<80x128xf32, #tpu.memory_space<vmem_shared>>
      %dma_wait3A_308 = arith.constant 0 : i32
      %dma_wait3A_309 = tpu.memref_slice %arg30[%add3A_16, %dma_wait3A_308] : memref<5008x128xf32, #tpu.memory_space<vmem_shared>> -> memref<80x128xf32, #tpu.memory_space<vmem_shared>>
      tpu.wait_dma2 semaphore(%run_scoped3A : memref<!tpu.dma_semaphore, #tpu.memory_space<semaphore_mem>>) src(%arg11 : memref<80x128xf32, #tpu.memory_space<vmem>>) dst(%dma_wait3A_309 : memref<80x128xf32, #tpu.memory_space<vmem_shared>>)
      tpu.yield
    }) : () -> ()
    %mul3A_17 = arith.constant 20000 : i32
    %mul3A_18 = arith.muli %arg1, %mul3A_17 : i32
    "tpu.region"() ({
      %run_scoped3A = tpu.sem_alloc : memref<!tpu.dma_semaphore, #tpu.memory_space<semaphore_mem>>
      %dma_start3A_302 = tpu.memref_slice %arg3[%mul3A_18] : memref<320000xi32, #tpu.memory_space<hbm>> -> memref<20000xi32, #tpu.memory_space<hbm>>
      %dma_start3A_303 = tpu.memref_slice %arg3[%mul3A_18] : memref<320000xi32, #tpu.memory_space<hbm>> -> memref<20000xi32, #tpu.memory_space<hbm>>
      tpu.enqueue_dma source(%dma_start3A_303 : memref<20000xi32, #tpu.memory_space<hbm>>) target(%arg5 : memref<20000xi32, #tpu.memory_space<vmem>>) target_semaphore(%run_scoped3A : memref<!tpu.dma_semaphore, #tpu.memory_space<semaphore_mem>>)
      %dma_wait3A_304 = tpu.memref_slice %arg3[%mul3A_18] : memref<320000xi32, #tpu.memory_space<hbm>> -> memref<20000xi32, #tpu.memory_space<hbm>>
      %dma_wait3A_305 = tpu.memref_slice %arg3[%mul3A_18] : memref<320000xi32, #tpu.memory_space<hbm>> -> memref<20000xi32, #tpu.memory_space<hbm>>
      tpu.wait_dma2 semaphore(%run_scoped3A : memref<!tpu.dma_semaphore, #tpu.memory_space<semaphore_mem>>) src(%dma_wait3A_305 : memref<20000xi32, #tpu.memory_space<hbm>>) dst(%arg5 : memref<20000xi32, #tpu.memory_space<vmem>>)
      tpu.yield
    }) : () -> ()
    %barrier3A = arith.constant 0 : index
    tpu.barrier barrier_id(%barrier3A)
    %scan3A_19 = arith.constant 0 : i32
    %scan3A_20 = arith.constant 250 : i32
    %scan3A_21 = arith.constant 0 : i32
    %scan3A_22 = arith.constant 8 : i32
    %scan3A_23 = arith.addi %scan3A_21, %scan3A_22 : i32
    %scan3A_24 = arith.constant 1 : i32
    %scan3A_25:2 = scf.for %scan3A_302 = %scan3A_21 to %scan3A_23 step %scan3A_24 iter_args(%scan3A_303 = %scan3A_19, %scan3A_304 = %scan3A_20) -> (i32, i32)  : i32 {
      %add3A_305 = arith.addi %scan3A_303, %scan3A_304 : i32
      %jit3A_306 = arith.constant 2 : i32
      %div3A_307 = arith.divsi %add3A_305, %jit3A_306 : i32
      %sign3A_308 = arith.constant 0 : i32
      %sign3A_309 = arith.cmpi sgt, %add3A_305, %sign3A_308 : i32
      %sign3A_310 = arith.extui %sign3A_309 : i1 to i32
      %sign3A_311 = arith.constant 0 : i32
      %sign3A_312 = arith.cmpi slt, %add3A_305, %sign3A_311 : i32
      %sign3A_313 = arith.extui %sign3A_312 : i1 to i32
      %sign3A_314 = arith.subi %sign3A_310, %sign3A_313 : i32
      %sign3A_315 = arith.constant 0 : i32
      %sign3A_316 = arith.cmpi sgt, %jit3A_306, %sign3A_315 : i32
      %sign3A_317 = arith.extui %sign3A_316 : i1 to i32
      %sign3A_318 = arith.constant 0 : i32
      %sign3A_319 = arith.cmpi slt, %jit3A_306, %sign3A_318 : i32
      %sign3A_320 = arith.extui %sign3A_319 : i1 to i32
      %sign3A_321 = arith.subi %sign3A_317, %sign3A_320 : i32
      %ne3A_322 = arith.cmpi ne, %sign3A_314, %sign3A_321 : i32
      %rem3A_323 = arith.remsi %add3A_305, %jit3A_306 : i32
      %ne3A_324 = arith.constant 0 : i32
      %ne3A_325 = arith.cmpi ne, %rem3A_323, %ne3A_324 : i32
      %and3A_326 = arith.andi %ne3A_322, %ne3A_325 : i1
      %sub3A_327 = arith.constant 1 : i32
      %sub3A_328 = arith.subi %div3A_307, %sub3A_327 : i32
      %select_n3A_329 = arith.select %and3A_326, %sub3A_328, %div3A_307 : i32
      %mul3A_330 = arith.constant 80 : i32
      %mul3A_331 = arith.muli %select_n3A_329, %mul3A_330 : i32
      %add3A_332 = arith.constant 80 : i32
      %add3A_333 = arith.addi %mul3A_331, %add3A_332 : i32
      %sub3A_334 = arith.constant 16 : i32
      %sub3A_335 = arith.subi %add3A_333, %sub3A_334 : i32
      %get3A = arith.index_cast %sub3A_335 : i32 to index
      %get3A_336 = tpu.vector_load %arg5[%get3A] {strides = array<i32>} : memref<20000xi32, #tpu.memory_space<vmem>>, vector<16xi32>,
      %get3A_337 = vector.shape_cast %get3A_336 : vector<16xi32> to vector<16xi32>
      %slice3A = vector.extract_strided_slice %get3A_337 {offsets = [15], sizes = [1], strides = [1]} : vector<16xi32> to vector<1xi32>
      %squeeze3A = vector.extract %slice3A[0] : i32 from vector<1xi32>
      %ge3A_338 = arith.cmpi sge, %squeeze3A, %mul3A_0 : i32
      %select_n3A_339 = arith.select %ge3A_338, %select_n3A_329, %scan3A_304 : i32
      %add3A_340 = arith.constant 1 : i32
      %add3A_341 = arith.addi %select_n3A_329, %add3A_340 : i32
      %select_n3A_342 = arith.select %ge3A_338, %scan3A_303, %add3A_341 : i32
      %ge3A_343 = arith.cmpi sge, %scan3A_303, %scan3A_304 : i32
      %select_n3A_344 = arith.select %ge3A_343, %scan3A_303, %select_n3A_342 : i32
      %select_n3A_345 = arith.select %ge3A_343, %scan3A_304, %select_n3A_339 : i32
      scf.yield %select_n3A_344, %select_n3A_345 : i32, i32
    }
    %scan3A_26 = arith.constant 8 : i32
    %scan3A_27 = arith.constant 0 : i32
    %scan3A_28 = arith.constant 250 : i32
    %scan3A_29 = arith.constant 0 : i32
    %scan3A_30 = arith.constant 8 : i32
    %scan3A_31 = arith.addi %scan3A_29, %scan3A_30 : i32
    %scan3A_32 = arith.constant 1 : i32
    %scan3A_33:2 = scf.for %scan3A_302 = %scan3A_29 to %scan3A_31 step %scan3A_32 iter_args(%scan3A_303 = %scan3A_27, %scan3A_304 = %scan3A_28) -> (i32, i32)  : i32 {
      %add3A_305 = arith.addi %scan3A_303, %scan3A_304 : i32
      %jit3A_306 = arith.constant 2 : i32
      %div3A_307 = arith.divsi %add3A_305, %jit3A_306 : i32
      %sign3A_308 = arith.constant 0 : i32
      %sign3A_309 = arith.cmpi sgt, %add3A_305, %sign3A_308 : i32
      %sign3A_310 = arith.extui %sign3A_309 : i1 to i32
      %sign3A_311 = arith.constant 0 : i32
      %sign3A_312 = arith.cmpi slt, %add3A_305, %sign3A_311 : i32
      %sign3A_313 = arith.extui %sign3A_312 : i1 to i32
      %sign3A_314 = arith.subi %sign3A_310, %sign3A_313 : i32
      %sign3A_315 = arith.constant 0 : i32
      %sign3A_316 = arith.cmpi sgt, %jit3A_306, %sign3A_315 : i32
      %sign3A_317 = arith.extui %sign3A_316 : i1 to i32
      %sign3A_318 = arith.constant 0 : i32
      %sign3A_319 = arith.cmpi slt, %jit3A_306, %sign3A_318 : i32
      %sign3A_320 = arith.extui %sign3A_319 : i1 to i32
      %sign3A_321 = arith.subi %sign3A_317, %sign3A_320 : i32
      %ne3A_322 = arith.cmpi ne, %sign3A_314, %sign3A_321 : i32
      %rem3A_323 = arith.remsi %add3A_305, %jit3A_306 : i32
      %ne3A_324 = arith.constant 0 : i32
      %ne3A_325 = arith.cmpi ne, %rem3A_323, %ne3A_324 : i32
      %and3A_326 = arith.andi %ne3A_322, %ne3A_325 : i1
      %sub3A_327 = arith.constant 1 : i32
      %sub3A_328 = arith.subi %div3A_307, %sub3A_327 : i32
      %select_n3A_329 = arith.select %and3A_326, %sub3A_328, %div3A_307 : i32
      %mul3A_330 = arith.constant 80 : i32
      %mul3A_331 = arith.muli %select_n3A_329, %mul3A_330 : i32
      %get3A = arith.index_cast %mul3A_331 : i32 to index
      %get3A_332 = tpu.vector_load %arg5[%get3A] {strides = array<i32>} : memref<20000xi32, #tpu.memory_space<vmem>>, vector<16xi32>,
      %get3A_333 = vector.shape_cast %get3A_332 : vector<16xi32> to vector<16xi32>
      %slice3A = vector.extract_strided_slice %get3A_333 {offsets = [0], sizes = [1], strides = [1]} : vector<16xi32> to vector<1xi32>
      %squeeze3A = vector.extract %slice3A[0] : i32 from vector<1xi32>
      %ge3A_334 = arith.cmpi sge, %squeeze3A, %add3A_1 : i32
      %select_n3A_335 = arith.select %ge3A_334, %select_n3A_329, %scan3A_304 : i32
      %add3A_336 = arith.constant 1 : i32
      %add3A_337 = arith.addi %select_n3A_329, %add3A_336 : i32
      %select_n3A_338 = arith.select %ge3A_334, %scan3A_303, %add3A_337 : i32
      %ge3A_339 = arith.cmpi sge, %scan3A_303, %scan3A_304 : i32
      %select_n3A_340 = arith.select %ge3A_339, %scan3A_303, %select_n3A_338 : i32
      %select_n3A_341 = arith.select %ge3A_339, %scan3A_304, %select_n3A_335 : i32
      scf.yield %select_n3A_340, %select_n3A_341 : i32, i32
    }
    %scan3A_34 = arith.constant 8 : i32
    %mul3A_35 = arith.constant 20000 : i32
    %mul3A_36 = arith.muli %arg1, %mul3A_35 : i32
    %add3A_37 = arith.constant 0 : i32
    %add3A_38 = arith.addi %scan3A_25#0, %add3A_37 : i32
    %lt3A = arith.cmpi slt, %add3A_38, %scan3A_33#0 : i32
    %convert_element_type3A = arith.extui %lt3A : i1 to i32
    %cond3A = arith.constant 0 : i32
    %cond3A_39 = arith.cmpi ne, %convert_element_type3A, %cond3A : i32
    scf.if %cond3A_39 {
      %add3A_302 = arith.constant 0 : i32
      %add3A_303 = arith.addi %scan3A_25#0, %add3A_302 : i32
      %mul3A_304 = arith.constant 80 : i32
      %mul3A_305 = arith.muli %add3A_303, %mul3A_304 : i32
      %add3A_306 = arith.addi %mul3A_36, %mul3A_305 : i32
      %dma_start3A_307 = arith.constant 0 : i32
      %dma_start3A_308 = tpu.memref_slice %arg2[%add3A_306, %dma_start3A_307] : memref<320000x128xf32, #tpu.memory_space<hbm>> -> memref<80x128xf32, #tpu.memory_space<hbm>>
      %dma_start3A_309 = arith.constant 0 : i32
      %dma_start3A_310 = tpu.memref_slice %arg2[%add3A_306, %dma_start3A_309] : memref<320000x128xf32, #tpu.memory_space<hbm>> -> memref<80x128xf32, #tpu.memory_space<hbm>>
      tpu.enqueue_dma source(%dma_start3A_310 : memref<80x128xf32, #tpu.memory_space<hbm>>) target(%arg6 : memref<80x128xf32, #tpu.memory_space<vmem>>) target_semaphore(%arg18 : memref<!tpu.dma_semaphore, #tpu.memory_space<semaphore_mem>>)
    } else {
    }
    %add3A_40 = arith.constant 1 : i32
    %add3A_41 = arith.addi %scan3A_25#0, %add3A_40 : i32
    %lt3A_42 = arith.cmpi slt, %add3A_41, %scan3A_33#0 : i32
    %convert_element_type3A_43 = arith.extui %lt3A_42 : i1 to i32
    %cond3A_44 = arith.constant 0 : i32
    %cond3A_45 = arith.cmpi ne, %convert_element_type3A_43, %cond3A_44 : i32
    scf.if %cond3A_45 {
      %add3A_302 = arith.constant 1 : i32
      %add3A_303 = arith.addi %scan3A_25#0, %add3A_302 : i32
      %mul3A_304 = arith.constant 80 : i32
      %mul3A_305 = arith.muli %add3A_303, %mul3A_304 : i32
      %add3A_306 = arith.addi %mul3A_36, %mul3A_305 : i32
      %dma_start3A_307 = arith.constant 0 : i32
      %dma_start3A_308 = tpu.memref_slice %arg2[%add3A_306, %dma_start3A_307] : memref<320000x128xf32, #tpu.memory_space<hbm>> -> memref<80x128xf32, #tpu.memory_space<hbm>>
      %dma_start3A_309 = arith.constant 0 : i32
      %dma_start3A_310 = tpu.memref_slice %arg2[%add3A_306, %dma_start3A_309] : memref<320000x128xf32, #tpu.memory_space<hbm>> -> memref<80x128xf32, #tpu.memory_space<hbm>>
      tpu.enqueue_dma source(%dma_start3A_310 : memref<80x128xf32, #tpu.memory_space<hbm>>) target(%arg7 : memref<80x128xf32, #tpu.memory_space<vmem>>) target_semaphore(%arg19 : memref<!tpu.dma_semaphore, #tpu.memory_space<semaphore_mem>>)
    } else {
    }
    %add3A_46 = arith.constant 2 : i32
    %add3A_47 = arith.addi %scan3A_25#0, %add3A_46 : i32
    %lt3A_48 = arith.cmpi slt, %add3A_47, %scan3A_33#0 : i32
    %convert_element_type3A_49 = arith.extui %lt3A_48 : i1 to i32
    %cond3A_50 = arith.constant 0 : i32
    %cond3A_51 = arith.cmpi ne, %convert_element_type3A_49, %cond3A_50 : i32
    scf.if %cond3A_51 {
      %add3A_302 = arith.constant 2 : i32
      %add3A_303 = arith.addi %scan3A_25#0, %add3A_302 : i32
      %mul3A_304 = arith.constant 80 : i32
      %mul3A_305 = arith.muli %add3A_303, %mul3A_304 : i32
      %add3A_306 = arith.addi %mul3A_36, %mul3A_305 : i32
      %dma_start3A_307 = arith.constant 0 : i32
      %dma_start3A_308 = tpu.memref_slice %arg2[%add3A_306, %dma_start3A_307] : memref<320000x128xf32, #tpu.memory_space<hbm>> -> memref<80x128xf32, #tpu.memory_space<hbm>>
      %dma_start3A_309 = arith.constant 0 : i32
      %dma_start3A_310 = tpu.memref_slice %arg2[%add3A_306, %dma_start3A_309] : memref<320000x128xf32, #tpu.memory_space<hbm>> -> memref<80x128xf32, #tpu.memory_space<hbm>>
      tpu.enqueue_dma source(%dma_start3A_310 : memref<80x128xf32, #tpu.memory_space<hbm>>) target(%arg8 : memref<80x128xf32, #tpu.memory_space<vmem>>) target_semaphore(%arg20 : memref<!tpu.dma_semaphore, #tpu.memory_space<semaphore_mem>>)
    } else {
    }
    %add3A_52 = arith.constant 3 : i32
    %add3A_53 = arith.addi %scan3A_25#0, %add3A_52 : i32
    %lt3A_54 = arith.cmpi slt, %add3A_53, %scan3A_33#0 : i32
    %convert_element_type3A_55 = arith.extui %lt3A_54 : i1 to i32
    %cond3A_56 = arith.constant 0 : i32
    %cond3A_57 = arith.cmpi ne, %convert_element_type3A_55, %cond3A_56 : i32
    scf.if %cond3A_57 {
      %add3A_302 = arith.constant 3 : i32
      %add3A_303 = arith.addi %scan3A_25#0, %add3A_302 : i32
      %mul3A_304 = arith.constant 80 : i32
      %mul3A_305 = arith.muli %add3A_303, %mul3A_304 : i32
      %add3A_306 = arith.addi %mul3A_36, %mul3A_305 : i32
      %dma_start3A_307 = arith.constant 0 : i32
      %dma_start3A_308 = tpu.memref_slice %arg2[%add3A_306, %dma_start3A_307] : memref<320000x128xf32, #tpu.memory_space<hbm>> -> memref<80x128xf32, #tpu.memory_space<hbm>>
      %dma_start3A_309 = arith.constant 0 : i32
      %dma_start3A_310 = tpu.memref_slice %arg2[%add3A_306, %dma_start3A_309] : memref<320000x128xf32, #tpu.memory_space<hbm>> -> memref<80x128xf32, #tpu.memory_space<hbm>>
      tpu.enqueue_dma source(%dma_start3A_310 : memref<80x128xf32, #tpu.memory_space<hbm>>) target(%arg9 : memref<80x128xf32, #tpu.memory_space<vmem>>) target_semaphore(%arg21 : memref<!tpu.dma_semaphore, #tpu.memory_space<semaphore_mem>>)
    } else {
    }
    %sub3A = arith.subi %scan3A_33#0, %scan3A_25#0 : i32
    %add3A_58 = arith.constant 6 : i32
    %add3A_59 = arith.addi %sub3A, %add3A_58 : i32
    %sub3A_60 = arith.constant 1 : i32
    %sub3A_61 = arith.subi %add3A_59, %sub3A_60 : i32
    %jit3A = arith.constant 6 : i32
    %div3A = arith.divsi %sub3A_61, %jit3A : i32
    %sign3A = arith.constant 0 : i32
    %sign3A_62 = arith.cmpi sgt, %sub3A_61, %sign3A : i32
    %sign3A_63 = arith.extui %sign3A_62 : i1 to i32
    %sign3A_64 = arith.constant 0 : i32
    %sign3A_65 = arith.cmpi slt, %sub3A_61, %sign3A_64 : i32
    %sign3A_66 = arith.extui %sign3A_65 : i1 to i32
    %sign3A_67 = arith.subi %sign3A_63, %sign3A_66 : i32
    %sign3A_68 = arith.constant 0 : i32
    %sign3A_69 = arith.cmpi sgt, %jit3A, %sign3A_68 : i32
    %sign3A_70 = arith.extui %sign3A_69 : i1 to i32
    %sign3A_71 = arith.constant 0 : i32
    %sign3A_72 = arith.cmpi slt, %jit3A, %sign3A_71 : i32
    %sign3A_73 = arith.extui %sign3A_72 : i1 to i32
    %sign3A_74 = arith.subi %sign3A_70, %sign3A_73 : i32
    %ne3A = arith.cmpi ne, %sign3A_67, %sign3A_74 : i32
    %rem3A = arith.remsi %sub3A_61, %jit3A : i32
    %ne3A_75 = arith.constant 0 : i32
    %ne3A_76 = arith.cmpi ne, %rem3A, %ne3A_75 : i32
    %and3A = arith.andi %ne3A, %ne3A_76 : i1
    %sub3A_77 = arith.constant 1 : i32
    %sub3A_78 = arith.subi %div3A, %sub3A_77 : i32
    %select_n3A = arith.select %and3A, %sub3A_78, %div3A : i32
    %while3A = arith.constant 0 : i32
    %while3A_79 = arith.constant 0 : i32
    %while3A_80 = arith.subi %select_n3A, %while3A_79 : i32
    %while3A_81 = arith.addi %while3A_79, %while3A_80 : i32
    %while3A_82 = arith.constant 1 : i32
    %while3A_83 = arith.divsi %while3A_80, %while3A_82 : i32
    %while3A_84 = arith.muli %while3A_83, %while3A_82 : i32
    %while3A_85 = arith.addi %while3A_79, %while3A_84 : i32
    %while3A_86 = arith.constant 1 : i32
    scf.for %while3A_302 = %while3A_79 to %while3A_85 step %while3A_86  : i32 {
      %mul3A_303 = arith.constant 6 : i32
      %mul3A_304 = arith.muli %while3A_302, %mul3A_303 : i32
      %add3A_305 = arith.addi %scan3A_25#0, %mul3A_304 : i32
      %add3A_306 = arith.constant 0 : i32
      %add3A_307 = arith.addi %add3A_305, %add3A_306 : i32
      %lt3A_308 = arith.cmpi slt, %add3A_307, %scan3A_33#0 : i32
      %convert_element_type3A_309 = arith.extui %lt3A_308 : i1 to i32
      %cond3A_310 = arith.constant 0 : i32
      %cond3A_311 = arith.cmpi ne, %convert_element_type3A_309, %cond3A_310 : i32
      scf.if %cond3A_311 {
        %mul3A_342 = arith.constant 80 : i32
        %mul3A_343 = arith.muli %add3A_307, %mul3A_342 : i32
        %add3A_344 = arith.addi %mul3A_36, %mul3A_343 : i32
        %dma_wait3A_345 = arith.constant 0 : i32
        %dma_wait3A_346 = tpu.memref_slice %arg2[%add3A_344, %dma_wait3A_345] : memref<320000x128xf32, #tpu.memory_space<hbm>> -> memref<80x128xf32, #tpu.memory_space<hbm>>
        %dma_wait3A_347 = arith.constant 0 : i32
        %dma_wait3A_348 = tpu.memref_slice %arg2[%add3A_344, %dma_wait3A_347] : memref<320000x128xf32, #tpu.memory_space<hbm>> -> memref<80x128xf32, #tpu.memory_space<hbm>>
        tpu.wait_dma2 semaphore(%arg18 : memref<!tpu.dma_semaphore, #tpu.memory_space<semaphore_mem>>) src(%dma_wait3A_348 : memref<80x128xf32, #tpu.memory_space<hbm>>) dst(%arg6 : memref<80x128xf32, #tpu.memory_space<vmem>>)
        %mul3A_349 = arith.constant 80 : i32
        %mul3A_350 = arith.muli %add3A_307, %mul3A_349 : i32
        %add3A_351 = arith.constant 0 : i32
        %add3A_352 = arith.addi %mul3A_350, %add3A_351 : i32
        %get3A = arith.index_cast %add3A_352 : i32 to index
        %get3A_353 = tpu.vector_load %arg5[%get3A] {strides = array<i32>} : memref<20000xi32, #tpu.memory_space<vmem>>, vector<16xi32>,
        %get3A_354 = vector.shape_cast %get3A_353 : vector<16xi32> to vector<16xi32>
        %ge3A_355 = vector.broadcast %mul3A_0 : i32 to vector<16xi32>
        %ge3A_356 = arith.cmpi sge, %get3A_354, %ge3A_355 : vector<16xi32>
        %lt3A_357 = vector.broadcast %add3A_1 : i32 to vector<16xi32>
        %lt3A_358 = arith.cmpi slt, %get3A_354, %lt3A_357 : vector<16xi32>
        %and3A_359 = arith.andi %ge3A_356, %lt3A_358 : vector<16xi1>
        %sub3A_360 = vector.broadcast %mul3A_0 : i32 to vector<16xi32>
        %sub3A_361 = arith.subi %get3A_354, %sub3A_360 : vector<16xi32>
        %jit3A_362 = arith.constant 5000 : i32
        %broadcast_in_dim3A = vector.broadcast %jit3A_362 : i32 to vector<16xi32>
        %select_n3A_363 = arith.select %and3A_359, %sub3A_361, %broadcast_in_dim3A : vector<16xi1>, vector<16xi32>
        %swap3A = arith.constant 0 : index
        %swap3A_364 = tpu.vector_load %arg12[%swap3A] {strides = array<i32>} : memref<80xi32, #tpu.memory_space<vmem>>, vector<16xi32>,
        %swap3A_365 = vector.shape_cast %swap3A_364 : vector<16xi32> to vector<16xi32>
        %swap3A_366 = vector.shape_cast %select_n3A_363 : vector<16xi32> to vector<16xi32>
        tpu.vector_store %arg12[%swap3A], %swap3A_366 {strides = array<i32>} : memref<80xi32, #tpu.memory_space<vmem>>, vector<16xi32>,
        %mul3A_367 = arith.constant 80 : i32
        %mul3A_368 = arith.muli %add3A_307, %mul3A_367 : i32
        %add3A_369 = arith.constant 16 : i32
        %add3A_370 = arith.addi %mul3A_368, %add3A_369 : i32
        %get3A_371 = arith.index_cast %add3A_370 : i32 to index
        %get3A_372 = tpu.vector_load %arg5[%get3A_371] {strides = array<i32>} : memref<20000xi32, #tpu.memory_space<vmem>>, vector<16xi32>,
        %get3A_373 = vector.shape_cast %get3A_372 : vector<16xi32> to vector<16xi32>
        %ge3A_374 = vector.broadcast %mul3A_0 : i32 to vector<16xi32>
        %ge3A_375 = arith.cmpi sge, %get3A_373, %ge3A_374 : vector<16xi32>
        %lt3A_376 = vector.broadcast %add3A_1 : i32 to vector<16xi32>
        %lt3A_377 = arith.cmpi slt, %get3A_373, %lt3A_376 : vector<16xi32>
        %and3A_378 = arith.andi %ge3A_375, %lt3A_377 : vector<16xi1>
        %sub3A_379 = vector.broadcast %mul3A_0 : i32 to vector<16xi32>
        %sub3A_380 = arith.subi %get3A_373, %sub3A_379 : vector<16xi32>
        %jit3A_381 = arith.constant 5000 : i32
        %broadcast_in_dim3A_382 = vector.broadcast %jit3A_381 : i32 to vector<16xi32>
        %select_n3A_383 = arith.select %and3A_378, %sub3A_380, %broadcast_in_dim3A_382 : vector<16xi1>, vector<16xi32>
        %swap3A_384 = arith.constant 16 : index
        %swap3A_385 = tpu.vector_load %arg12[%swap3A_384] {strides = array<i32>} : memref<80xi32, #tpu.memory_space<vmem>>, vector<16xi32>,
        %swap3A_386 = vector.shape_cast %swap3A_385 : vector<16xi32> to vector<16xi32>
        %swap3A_387 = vector.shape_cast %select_n3A_383 : vector<16xi32> to vector<16xi32>
        tpu.vector_store %arg12[%swap3A_384], %swap3A_387 {strides = array<i32>} : memref<80xi32, #tpu.memory_space<vmem>>, vector<16xi32>,
        %mul3A_388 = arith.constant 80 : i32
        %mul3A_389 = arith.muli %add3A_307, %mul3A_388 : i32
        %add3A_390 = arith.constant 32 : i32
        %add3A_391 = arith.addi %mul3A_389, %add3A_390 : i32
        %get3A_392 = arith.index_cast %add3A_391 : i32 to index
        %get3A_393 = tpu.vector_load %arg5[%get3A_392] {strides = array<i32>} : memref<20000xi32, #tpu.memory_space<vmem>>, vector<16xi32>,
        %get3A_394 = vector.shape_cast %get3A_393 : vector<16xi32> to vector<16xi32>
        %ge3A_395 = vector.broadcast %mul3A_0 : i32 to vector<16xi32>
        %ge3A_396 = arith.cmpi sge, %get3A_394, %ge3A_395 : vector<16xi32>
        %lt3A_397 = vector.broadcast %add3A_1 : i32 to vector<16xi32>
        %lt3A_398 = arith.cmpi slt, %get3A_394, %lt3A_397 : vector<16xi32>
        %and3A_399 = arith.andi %ge3A_396, %lt3A_398 : vector<16xi1>
        %sub3A_400 = vector.broadcast %mul3A_0 : i32 to vector<16xi32>
        %sub3A_401 = arith.subi %get3A_394, %sub3A_400 : vector<16xi32>
        %jit3A_402 = arith.constant 5000 : i32
        %broadcast_in_dim3A_403 = vector.broadcast %jit3A_402 : i32 to vector<16xi32>
        %select_n3A_404 = arith.select %and3A_399, %sub3A_401, %broadcast_in_dim3A_403 : vector<16xi1>, vector<16xi32>
        %swap3A_405 = arith.constant 32 : index
        %swap3A_406 = tpu.vector_load %arg12[%swap3A_405] {strides = array<i32>} : memref<80xi32, #tpu.memory_space<vmem>>, vector<16xi32>,
        %swap3A_407 = vector.shape_cast %swap3A_406 : vector<16xi32> to vector<16xi32>
        %swap3A_408 = vector.shape_cast %select_n3A_404 : vector<16xi32> to vector<16xi32>
        tpu.vector_store %arg12[%swap3A_405], %swap3A_408 {strides = array<i32>} : memref<80xi32, #tpu.memory_space<vmem>>, vector<16xi32>,
        %mul3A_409 = arith.constant 80 : i32
        %mul3A_410 = arith.muli %add3A_307, %mul3A_409 : i32
        %add3A_411 = arith.constant 48 : i32
        %add3A_412 = arith.addi %mul3A_410, %add3A_411 : i32
        %get3A_413 = arith.index_cast %add3A_412 : i32 to index
        %get3A_414 = tpu.vector_load %arg5[%get3A_413] {strides = array<i32>} : memref<20000xi32, #tpu.memory_space<vmem>>, vector<16xi32>,
        %get3A_415 = vector.shape_cast %get3A_414 : vector<16xi32> to vector<16xi32>
        %ge3A_416 = vector.broadcast %mul3A_0 : i32 to vector<16xi32>
        %ge3A_417 = arith.cmpi sge, %get3A_415, %ge3A_416 : vector<16xi32>
        %lt3A_418 = vector.broadcast %add3A_1 : i32 to vector<16xi32>
        %lt3A_419 = arith.cmpi slt, %get3A_415, %lt3A_418 : vector<16xi32>
        %and3A_420 = arith.andi %ge3A_417, %lt3A_419 : vector<16xi1>
        %sub3A_421 = vector.broadcast %mul3A_0 : i32 to vector<16xi32>
        %sub3A_422 = arith.subi %get3A_415, %sub3A_421 : vector<16xi32>
        %jit3A_423 = arith.constant 5000 : i32
        %broadcast_in_dim3A_424 = vector.broadcast %jit3A_423 : i32 to vector<16xi32>
        %select_n3A_425 = arith.select %and3A_420, %sub3A_422, %broadcast_in_dim3A_424 : vector<16xi1>, vector<16xi32>
        %swap3A_426 = arith.constant 48 : index
        %swap3A_427 = tpu.vector_load %arg12[%swap3A_426] {strides = array<i32>} : memref<80xi32, #tpu.memory_space<vmem>>, vector<16xi32>,
        %swap3A_428 = vector.shape_cast %swap3A_427 : vector<16xi32> to vector<16xi32>
        %swap3A_429 = vector.shape_cast %select_n3A_425 : vector<16xi32> to vector<16xi32>
        tpu.vector_store %arg12[%swap3A_426], %swap3A_429 {strides = array<i32>} : memref<80xi32, #tpu.memory_space<vmem>>, vector<16xi32>,
        %mul3A_430 = arith.constant 80 : i32
        %mul3A_431 = arith.muli %add3A_307, %mul3A_430 : i32
        %add3A_432 = arith.constant 64 : i32
        %add3A_433 = arith.addi %mul3A_431, %add3A_432 : i32
        %get3A_434 = arith.index_cast %add3A_433 : i32 to index
        %get3A_435 = tpu.vector_load %arg5[%get3A_434] {strides = array<i32>} : memref<20000xi32, #tpu.memory_space<vmem>>, vector<16xi32>,
        %get3A_436 = vector.shape_cast %get3A_435 : vector<16xi32> to vector<16xi32>
        %ge3A_437 = vector.broadcast %mul3A_0 : i32 to vector<16xi32>
        %ge3A_438 = arith.cmpi sge, %get3A_436, %ge3A_437 : vector<16xi32>
        %lt3A_439 = vector.broadcast %add3A_1 : i32 to vector<16xi32>
        %lt3A_440 = arith.cmpi slt, %get3A_436, %lt3A_439 : vector<16xi32>
        %and3A_441 = arith.andi %ge3A_438, %lt3A_440 : vector<16xi1>
        %sub3A_442 = vector.broadcast %mul3A_0 : i32 to vector<16xi32>
        %sub3A_443 = arith.subi %get3A_436, %sub3A_442 : vector<16xi32>
        %jit3A_444 = arith.constant 5000 : i32
        %broadcast_in_dim3A_445 = vector.broadcast %jit3A_444 : i32 to vector<16xi32>
        %select_n3A_446 = arith.select %and3A_441, %sub3A_443, %broadcast_in_dim3A_445 : vector<16xi1>, vector<16xi32>
        %swap3A_447 = arith.constant 64 : index
        %swap3A_448 = tpu.vector_load %arg12[%swap3A_447] {strides = array<i32>} : memref<80xi32, #tpu.memory_space<vmem>>, vector<16xi32>,
        %swap3A_449 = vector.shape_cast %swap3A_448 : vector<16xi32> to vector<16xi32>
        %swap3A_450 = vector.shape_cast %select_n3A_446 : vector<16xi32> to vector<16xi32>
        tpu.vector_store %arg12[%swap3A_447], %swap3A_450 {strides = array<i32>} : memref<80xi32, #tpu.memory_space<vmem>>, vector<16xi32>,
        %dma_start3A_451 = arith.constant 0 : i32
        %dma_start3A_452 = arith.constant 0 : i32
        %dma_start3A_453 = tpu.memref_slice %arg30[%dma_start3A_451, %dma_start3A_452] : memref<5008x128xf32, #tpu.memory_space<vmem_shared>> -> memref<5008x128xf32, #tpu.memory_space<vmem_shared>>
        tpu.enqueue_indirect_dma source(%arg6 : memref<80x128xf32, #tpu.memory_space<vmem>>) target(%dma_start3A_453 : memref<5008x128xf32, #tpu.memory_space<vmem_shared>>) offsets(%arg12 : memref<80xi32, #tpu.memory_space<vmem>>) semaphore(%arg24 : memref<!tpu.dma_semaphore, #tpu.memory_space<semaphore_mem>>) {add = true}
        %sub3A_454 = arith.constant 1 : i32
        %sub3A_455 = arith.subi %add3A_307, %sub3A_454 : i32
        %ge3A_456 = arith.cmpi sge, %sub3A_455, %scan3A_25#0 : i32
        %convert_element_type3A_457 = arith.extui %ge3A_456 : i1 to i32
        %cond3A_458 = arith.constant 0 : i32
        %cond3A_459 = arith.cmpi ne, %convert_element_type3A_457, %cond3A_458 : i32
        scf.if %cond3A_459 {
          %dma_wait3A_466 = arith.constant 0 : i32
          %dma_wait3A_467 = arith.constant 0 : i32
          %dma_wait3A_468 = tpu.memref_slice %arg30[%dma_wait3A_466, %dma_wait3A_467] : memref<5008x128xf32, #tpu.memory_space<vmem_shared>> -> memref<5008x128xf32, #tpu.memory_space<vmem_shared>>
          tpu.wait_indirect_dma semaphore(%arg29 : memref<!tpu.dma_semaphore, #tpu.memory_space<semaphore_mem>>) src(%arg11 : memref<80x128xf32, #tpu.memory_space<vmem>>) dst(%dma_wait3A_468 : memref<5008x128xf32, #tpu.memory_space<vmem_shared>>)
        } else {
        }
        %add3A_460 = arith.constant 4 : i32
        %add3A_461 = arith.addi %add3A_307, %add3A_460 : i32
        %lt3A_462 = arith.cmpi slt, %add3A_461, %scan3A_33#0 : i32
        %convert_element_type3A_463 = arith.extui %lt3A_462 : i1 to i32
        %cond3A_464 = arith.constant 0 : i32
        %cond3A_465 = arith.cmpi ne, %convert_element_type3A_463, %cond3A_464 : i32
        scf.if %cond3A_465 {
          %add3A_466 = arith.constant 4 : i32
          %add3A_467 = arith.addi %add3A_307, %add3A_466 : i32
          %mul3A_468 = arith.constant 80 : i32
          %mul3A_469 = arith.muli %add3A_467, %mul3A_468 : i32
          %add3A_470 = arith.addi %mul3A_36, %mul3A_469 : i32
          %dma_start3A_471 = arith.constant 0 : i32
          %dma_start3A_472 = tpu.memref_slice %arg2[%add3A_470, %dma_start3A_471] : memref<320000x128xf32, #tpu.memory_space<hbm>> -> memref<80x128xf32, #tpu.memory_space<hbm>>
          %dma_start3A_473 = arith.constant 0 : i32
          %dma_start3A_474 = tpu.memref_slice %arg2[%add3A_470, %dma_start3A_473] : memref<320000x128xf32, #tpu.memory_space<hbm>> -> memref<80x128xf32, #tpu.memory_space<hbm>>
          tpu.enqueue_dma source(%dma_start3A_474 : memref<80x128xf32, #tpu.memory_space<hbm>>) target(%arg10 : memref<80x128xf32, #tpu.memory_space<vmem>>) target_semaphore(%arg22 : memref<!tpu.dma_semaphore, #tpu.memory_space<semaphore_mem>>)
        } else {
        }
      } else {
      }
      %add3A_312 = arith.constant 1 : i32
      %add3A_313 = arith.addi %add3A_305, %add3A_312 : i32
      %lt3A_314 = arith.cmpi slt, %add3A_313, %scan3A_33#0 : i32
      %convert_element_type3A_315 = arith.extui %lt3A_314 : i1 to i32
      %cond3A_316 = arith.constant 0 : i32
      %cond3A_317 = arith.cmpi ne, %convert_element_type3A_315, %cond3A_316 : i32
      scf.if %cond3A_317 {
        %mul3A_342 = arith.constant 80 : i32
        %mul3A_343 = arith.muli %add3A_313, %mul3A_342 : i32
        %add3A_344 = arith.addi %mul3A_36, %mul3A_343 : i32
        %dma_wait3A_345 = arith.constant 0 : i32
        %dma_wait3A_346 = tpu.memref_slice %arg2[%add3A_344, %dma_wait3A_345] : memref<320000x128xf32, #tpu.memory_space<hbm>> -> memref<80x128xf32, #tpu.memory_space<hbm>>
        %dma_wait3A_347 = arith.constant 0 : i32
        %dma_wait3A_348 = tpu.memref_slice %arg2[%add3A_344, %dma_wait3A_347] : memref<320000x128xf32, #tpu.memory_space<hbm>> -> memref<80x128xf32, #tpu.memory_space<hbm>>
        tpu.wait_dma2 semaphore(%arg19 : memref<!tpu.dma_semaphore, #tpu.memory_space<semaphore_mem>>) src(%dma_wait3A_348 : memref<80x128xf32, #tpu.memory_space<hbm>>) dst(%arg7 : memref<80x128xf32, #tpu.memory_space<vmem>>)
        %mul3A_349 = arith.constant 80 : i32
        %mul3A_350 = arith.muli %add3A_313, %mul3A_349 : i32
        %add3A_351 = arith.constant 0 : i32
        %add3A_352 = arith.addi %mul3A_350, %add3A_351 : i32
        %get3A = arith.index_cast %add3A_352 : i32 to index
        %get3A_353 = tpu.vector_load %arg5[%get3A] {strides = array<i32>} : memref<20000xi32, #tpu.memory_space<vmem>>, vector<16xi32>,
        %get3A_354 = vector.shape_cast %get3A_353 : vector<16xi32> to vector<16xi32>
        %ge3A_355 = vector.broadcast %mul3A_0 : i32 to vector<16xi32>
        %ge3A_356 = arith.cmpi sge, %get3A_354, %ge3A_355 : vector<16xi32>
        %lt3A_357 = vector.broadcast %add3A_1 : i32 to vector<16xi32>
        %lt3A_358 = arith.cmpi slt, %get3A_354, %lt3A_357 : vector<16xi32>
        %and3A_359 = arith.andi %ge3A_356, %lt3A_358 : vector<16xi1>
        %sub3A_360 = vector.broadcast %mul3A_0 : i32 to vector<16xi32>
        %sub3A_361 = arith.subi %get3A_354, %sub3A_360 : vector<16xi32>
        %jit3A_362 = arith.constant 5000 : i32
        %broadcast_in_dim3A = vector.broadcast %jit3A_362 : i32 to vector<16xi32>
        %select_n3A_363 = arith.select %and3A_359, %sub3A_361, %broadcast_in_dim3A : vector<16xi1>, vector<16xi32>
        %swap3A = arith.constant 0 : index
        %swap3A_364 = tpu.vector_load %arg13[%swap3A] {strides = array<i32>} : memref<80xi32, #tpu.memory_space<vmem>>, vector<16xi32>,
        %swap3A_365 = vector.shape_cast %swap3A_364 : vector<16xi32> to vector<16xi32>
        %swap3A_366 = vector.shape_cast %select_n3A_363 : vector<16xi32> to vector<16xi32>
        tpu.vector_store %arg13[%swap3A], %swap3A_366 {strides = array<i32>} : memref<80xi32, #tpu.memory_space<vmem>>, vector<16xi32>,
        %mul3A_367 = arith.constant 80 : i32
        %mul3A_368 = arith.muli %add3A_313, %mul3A_367 : i32
        %add3A_369 = arith.constant 16 : i32
        %add3A_370 = arith.addi %mul3A_368, %add3A_369 : i32
        %get3A_371 = arith.index_cast %add3A_370 : i32 to index
        %get3A_372 = tpu.vector_load %arg5[%get3A_371] {strides = array<i32>} : memref<20000xi32, #tpu.memory_space<vmem>>, vector<16xi32>,
        %get3A_373 = vector.shape_cast %get3A_372 : vector<16xi32> to vector<16xi32>
        %ge3A_374 = vector.broadcast %mul3A_0 : i32 to vector<16xi32>
        %ge3A_375 = arith.cmpi sge, %get3A_373, %ge3A_374 : vector<16xi32>
        %lt3A_376 = vector.broadcast %add3A_1 : i32 to vector<16xi32>
        %lt3A_377 = arith.cmpi slt, %get3A_373, %lt3A_376 : vector<16xi32>
        %and3A_378 = arith.andi %ge3A_375, %lt3A_377 : vector<16xi1>
        %sub3A_379 = vector.broadcast %mul3A_0 : i32 to vector<16xi32>
        %sub3A_380 = arith.subi %get3A_373, %sub3A_379 : vector<16xi32>
        %jit3A_381 = arith.constant 5000 : i32
        %broadcast_in_dim3A_382 = vector.broadcast %jit3A_381 : i32 to vector<16xi32>
        %select_n3A_383 = arith.select %and3A_378, %sub3A_380, %broadcast_in_dim3A_382 : vector<16xi1>, vector<16xi32>
        %swap3A_384 = arith.constant 16 : index
        %swap3A_385 = tpu.vector_load %arg13[%swap3A_384] {strides = array<i32>} : memref<80xi32, #tpu.memory_space<vmem>>, vector<16xi32>,
        %swap3A_386 = vector.shape_cast %swap3A_385 : vector<16xi32> to vector<16xi32>
        %swap3A_387 = vector.shape_cast %select_n3A_383 : vector<16xi32> to vector<16xi32>
        tpu.vector_store %arg13[%swap3A_384], %swap3A_387 {strides = array<i32>} : memref<80xi32, #tpu.memory_space<vmem>>, vector<16xi32>,
        %mul3A_388 = arith.constant 80 : i32
        %mul3A_389 = arith.muli %add3A_313, %mul3A_388 : i32
        %add3A_390 = arith.constant 32 : i32
        %add3A_391 = arith.addi %mul3A_389, %add3A_390 : i32
        %get3A_392 = arith.index_cast %add3A_391 : i32 to index
        %get3A_393 = tpu.vector_load %arg5[%get3A_392] {strides = array<i32>} : memref<20000xi32, #tpu.memory_space<vmem>>, vector<16xi32>,
        %get3A_394 = vector.shape_cast %get3A_393 : vector<16xi32> to vector<16xi32>
        %ge3A_395 = vector.broadcast %mul3A_0 : i32 to vector<16xi32>
        %ge3A_396 = arith.cmpi sge, %get3A_394, %ge3A_395 : vector<16xi32>
        %lt3A_397 = vector.broadcast %add3A_1 : i32 to vector<16xi32>
        %lt3A_398 = arith.cmpi slt, %get3A_394, %lt3A_397 : vector<16xi32>
        %and3A_399 = arith.andi %ge3A_396, %lt3A_398 : vector<16xi1>
        %sub3A_400 = vector.broadcast %mul3A_0 : i32 to vector<16xi32>
        %sub3A_401 = arith.subi %get3A_394, %sub3A_400 : vector<16xi32>
        %jit3A_402 = arith.constant 5000 : i32
        %broadcast_in_dim3A_403 = vector.broadcast %jit3A_402 : i32 to vector<16xi32>
        %select_n3A_404 = arith.select %and3A_399, %sub3A_401, %broadcast_in_dim3A_403 : vector<16xi1>, vector<16xi32>
        %swap3A_405 = arith.constant 32 : index
        %swap3A_406 = tpu.vector_load %arg13[%swap3A_405] {strides = array<i32>} : memref<80xi32, #tpu.memory_space<vmem>>, vector<16xi32>,
        %swap3A_407 = vector.shape_cast %swap3A_406 : vector<16xi32> to vector<16xi32>
        %swap3A_408 = vector.shape_cast %select_n3A_404 : vector<16xi32> to vector<16xi32>
        tpu.vector_store %arg13[%swap3A_405], %swap3A_408 {strides = array<i32>} : memref<80xi32, #tpu.memory_space<vmem>>, vector<16xi32>,
        %mul3A_409 = arith.constant 80 : i32
        %mul3A_410 = arith.muli %add3A_313, %mul3A_409 : i32
        %add3A_411 = arith.constant 48 : i32
        %add3A_412 = arith.addi %mul3A_410, %add3A_411 : i32
        %get3A_413 = arith.index_cast %add3A_412 : i32 to index
        %get3A_414 = tpu.vector_load %arg5[%get3A_413] {strides = array<i32>} : memref<20000xi32, #tpu.memory_space<vmem>>, vector<16xi32>,
        %get3A_415 = vector.shape_cast %get3A_414 : vector<16xi32> to vector<16xi32>
        %ge3A_416 = vector.broadcast %mul3A_0 : i32 to vector<16xi32>
        %ge3A_417 = arith.cmpi sge, %get3A_415, %ge3A_416 : vector<16xi32>
        %lt3A_418 = vector.broadcast %add3A_1 : i32 to vector<16xi32>
        %lt3A_419 = arith.cmpi slt, %get3A_415, %lt3A_418 : vector<16xi32>
        %and3A_420 = arith.andi %ge3A_417, %lt3A_419 : vector<16xi1>
        %sub3A_421 = vector.broadcast %mul3A_0 : i32 to vector<16xi32>
        %sub3A_422 = arith.subi %get3A_415, %sub3A_421 : vector<16xi32>
        %jit3A_423 = arith.constant 5000 : i32
        %broadcast_in_dim3A_424 = vector.broadcast %jit3A_423 : i32 to vector<16xi32>
        %select_n3A_425 = arith.select %and3A_420, %sub3A_422, %broadcast_in_dim3A_424 : vector<16xi1>, vector<16xi32>
        %swap3A_426 = arith.constant 48 : index
        %swap3A_427 = tpu.vector_load %arg13[%swap3A_426] {strides = array<i32>} : memref<80xi32, #tpu.memory_space<vmem>>, vector<16xi32>,
        %swap3A_428 = vector.shape_cast %swap3A_427 : vector<16xi32> to vector<16xi32>
        %swap3A_429 = vector.shape_cast %select_n3A_425 : vector<16xi32> to vector<16xi32>
        tpu.vector_store %arg13[%swap3A_426], %swap3A_429 {strides = array<i32>} : memref<80xi32, #tpu.memory_space<vmem>>, vector<16xi32>,
        %mul3A_430 = arith.constant 80 : i32
        %mul3A_431 = arith.muli %add3A_313, %mul3A_430 : i32
        %add3A_432 = arith.constant 64 : i32
        %add3A_433 = arith.addi %mul3A_431, %add3A_432 : i32
        %get3A_434 = arith.index_cast %add3A_433 : i32 to index
        %get3A_435 = tpu.vector_load %arg5[%get3A_434] {strides = array<i32>} : memref<20000xi32, #tpu.memory_space<vmem>>, vector<16xi32>,
        %get3A_436 = vector.shape_cast %get3A_435 : vector<16xi32> to vector<16xi32>
        %ge3A_437 = vector.broadcast %mul3A_0 : i32 to vector<16xi32>
        %ge3A_438 = arith.cmpi sge, %get3A_436, %ge3A_437 : vector<16xi32>
        %lt3A_439 = vector.broadcast %add3A_1 : i32 to vector<16xi32>
        %lt3A_440 = arith.cmpi slt, %get3A_436, %lt3A_439 : vector<16xi32>
        %and3A_441 = arith.andi %ge3A_438, %lt3A_440 : vector<16xi1>
        %sub3A_442 = vector.broadcast %mul3A_0 : i32 to vector<16xi32>
        %sub3A_443 = arith.subi %get3A_436, %sub3A_442 : vector<16xi32>
        %jit3A_444 = arith.constant 5000 : i32
        %broadcast_in_dim3A_445 = vector.broadcast %jit3A_444 : i32 to vector<16xi32>
        %select_n3A_446 = arith.select %and3A_441, %sub3A_443, %broadcast_in_dim3A_445 : vector<16xi1>, vector<16xi32>
        %swap3A_447 = arith.constant 64 : index
        %swap3A_448 = tpu.vector_load %arg13[%swap3A_447] {strides = array<i32>} : memref<80xi32, #tpu.memory_space<vmem>>, vector<16xi32>,
        %swap3A_449 = vector.shape_cast %swap3A_448 : vector<16xi32> to vector<16xi32>
        %swap3A_450 = vector.shape_cast %select_n3A_446 : vector<16xi32> to vector<16xi32>
        tpu.vector_store %arg13[%swap3A_447], %swap3A_450 {strides = array<i32>} : memref<80xi32, #tpu.memory_space<vmem>>, vector<16xi32>,
        %dma_start3A_451 = arith.constant 0 : i32
        %dma_start3A_452 = arith.constant 0 : i32
        %dma_start3A_453 = tpu.memref_slice %arg30[%dma_start3A_451, %dma_start3A_452] : memref<5008x128xf32, #tpu.memory_space<vmem_shared>> -> memref<5008x128xf32, #tpu.memory_space<vmem_shared>>
        tpu.enqueue_indirect_dma source(%arg7 : memref<80x128xf32, #tpu.memory_space<vmem>>) target(%dma_start3A_453 : memref<5008x128xf32, #tpu.memory_space<vmem_shared>>) offsets(%arg13 : memref<80xi32, #tpu.memory_space<vmem>>) semaphore(%arg25 : memref<!tpu.dma_semaphore, #tpu.memory_space<semaphore_mem>>) {add = true}
        %sub3A_454 = arith.constant 1 : i32
        %sub3A_455 = arith.subi %add3A_313, %sub3A_454 : i32
        %ge3A_456 = arith.cmpi sge, %sub3A_455, %scan3A_25#0 : i32
        %convert_element_type3A_457 = arith.extui %ge3A_456 : i1 to i32
        %cond3A_458 = arith.constant 0 : i32
        %cond3A_459 = arith.cmpi ne, %convert_element_type3A_457, %cond3A_458 : i32
        scf.if %cond3A_459 {
          %dma_wait3A_466 = arith.constant 0 : i32
          %dma_wait3A_467 = arith.constant 0 : i32
          %dma_wait3A_468 = tpu.memref_slice %arg30[%dma_wait3A_466, %dma_wait3A_467] : memref<5008x128xf32, #tpu.memory_space<vmem_shared>> -> memref<5008x128xf32, #tpu.memory_space<vmem_shared>>
          tpu.wait_indirect_dma semaphore(%arg24 : memref<!tpu.dma_semaphore, #tpu.memory_space<semaphore_mem>>) src(%arg6 : memref<80x128xf32, #tpu.memory_space<vmem>>) dst(%dma_wait3A_468 : memref<5008x128xf32, #tpu.memory_space<vmem_shared>>)
        } else {
        }
        %add3A_460 = arith.constant 4 : i32
        %add3A_461 = arith.addi %add3A_313, %add3A_460 : i32
        %lt3A_462 = arith.cmpi slt, %add3A_461, %scan3A_33#0 : i32
        %convert_element_type3A_463 = arith.extui %lt3A_462 : i1 to i32
        %cond3A_464 = arith.constant 0 : i32
        %cond3A_465 = arith.cmpi ne, %convert_element_type3A_463, %cond3A_464 : i32
        scf.if %cond3A_465 {
          %add3A_466 = arith.constant 4 : i32
          %add3A_467 = arith.addi %add3A_313, %add3A_466 : i32
          %mul3A_468 = arith.constant 80 : i32
          %mul3A_469 = arith.muli %add3A_467, %mul3A_468 : i32
          %add3A_470 = arith.addi %mul3A_36, %mul3A_469 : i32
          %dma_start3A_471 = arith.constant 0 : i32
          %dma_start3A_472 = tpu.memref_slice %arg2[%add3A_470, %dma_start3A_471] : memref<320000x128xf32, #tpu.memory_space<hbm>> -> memref<80x128xf32, #tpu.memory_space<hbm>>
          %dma_start3A_473 = arith.constant 0 : i32
          %dma_start3A_474 = tpu.memref_slice %arg2[%add3A_470, %dma_start3A_473] : memref<320000x128xf32, #tpu.memory_space<hbm>> -> memref<80x128xf32, #tpu.memory_space<hbm>>
          tpu.enqueue_dma source(%dma_start3A_474 : memref<80x128xf32, #tpu.memory_space<hbm>>) target(%arg11 : memref<80x128xf32, #tpu.memory_space<vmem>>) target_semaphore(%arg23 : memref<!tpu.dma_semaphore, #tpu.memory_space<semaphore_mem>>)
        } else {
        }
      } else {
      }
      %add3A_318 = arith.constant 2 : i32
      %add3A_319 = arith.addi %add3A_305, %add3A_318 : i32
      %lt3A_320 = arith.cmpi slt, %add3A_319, %scan3A_33#0 : i32
      %convert_element_type3A_321 = arith.extui %lt3A_320 : i1 to i32
      %cond3A_322 = arith.constant 0 : i32
      %cond3A_323 = arith.cmpi ne, %convert_element_type3A_321, %cond3A_322 : i32
      scf.if %cond3A_323 {
        %mul3A_342 = arith.constant 80 : i32
        %mul3A_343 = arith.muli %add3A_319, %mul3A_342 : i32
        %add3A_344 = arith.addi %mul3A_36, %mul3A_343 : i32
        %dma_wait3A_345 = arith.constant 0 : i32
        %dma_wait3A_346 = tpu.memref_slice %arg2[%add3A_344, %dma_wait3A_345] : memref<320000x128xf32, #tpu.memory_space<hbm>> -> memref<80x128xf32, #tpu.memory_space<hbm>>
        %dma_wait3A_347 = arith.constant 0 : i32
        %dma_wait3A_348 = tpu.memref_slice %arg2[%add3A_344, %dma_wait3A_347] : memref<320000x128xf32, #tpu.memory_space<hbm>> -> memref<80x128xf32, #tpu.memory_space<hbm>>
        tpu.wait_dma2 semaphore(%arg20 : memref<!tpu.dma_semaphore, #tpu.memory_space<semaphore_mem>>) src(%dma_wait3A_348 : memref<80x128xf32, #tpu.memory_space<hbm>>) dst(%arg8 : memref<80x128xf32, #tpu.memory_space<vmem>>)
        %mul3A_349 = arith.constant 80 : i32
        %mul3A_350 = arith.muli %add3A_319, %mul3A_349 : i32
        %add3A_351 = arith.constant 0 : i32
        %add3A_352 = arith.addi %mul3A_350, %add3A_351 : i32
        %get3A = arith.index_cast %add3A_352 : i32 to index
        %get3A_353 = tpu.vector_load %arg5[%get3A] {strides = array<i32>} : memref<20000xi32, #tpu.memory_space<vmem>>, vector<16xi32>,
        %get3A_354 = vector.shape_cast %get3A_353 : vector<16xi32> to vector<16xi32>
        %ge3A_355 = vector.broadcast %mul3A_0 : i32 to vector<16xi32>
        %ge3A_356 = arith.cmpi sge, %get3A_354, %ge3A_355 : vector<16xi32>
        %lt3A_357 = vector.broadcast %add3A_1 : i32 to vector<16xi32>
        %lt3A_358 = arith.cmpi slt, %get3A_354, %lt3A_357 : vector<16xi32>
        %and3A_359 = arith.andi %ge3A_356, %lt3A_358 : vector<16xi1>
        %sub3A_360 = vector.broadcast %mul3A_0 : i32 to vector<16xi32>
        %sub3A_361 = arith.subi %get3A_354, %sub3A_360 : vector<16xi32>
        %jit3A_362 = arith.constant 5000 : i32
        %broadcast_in_dim3A = vector.broadcast %jit3A_362 : i32 to vector<16xi32>
        %select_n3A_363 = arith.select %and3A_359, %sub3A_361, %broadcast_in_dim3A : vector<16xi1>, vector<16xi32>
        %swap3A = arith.constant 0 : index
        %swap3A_364 = tpu.vector_load %arg14[%swap3A] {strides = array<i32>} : memref<80xi32, #tpu.memory_space<vmem>>, vector<16xi32>,
        %swap3A_365 = vector.shape_cast %swap3A_364 : vector<16xi32> to vector<16xi32>
        %swap3A_366 = vector.shape_cast %select_n3A_363 : vector<16xi32> to vector<16xi32>
        tpu.vector_store %arg14[%swap3A], %swap3A_366 {strides = array<i32>} : memref<80xi32, #tpu.memory_space<vmem>>, vector<16xi32>,
        %mul3A_367 = arith.constant 80 : i32
        %mul3A_368 = arith.muli %add3A_319, %mul3A_367 : i32
        %add3A_369 = arith.constant 16 : i32
        %add3A_370 = arith.addi %mul3A_368, %add3A_369 : i32
        %get3A_371 = arith.index_cast %add3A_370 : i32 to index
        %get3A_372 = tpu.vector_load %arg5[%get3A_371] {strides = array<i32>} : memref<20000xi32, #tpu.memory_space<vmem>>, vector<16xi32>,
        %get3A_373 = vector.shape_cast %get3A_372 : vector<16xi32> to vector<16xi32>
        %ge3A_374 = vector.broadcast %mul3A_0 : i32 to vector<16xi32>
        %ge3A_375 = arith.cmpi sge, %get3A_373, %ge3A_374 : vector<16xi32>
        %lt3A_376 = vector.broadcast %add3A_1 : i32 to vector<16xi32>
        %lt3A_377 = arith.cmpi slt, %get3A_373, %lt3A_376 : vector<16xi32>
        %and3A_378 = arith.andi %ge3A_375, %lt3A_377 : vector<16xi1>
        %sub3A_379 = vector.broadcast %mul3A_0 : i32 to vector<16xi32>
        %sub3A_380 = arith.subi %get3A_373, %sub3A_379 : vector<16xi32>
        %jit3A_381 = arith.constant 5000 : i32
        %broadcast_in_dim3A_382 = vector.broadcast %jit3A_381 : i32 to vector<16xi32>
        %select_n3A_383 = arith.select %and3A_378, %sub3A_380, %broadcast_in_dim3A_382 : vector<16xi1>, vector<16xi32>
        %swap3A_384 = arith.constant 16 : index
        %swap3A_385 = tpu.vector_load %arg14[%swap3A_384] {strides = array<i32>} : memref<80xi32, #tpu.memory_space<vmem>>, vector<16xi32>,
        %swap3A_386 = vector.shape_cast %swap3A_385 : vector<16xi32> to vector<16xi32>
        %swap3A_387 = vector.shape_cast %select_n3A_383 : vector<16xi32> to vector<16xi32>
        tpu.vector_store %arg14[%swap3A_384], %swap3A_387 {strides = array<i32>} : memref<80xi32, #tpu.memory_space<vmem>>, vector<16xi32>,
        %mul3A_388 = arith.constant 80 : i32
        %mul3A_389 = arith.muli %add3A_319, %mul3A_388 : i32
        %add3A_390 = arith.constant 32 : i32
        %add3A_391 = arith.addi %mul3A_389, %add3A_390 : i32
        %get3A_392 = arith.index_cast %add3A_391 : i32 to index
        %get3A_393 = tpu.vector_load %arg5[%get3A_392] {strides = array<i32>} : memref<20000xi32, #tpu.memory_space<vmem>>, vector<16xi32>,
        %get3A_394 = vector.shape_cast %get3A_393 : vector<16xi32> to vector<16xi32>
        %ge3A_395 = vector.broadcast %mul3A_0 : i32 to vector<16xi32>
        %ge3A_396 = arith.cmpi sge, %get3A_394, %ge3A_395 : vector<16xi32>
        %lt3A_397 = vector.broadcast %add3A_1 : i32 to vector<16xi32>
        %lt3A_398 = arith.cmpi slt, %get3A_394, %lt3A_397 : vector<16xi32>
        %and3A_399 = arith.andi %ge3A_396, %lt3A_398 : vector<16xi1>
        %sub3A_400 = vector.broadcast %mul3A_0 : i32 to vector<16xi32>
        %sub3A_401 = arith.subi %get3A_394, %sub3A_400 : vector<16xi32>
        %jit3A_402 = arith.constant 5000 : i32
        %broadcast_in_dim3A_403 = vector.broadcast %jit3A_402 : i32 to vector<16xi32>
        %select_n3A_404 = arith.select %and3A_399, %sub3A_401, %broadcast_in_dim3A_403 : vector<16xi1>, vector<16xi32>
        %swap3A_405 = arith.constant 32 : index
        %swap3A_406 = tpu.vector_load %arg14[%swap3A_405] {strides = array<i32>} : memref<80xi32, #tpu.memory_space<vmem>>, vector<16xi32>,
        %swap3A_407 = vector.shape_cast %swap3A_406 : vector<16xi32> to vector<16xi32>
        %swap3A_408 = vector.shape_cast %select_n3A_404 : vector<16xi32> to vector<16xi32>
        tpu.vector_store %arg14[%swap3A_405], %swap3A_408 {strides = array<i32>} : memref<80xi32, #tpu.memory_space<vmem>>, vector<16xi32>,
        %mul3A_409 = arith.constant 80 : i32
        %mul3A_410 = arith.muli %add3A_319, %mul3A_409 : i32
        %add3A_411 = arith.constant 48 : i32
        %add3A_412 = arith.addi %mul3A_410, %add3A_411 : i32
        %get3A_413 = arith.index_cast %add3A_412 : i32 to index
        %get3A_414 = tpu.vector_load %arg5[%get3A_413] {strides = array<i32>} : memref<20000xi32, #tpu.memory_space<vmem>>, vector<16xi32>,
        %get3A_415 = vector.shape_cast %get3A_414 : vector<16xi32> to vector<16xi32>
        %ge3A_416 = vector.broadcast %mul3A_0 : i32 to vector<16xi32>
        %ge3A_417 = arith.cmpi sge, %get3A_415, %ge3A_416 : vector<16xi32>
        %lt3A_418 = vector.broadcast %add3A_1 : i32 to vector<16xi32>
        %lt3A_419 = arith.cmpi slt, %get3A_415, %lt3A_418 : vector<16xi32>
        %and3A_420 = arith.andi %ge3A_417, %lt3A_419 : vector<16xi1>
        %sub3A_421 = vector.broadcast %mul3A_0 : i32 to vector<16xi32>
        %sub3A_422 = arith.subi %get3A_415, %sub3A_421 : vector<16xi32>
        %jit3A_423 = arith.constant 5000 : i32
        %broadcast_in_dim3A_424 = vector.broadcast %jit3A_423 : i32 to vector<16xi32>
        %select_n3A_425 = arith.select %and3A_420, %sub3A_422, %broadcast_in_dim3A_424 : vector<16xi1>, vector<16xi32>
        %swap3A_426 = arith.constant 48 : index
        %swap3A_427 = tpu.vector_load %arg14[%swap3A_426] {strides = array<i32>} : memref<80xi32, #tpu.memory_space<vmem>>, vector<16xi32>,
        %swap3A_428 = vector.shape_cast %swap3A_427 : vector<16xi32> to vector<16xi32>
        %swap3A_429 = vector.shape_cast %select_n3A_425 : vector<16xi32> to vector<16xi32>
        tpu.vector_store %arg14[%swap3A_426], %swap3A_429 {strides = array<i32>} : memref<80xi32, #tpu.memory_space<vmem>>, vector<16xi32>,
        %mul3A_430 = arith.constant 80 : i32
        %mul3A_431 = arith.muli %add3A_319, %mul3A_430 : i32
        %add3A_432 = arith.constant 64 : i32
        %add3A_433 = arith.addi %mul3A_431, %add3A_432 : i32
        %get3A_434 = arith.index_cast %add3A_433 : i32 to index
        %get3A_435 = tpu.vector_load %arg5[%get3A_434] {strides = array<i32>} : memref<20000xi32, #tpu.memory_space<vmem>>, vector<16xi32>,
        %get3A_436 = vector.shape_cast %get3A_435 : vector<16xi32> to vector<16xi32>
        %ge3A_437 = vector.broadcast %mul3A_0 : i32 to vector<16xi32>
        %ge3A_438 = arith.cmpi sge, %get3A_436, %ge3A_437 : vector<16xi32>
        %lt3A_439 = vector.broadcast %add3A_1 : i32 to vector<16xi32>
        %lt3A_440 = arith.cmpi slt, %get3A_436, %lt3A_439 : vector<16xi32>
        %and3A_441 = arith.andi %ge3A_438, %lt3A_440 : vector<16xi1>
        %sub3A_442 = vector.broadcast %mul3A_0 : i32 to vector<16xi32>
        %sub3A_443 = arith.subi %get3A_436, %sub3A_442 : vector<16xi32>
        %jit3A_444 = arith.constant 5000 : i32
        %broadcast_in_dim3A_445 = vector.broadcast %jit3A_444 : i32 to vector<16xi32>
        %select_n3A_446 = arith.select %and3A_441, %sub3A_443, %broadcast_in_dim3A_445 : vector<16xi1>, vector<16xi32>
        %swap3A_447 = arith.constant 64 : index
        %swap3A_448 = tpu.vector_load %arg14[%swap3A_447] {strides = array<i32>} : memref<80xi32, #tpu.memory_space<vmem>>, vector<16xi32>,
        %swap3A_449 = vector.shape_cast %swap3A_448 : vector<16xi32> to vector<16xi32>
        %swap3A_450 = vector.shape_cast %select_n3A_446 : vector<16xi32> to vector<16xi32>
        tpu.vector_store %arg14[%swap3A_447], %swap3A_450 {strides = array<i32>} : memref<80xi32, #tpu.memory_space<vmem>>, vector<16xi32>,
        %dma_start3A_451 = arith.constant 0 : i32
        %dma_start3A_452 = arith.constant 0 : i32
        %dma_start3A_453 = tpu.memref_slice %arg30[%dma_start3A_451, %dma_start3A_452] : memref<5008x128xf32, #tpu.memory_space<vmem_shared>> -> memref<5008x128xf32, #tpu.memory_space<vmem_shared>>
        tpu.enqueue_indirect_dma source(%arg8 : memref<80x128xf32, #tpu.memory_space<vmem>>) target(%dma_start3A_453 : memref<5008x128xf32, #tpu.memory_space<vmem_shared>>) offsets(%arg14 : memref<80xi32, #tpu.memory_space<vmem>>) semaphore(%arg26 : memref<!tpu.dma_semaphore, #tpu.memory_space<semaphore_mem>>) {add = true}
        %sub3A_454 = arith.constant 1 : i32
        %sub3A_455 = arith.subi %add3A_319, %sub3A_454 : i32
        %ge3A_456 = arith.cmpi sge, %sub3A_455, %scan3A_25#0 : i32
        %convert_element_type3A_457 = arith.extui %ge3A_456 : i1 to i32
        %cond3A_458 = arith.constant 0 : i32
        %cond3A_459 = arith.cmpi ne, %convert_element_type3A_457, %cond3A_458 : i32
        scf.if %cond3A_459 {
          %dma_wait3A_466 = arith.constant 0 : i32
          %dma_wait3A_467 = arith.constant 0 : i32
          %dma_wait3A_468 = tpu.memref_slice %arg30[%dma_wait3A_466, %dma_wait3A_467] : memref<5008x128xf32, #tpu.memory_space<vmem_shared>> -> memref<5008x128xf32, #tpu.memory_space<vmem_shared>>
          tpu.wait_indirect_dma semaphore(%arg25 : memref<!tpu.dma_semaphore, #tpu.memory_space<semaphore_mem>>) src(%arg7 : memref<80x128xf32, #tpu.memory_space<vmem>>) dst(%dma_wait3A_468 : memref<5008x128xf32, #tpu.memory_space<vmem_shared>>)
        } else {
        }
        %add3A_460 = arith.constant 4 : i32
        %add3A_461 = arith.addi %add3A_319, %add3A_460 : i32
        %lt3A_462 = arith.cmpi slt, %add3A_461, %scan3A_33#0 : i32
        %convert_element_type3A_463 = arith.extui %lt3A_462 : i1 to i32
        %cond3A_464 = arith.constant 0 : i32
        %cond3A_465 = arith.cmpi ne, %convert_element_type3A_463, %cond3A_464 : i32
        scf.if %cond3A_465 {
          %add3A_466 = arith.constant 4 : i32
          %add3A_467 = arith.addi %add3A_319, %add3A_466 : i32
          %mul3A_468 = arith.constant 80 : i32
          %mul3A_469 = arith.muli %add3A_467, %mul3A_468 : i32
          %add3A_470 = arith.addi %mul3A_36, %mul3A_469 : i32
          %dma_start3A_471 = arith.constant 0 : i32
          %dma_start3A_472 = tpu.memref_slice %arg2[%add3A_470, %dma_start3A_471] : memref<320000x128xf32, #tpu.memory_space<hbm>> -> memref<80x128xf32, #tpu.memory_space<hbm>>
          %dma_start3A_473 = arith.constant 0 : i32
          %dma_start3A_474 = tpu.memref_slice %arg2[%add3A_470, %dma_start3A_473] : memref<320000x128xf32, #tpu.memory_space<hbm>> -> memref<80x128xf32, #tpu.memory_space<hbm>>
          tpu.enqueue_dma source(%dma_start3A_474 : memref<80x128xf32, #tpu.memory_space<hbm>>) target(%arg6 : memref<80x128xf32, #tpu.memory_space<vmem>>) target_semaphore(%arg18 : memref<!tpu.dma_semaphore, #tpu.memory_space<semaphore_mem>>)
        } else {
        }
      } else {
      }
      %add3A_324 = arith.constant 3 : i32
      %add3A_325 = arith.addi %add3A_305, %add3A_324 : i32
      %lt3A_326 = arith.cmpi slt, %add3A_325, %scan3A_33#0 : i32
      %convert_element_type3A_327 = arith.extui %lt3A_326 : i1 to i32
      %cond3A_328 = arith.constant 0 : i32
      %cond3A_329 = arith.cmpi ne, %convert_element_type3A_327, %cond3A_328 : i32
      scf.if %cond3A_329 {
        %mul3A_342 = arith.constant 80 : i32
        %mul3A_343 = arith.muli %add3A_325, %mul3A_342 : i32
        %add3A_344 = arith.addi %mul3A_36, %mul3A_343 : i32
        %dma_wait3A_345 = arith.constant 0 : i32
        %dma_wait3A_346 = tpu.memref_slice %arg2[%add3A_344, %dma_wait3A_345] : memref<320000x128xf32, #tpu.memory_space<hbm>> -> memref<80x128xf32, #tpu.memory_space<hbm>>
        %dma_wait3A_347 = arith.constant 0 : i32
        %dma_wait3A_348 = tpu.memref_slice %arg2[%add3A_344, %dma_wait3A_347] : memref<320000x128xf32, #tpu.memory_space<hbm>> -> memref<80x128xf32, #tpu.memory_space<hbm>>
        tpu.wait_dma2 semaphore(%arg21 : memref<!tpu.dma_semaphore, #tpu.memory_space<semaphore_mem>>) src(%dma_wait3A_348 : memref<80x128xf32, #tpu.memory_space<hbm>>) dst(%arg9 : memref<80x128xf32, #tpu.memory_space<vmem>>)
        %mul3A_349 = arith.constant 80 : i32
        %mul3A_350 = arith.muli %add3A_325, %mul3A_349 : i32
        %add3A_351 = arith.constant 0 : i32
        %add3A_352 = arith.addi %mul3A_350, %add3A_351 : i32
        %get3A = arith.index_cast %add3A_352 : i32 to index
        %get3A_353 = tpu.vector_load %arg5[%get3A] {strides = array<i32>} : memref<20000xi32, #tpu.memory_space<vmem>>, vector<16xi32>,
        %get3A_354 = vector.shape_cast %get3A_353 : vector<16xi32> to vector<16xi32>
        %ge3A_355 = vector.broadcast %mul3A_0 : i32 to vector<16xi32>
        %ge3A_356 = arith.cmpi sge, %get3A_354, %ge3A_355 : vector<16xi32>
        %lt3A_357 = vector.broadcast %add3A_1 : i32 to vector<16xi32>
        %lt3A_358 = arith.cmpi slt, %get3A_354, %lt3A_357 : vector<16xi32>
        %and3A_359 = arith.andi %ge3A_356, %lt3A_358 : vector<16xi1>
        %sub3A_360 = vector.broadcast %mul3A_0 : i32 to vector<16xi32>
        %sub3A_361 = arith.subi %get3A_354, %sub3A_360 : vector<16xi32>
        %jit3A_362 = arith.constant 5000 : i32
        %broadcast_in_dim3A = vector.broadcast %jit3A_362 : i32 to vector<16xi32>
        %select_n3A_363 = arith.select %and3A_359, %sub3A_361, %broadcast_in_dim3A : vector<16xi1>, vector<16xi32>
        %swap3A = arith.constant 0 : index
        %swap3A_364 = tpu.vector_load %arg15[%swap3A] {strides = array<i32>} : memref<80xi32, #tpu.memory_space<vmem>>, vector<16xi32>,
        %swap3A_365 = vector.shape_cast %swap3A_364 : vector<16xi32> to vector<16xi32>
        %swap3A_366 = vector.shape_cast %select_n3A_363 : vector<16xi32> to vector<16xi32>
        tpu.vector_store %arg15[%swap3A], %swap3A_366 {strides = array<i32>} : memref<80xi32, #tpu.memory_space<vmem>>, vector<16xi32>,
        %mul3A_367 = arith.constant 80 : i32
        %mul3A_368 = arith.muli %add3A_325, %mul3A_367 : i32
        %add3A_369 = arith.constant 16 : i32
        %add3A_370 = arith.addi %mul3A_368, %add3A_369 : i32
        %get3A_371 = arith.index_cast %add3A_370 : i32 to index
        %get3A_372 = tpu.vector_load %arg5[%get3A_371] {strides = array<i32>} : memref<20000xi32, #tpu.memory_space<vmem>>, vector<16xi32>,
        %get3A_373 = vector.shape_cast %get3A_372 : vector<16xi32> to vector<16xi32>
        %ge3A_374 = vector.broadcast %mul3A_0 : i32 to vector<16xi32>
        %ge3A_375 = arith.cmpi sge, %get3A_373, %ge3A_374 : vector<16xi32>
        %lt3A_376 = vector.broadcast %add3A_1 : i32 to vector<16xi32>
        %lt3A_377 = arith.cmpi slt, %get3A_373, %lt3A_376 : vector<16xi32>
        %and3A_378 = arith.andi %ge3A_375, %lt3A_377 : vector<16xi1>
        %sub3A_379 = vector.broadcast %mul3A_0 : i32 to vector<16xi32>
        %sub3A_380 = arith.subi %get3A_373, %sub3A_379 : vector<16xi32>
        %jit3A_381 = arith.constant 5000 : i32
        %broadcast_in_dim3A_382 = vector.broadcast %jit3A_381 : i32 to vector<16xi32>
        %select_n3A_383 = arith.select %and3A_378, %sub3A_380, %broadcast_in_dim3A_382 : vector<16xi1>, vector<16xi32>
        %swap3A_384 = arith.constant 16 : index
        %swap3A_385 = tpu.vector_load %arg15[%swap3A_384] {strides = array<i32>} : memref<80xi32, #tpu.memory_space<vmem>>, vector<16xi32>,
        %swap3A_386 = vector.shape_cast %swap3A_385 : vector<16xi32> to vector<16xi32>
        %swap3A_387 = vector.shape_cast %select_n3A_383 : vector<16xi32> to vector<16xi32>
        tpu.vector_store %arg15[%swap3A_384], %swap3A_387 {strides = array<i32>} : memref<80xi32, #tpu.memory_space<vmem>>, vector<16xi32>,
        %mul3A_388 = arith.constant 80 : i32
        %mul3A_389 = arith.muli %add3A_325, %mul3A_388 : i32
        %add3A_390 = arith.constant 32 : i32
        %add3A_391 = arith.addi %mul3A_389, %add3A_390 : i32
        %get3A_392 = arith.index_cast %add3A_391 : i32 to index
        %get3A_393 = tpu.vector_load %arg5[%get3A_392] {strides = array<i32>} : memref<20000xi32, #tpu.memory_space<vmem>>, vector<16xi32>,
        %get3A_394 = vector.shape_cast %get3A_393 : vector<16xi32> to vector<16xi32>
        %ge3A_395 = vector.broadcast %mul3A_0 : i32 to vector<16xi32>
        %ge3A_396 = arith.cmpi sge, %get3A_394, %ge3A_395 : vector<16xi32>
        %lt3A_397 = vector.broadcast %add3A_1 : i32 to vector<16xi32>
        %lt3A_398 = arith.cmpi slt, %get3A_394, %lt3A_397 : vector<16xi32>
        %and3A_399 = arith.andi %ge3A_396, %lt3A_398 : vector<16xi1>
        %sub3A_400 = vector.broadcast %mul3A_0 : i32 to vector<16xi32>
        %sub3A_401 = arith.subi %get3A_394, %sub3A_400 : vector<16xi32>
        %jit3A_402 = arith.constant 5000 : i32
        %broadcast_in_dim3A_403 = vector.broadcast %jit3A_402 : i32 to vector<16xi32>
        %select_n3A_404 = arith.select %and3A_399, %sub3A_401, %broadcast_in_dim3A_403 : vector<16xi1>, vector<16xi32>
        %swap3A_405 = arith.constant 32 : index
        %swap3A_406 = tpu.vector_load %arg15[%swap3A_405] {strides = array<i32>} : memref<80xi32, #tpu.memory_space<vmem>>, vector<16xi32>,
        %swap3A_407 = vector.shape_cast %swap3A_406 : vector<16xi32> to vector<16xi32>
        %swap3A_408 = vector.shape_cast %select_n3A_404 : vector<16xi32> to vector<16xi32>
        tpu.vector_store %arg15[%swap3A_405], %swap3A_408 {strides = array<i32>} : memref<80xi32, #tpu.memory_space<vmem>>, vector<16xi32>,
        %mul3A_409 = arith.constant 80 : i32
        %mul3A_410 = arith.muli %add3A_325, %mul3A_409 : i32
        %add3A_411 = arith.constant 48 : i32
        %add3A_412 = arith.addi %mul3A_410, %add3A_411 : i32
        %get3A_413 = arith.index_cast %add3A_412 : i32 to index
        %get3A_414 = tpu.vector_load %arg5[%get3A_413] {strides = array<i32>} : memref<20000xi32, #tpu.memory_space<vmem>>, vector<16xi32>,
        %get3A_415 = vector.shape_cast %get3A_414 : vector<16xi32> to vector<16xi32>
        %ge3A_416 = vector.broadcast %mul3A_0 : i32 to vector<16xi32>
        %ge3A_417 = arith.cmpi sge, %get3A_415, %ge3A_416 : vector<16xi32>
        %lt3A_418 = vector.broadcast %add3A_1 : i32 to vector<16xi32>
        %lt3A_419 = arith.cmpi slt, %get3A_415, %lt3A_418 : vector<16xi32>
        %and3A_420 = arith.andi %ge3A_417, %lt3A_419 : vector<16xi1>
        %sub3A_421 = vector.broadcast %mul3A_0 : i32 to vector<16xi32>
        %sub3A_422 = arith.subi %get3A_415, %sub3A_421 : vector<16xi32>
        %jit3A_423 = arith.constant 5000 : i32
        %broadcast_in_dim3A_424 = vector.broadcast %jit3A_423 : i32 to vector<16xi32>
        %select_n3A_425 = arith.select %and3A_420, %sub3A_422, %broadcast_in_dim3A_424 : vector<16xi1>, vector<16xi32>
        %swap3A_426 = arith.constant 48 : index
        %swap3A_427 = tpu.vector_load %arg15[%swap3A_426] {strides = array<i32>} : memref<80xi32, #tpu.memory_space<vmem>>, vector<16xi32>,
        %swap3A_428 = vector.shape_cast %swap3A_427 : vector<16xi32> to vector<16xi32>
        %swap3A_429 = vector.shape_cast %select_n3A_425 : vector<16xi32> to vector<16xi32>
        tpu.vector_store %arg15[%swap3A_426], %swap3A_429 {strides = array<i32>} : memref<80xi32, #tpu.memory_space<vmem>>, vector<16xi32>,
        %mul3A_430 = arith.constant 80 : i32
        %mul3A_431 = arith.muli %add3A_325, %mul3A_430 : i32
        %add3A_432 = arith.constant 64 : i32
        %add3A_433 = arith.addi %mul3A_431, %add3A_432 : i32
        %get3A_434 = arith.index_cast %add3A_433 : i32 to index
        %get3A_435 = tpu.vector_load %arg5[%get3A_434] {strides = array<i32>} : memref<20000xi32, #tpu.memory_space<vmem>>, vector<16xi32>,
        %get3A_436 = vector.shape_cast %get3A_435 : vector<16xi32> to vector<16xi32>
        %ge3A_437 = vector.broadcast %mul3A_0 : i32 to vector<16xi32>
        %ge3A_438 = arith.cmpi sge, %get3A_436, %ge3A_437 : vector<16xi32>
        %lt3A_439 = vector.broadcast %add3A_1 : i32 to vector<16xi32>
        %lt3A_440 = arith.cmpi slt, %get3A_436, %lt3A_439 : vector<16xi32>
        %and3A_441 = arith.andi %ge3A_438, %lt3A_440 : vector<16xi1>
        %sub3A_442 = vector.broadcast %mul3A_0 : i32 to vector<16xi32>
        %sub3A_443 = arith.subi %get3A_436, %sub3A_442 : vector<16xi32>
        %jit3A_444 = arith.constant 5000 : i32
        %broadcast_in_dim3A_445 = vector.broadcast %jit3A_444 : i32 to vector<16xi32>
        %select_n3A_446 = arith.select %and3A_441, %sub3A_443, %broadcast_in_dim3A_445 : vector<16xi1>, vector<16xi32>
        %swap3A_447 = arith.constant 64 : index
        %swap3A_448 = tpu.vector_load %arg15[%swap3A_447] {strides = array<i32>} : memref<80xi32, #tpu.memory_space<vmem>>, vector<16xi32>,
        %swap3A_449 = vector.shape_cast %swap3A_448 : vector<16xi32> to vector<16xi32>
        %swap3A_450 = vector.shape_cast %select_n3A_446 : vector<16xi32> to vector<16xi32>
        tpu.vector_store %arg15[%swap3A_447], %swap3A_450 {strides = array<i32>} : memref<80xi32, #tpu.memory_space<vmem>>, vector<16xi32>,
        %dma_start3A_451 = arith.constant 0 : i32
        %dma_start3A_452 = arith.constant 0 : i32
        %dma_start3A_453 = tpu.memref_slice %arg30[%dma_start3A_451, %dma_start3A_452] : memref<5008x128xf32, #tpu.memory_space<vmem_shared>> -> memref<5008x128xf32, #tpu.memory_space<vmem_shared>>
        tpu.enqueue_indirect_dma source(%arg9 : memref<80x128xf32, #tpu.memory_space<vmem>>) target(%dma_start3A_453 : memref<5008x128xf32, #tpu.memory_space<vmem_shared>>) offsets(%arg15 : memref<80xi32, #tpu.memory_space<vmem>>) semaphore(%arg27 : memref<!tpu.dma_semaphore, #tpu.memory_space<semaphore_mem>>) {add = true}
        %sub3A_454 = arith.constant 1 : i32
        %sub3A_455 = arith.subi %add3A_325, %sub3A_454 : i32
        %ge3A_456 = arith.cmpi sge, %sub3A_455, %scan3A_25#0 : i32
        %convert_element_type3A_457 = arith.extui %ge3A_456 : i1 to i32
        %cond3A_458 = arith.constant 0 : i32
        %cond3A_459 = arith.cmpi ne, %convert_element_type3A_457, %cond3A_458 : i32
        scf.if %cond3A_459 {
          %dma_wait3A_466 = arith.constant 0 : i32
          %dma_wait3A_467 = arith.constant 0 : i32
          %dma_wait3A_468 = tpu.memref_slice %arg30[%dma_wait3A_466, %dma_wait3A_467] : memref<5008x128xf32, #tpu.memory_space<vmem_shared>> -> memref<5008x128xf32, #tpu.memory_space<vmem_shared>>
          tpu.wait_indirect_dma semaphore(%arg26 : memref<!tpu.dma_semaphore, #tpu.memory_space<semaphore_mem>>) src(%arg8 : memref<80x128xf32, #tpu.memory_space<vmem>>) dst(%dma_wait3A_468 : memref<5008x128xf32, #tpu.memory_space<vmem_shared>>)
        } else {
        }
        %add3A_460 = arith.constant 4 : i32
        %add3A_461 = arith.addi %add3A_325, %add3A_460 : i32
        %lt3A_462 = arith.cmpi slt, %add3A_461, %scan3A_33#0 : i32
        %convert_element_type3A_463 = arith.extui %lt3A_462 : i1 to i32
        %cond3A_464 = arith.constant 0 : i32
        %cond3A_465 = arith.cmpi ne, %convert_element_type3A_463, %cond3A_464 : i32
        scf.if %cond3A_465 {
          %add3A_466 = arith.constant 4 : i32
          %add3A_467 = arith.addi %add3A_325, %add3A_466 : i32
          %mul3A_468 = arith.constant 80 : i32
          %mul3A_469 = arith.muli %add3A_467, %mul3A_468 : i32
          %add3A_470 = arith.addi %mul3A_36, %mul3A_469 : i32
          %dma_start3A_471 = arith.constant 0 : i32
          %dma_start3A_472 = tpu.memref_slice %arg2[%add3A_470, %dma_start3A_471] : memref<320000x128xf32, #tpu.memory_space<hbm>> -> memref<80x128xf32, #tpu.memory_space<hbm>>
          %dma_start3A_473 = arith.constant 0 : i32
          %dma_start3A_474 = tpu.memref_slice %arg2[%add3A_470, %dma_start3A_473] : memref<320000x128xf32, #tpu.memory_space<hbm>> -> memref<80x128xf32, #tpu.memory_space<hbm>>
          tpu.enqueue_dma source(%dma_start3A_474 : memref<80x128xf32, #tpu.memory_space<hbm>>) target(%arg7 : memref<80x128xf32, #tpu.memory_space<vmem>>) target_semaphore(%arg19 : memref<!tpu.dma_semaphore, #tpu.memory_space<semaphore_mem>>)
        } else {
        }
      } else {
      }
      %add3A_330 = arith.constant 4 : i32
      %add3A_331 = arith.addi %add3A_305, %add3A_330 : i32
      %lt3A_332 = arith.cmpi slt, %add3A_331, %scan3A_33#0 : i32
      %convert_element_type3A_333 = arith.extui %lt3A_332 : i1 to i32
      %cond3A_334 = arith.constant 0 : i32
      %cond3A_335 = arith.cmpi ne, %convert_element_type3A_333, %cond3A_334 : i32
      scf.if %cond3A_335 {
        %mul3A_342 = arith.constant 80 : i32
        %mul3A_343 = arith.muli %add3A_331, %mul3A_342 : i32
        %add3A_344 = arith.addi %mul3A_36, %mul3A_343 : i32
        %dma_wait3A_345 = arith.constant 0 : i32
        %dma_wait3A_346 = tpu.memref_slice %arg2[%add3A_344, %dma_wait3A_345] : memref<320000x128xf32, #tpu.memory_space<hbm>> -> memref<80x128xf32, #tpu.memory_space<hbm>>
        %dma_wait3A_347 = arith.constant 0 : i32
        %dma_wait3A_348 = tpu.memref_slice %arg2[%add3A_344, %dma_wait3A_347] : memref<320000x128xf32, #tpu.memory_space<hbm>> -> memref<80x128xf32, #tpu.memory_space<hbm>>
        tpu.wait_dma2 semaphore(%arg22 : memref<!tpu.dma_semaphore, #tpu.memory_space<semaphore_mem>>) src(%dma_wait3A_348 : memref<80x128xf32, #tpu.memory_space<hbm>>) dst(%arg10 : memref<80x128xf32, #tpu.memory_space<vmem>>)
        %mul3A_349 = arith.constant 80 : i32
        %mul3A_350 = arith.muli %add3A_331, %mul3A_349 : i32
        %add3A_351 = arith.constant 0 : i32
        %add3A_352 = arith.addi %mul3A_350, %add3A_351 : i32
        %get3A = arith.index_cast %add3A_352 : i32 to index
        %get3A_353 = tpu.vector_load %arg5[%get3A] {strides = array<i32>} : memref<20000xi32, #tpu.memory_space<vmem>>, vector<16xi32>,
        %get3A_354 = vector.shape_cast %get3A_353 : vector<16xi32> to vector<16xi32>
        %ge3A_355 = vector.broadcast %mul3A_0 : i32 to vector<16xi32>
        %ge3A_356 = arith.cmpi sge, %get3A_354, %ge3A_355 : vector<16xi32>
        %lt3A_357 = vector.broadcast %add3A_1 : i32 to vector<16xi32>
        %lt3A_358 = arith.cmpi slt, %get3A_354, %lt3A_357 : vector<16xi32>
        %and3A_359 = arith.andi %ge3A_356, %lt3A_358 : vector<16xi1>
        %sub3A_360 = vector.broadcast %mul3A_0 : i32 to vector<16xi32>
        %sub3A_361 = arith.subi %get3A_354, %sub3A_360 : vector<16xi32>
        %jit3A_362 = arith.constant 5000 : i32
        %broadcast_in_dim3A = vector.broadcast %jit3A_362 : i32 to vector<16xi32>
        %select_n3A_363 = arith.select %and3A_359, %sub3A_361, %broadcast_in_dim3A : vector<16xi1>, vector<16xi32>
        %swap3A = arith.constant 0 : index
        %swap3A_364 = tpu.vector_load %arg16[%swap3A] {strides = array<i32>} : memref<80xi32, #tpu.memory_space<vmem>>, vector<16xi32>,
        %swap3A_365 = vector.shape_cast %swap3A_364 : vector<16xi32> to vector<16xi32>
        %swap3A_366 = vector.shape_cast %select_n3A_363 : vector<16xi32> to vector<16xi32>
        tpu.vector_store %arg16[%swap3A], %swap3A_366 {strides = array<i32>} : memref<80xi32, #tpu.memory_space<vmem>>, vector<16xi32>,
        %mul3A_367 = arith.constant 80 : i32
        %mul3A_368 = arith.muli %add3A_331, %mul3A_367 : i32
        %add3A_369 = arith.constant 16 : i32
        %add3A_370 = arith.addi %mul3A_368, %add3A_369 : i32
        %get3A_371 = arith.index_cast %add3A_370 : i32 to index
        %get3A_372 = tpu.vector_load %arg5[%get3A_371] {strides = array<i32>} : memref<20000xi32, #tpu.memory_space<vmem>>, vector<16xi32>,
        %get3A_373 = vector.shape_cast %get3A_372 : vector<16xi32> to vector<16xi32>
        %ge3A_374 = vector.broadcast %mul3A_0 : i32 to vector<16xi32>
        %ge3A_375 = arith.cmpi sge, %get3A_373, %ge3A_374 : vector<16xi32>
        %lt3A_376 = vector.broadcast %add3A_1 : i32 to vector<16xi32>
        %lt3A_377 = arith.cmpi slt, %get3A_373, %lt3A_376 : vector<16xi32>
        %and3A_378 = arith.andi %ge3A_375, %lt3A_377 : vector<16xi1>
        %sub3A_379 = vector.broadcast %mul3A_0 : i32 to vector<16xi32>
        %sub3A_380 = arith.subi %get3A_373, %sub3A_379 : vector<16xi32>
        %jit3A_381 = arith.constant 5000 : i32
        %broadcast_in_dim3A_382 = vector.broadcast %jit3A_381 : i32 to vector<16xi32>
        %select_n3A_383 = arith.select %and3A_378, %sub3A_380, %broadcast_in_dim3A_382 : vector<16xi1>, vector<16xi32>
        %swap3A_384 = arith.constant 16 : index
        %swap3A_385 = tpu.vector_load %arg16[%swap3A_384] {strides = array<i32>} : memref<80xi32, #tpu.memory_space<vmem>>, vector<16xi32>,
        %swap3A_386 = vector.shape_cast %swap3A_385 : vector<16xi32> to vector<16xi32>
        %swap3A_387 = vector.shape_cast %select_n3A_383 : vector<16xi32> to vector<16xi32>
        tpu.vector_store %arg16[%swap3A_384], %swap3A_387 {strides = array<i32>} : memref<80xi32, #tpu.memory_space<vmem>>, vector<16xi32>,
        %mul3A_388 = arith.constant 80 : i32
        %mul3A_389 = arith.muli %add3A_331, %mul3A_388 : i32
        %add3A_390 = arith.constant 32 : i32
        %add3A_391 = arith.addi %mul3A_389, %add3A_390 : i32
        %get3A_392 = arith.index_cast %add3A_391 : i32 to index
        %get3A_393 = tpu.vector_load %arg5[%get3A_392] {strides = array<i32>} : memref<20000xi32, #tpu.memory_space<vmem>>, vector<16xi32>,
        %get3A_394 = vector.shape_cast %get3A_393 : vector<16xi32> to vector<16xi32>
        %ge3A_395 = vector.broadcast %mul3A_0 : i32 to vector<16xi32>
        %ge3A_396 = arith.cmpi sge, %get3A_394, %ge3A_395 : vector<16xi32>
        %lt3A_397 = vector.broadcast %add3A_1 : i32 to vector<16xi32>
        %lt3A_398 = arith.cmpi slt, %get3A_394, %lt3A_397 : vector<16xi32>
        %and3A_399 = arith.andi %ge3A_396, %lt3A_398 : vector<16xi1>
        %sub3A_400 = vector.broadcast %mul3A_0 : i32 to vector<16xi32>
        %sub3A_401 = arith.subi %get3A_394, %sub3A_400 : vector<16xi32>
        %jit3A_402 = arith.constant 5000 : i32
        %broadcast_in_dim3A_403 = vector.broadcast %jit3A_402 : i32 to vector<16xi32>
        %select_n3A_404 = arith.select %and3A_399, %sub3A_401, %broadcast_in_dim3A_403 : vector<16xi1>, vector<16xi32>
        %swap3A_405 = arith.constant 32 : index
        %swap3A_406 = tpu.vector_load %arg16[%swap3A_405] {strides = array<i32>} : memref<80xi32, #tpu.memory_space<vmem>>, vector<16xi32>,
        %swap3A_407 = vector.shape_cast %swap3A_406 : vector<16xi32> to vector<16xi32>
        %swap3A_408 = vector.shape_cast %select_n3A_404 : vector<16xi32> to vector<16xi32>
        tpu.vector_store %arg16[%swap3A_405], %swap3A_408 {strides = array<i32>} : memref<80xi32, #tpu.memory_space<vmem>>, vector<16xi32>,
        %mul3A_409 = arith.constant 80 : i32
        %mul3A_410 = arith.muli %add3A_331, %mul3A_409 : i32
        %add3A_411 = arith.constant 48 : i32
        %add3A_412 = arith.addi %mul3A_410, %add3A_411 : i32
        %get3A_413 = arith.index_cast %add3A_412 : i32 to index
        %get3A_414 = tpu.vector_load %arg5[%get3A_413] {strides = array<i32>} : memref<20000xi32, #tpu.memory_space<vmem>>, vector<16xi32>,
        %get3A_415 = vector.shape_cast %get3A_414 : vector<16xi32> to vector<16xi32>
        %ge3A_416 = vector.broadcast %mul3A_0 : i32 to vector<16xi32>
        %ge3A_417 = arith.cmpi sge, %get3A_415, %ge3A_416 : vector<16xi32>
        %lt3A_418 = vector.broadcast %add3A_1 : i32 to vector<16xi32>
        %lt3A_419 = arith.cmpi slt, %get3A_415, %lt3A_418 : vector<16xi32>
        %and3A_420 = arith.andi %ge3A_417, %lt3A_419 : vector<16xi1>
        %sub3A_421 = vector.broadcast %mul3A_0 : i32 to vector<16xi32>
        %sub3A_422 = arith.subi %get3A_415, %sub3A_421 : vector<16xi32>
        %jit3A_423 = arith.constant 5000 : i32
        %broadcast_in_dim3A_424 = vector.broadcast %jit3A_423 : i32 to vector<16xi32>
        %select_n3A_425 = arith.select %and3A_420, %sub3A_422, %broadcast_in_dim3A_424 : vector<16xi1>, vector<16xi32>
        %swap3A_426 = arith.constant 48 : index
        %swap3A_427 = tpu.vector_load %arg16[%swap3A_426] {strides = array<i32>} : memref<80xi32, #tpu.memory_space<vmem>>, vector<16xi32>,
        %swap3A_428 = vector.shape_cast %swap3A_427 : vector<16xi32> to vector<16xi32>
        %swap3A_429 = vector.shape_cast %select_n3A_425 : vector<16xi32> to vector<16xi32>
        tpu.vector_store %arg16[%swap3A_426], %swap3A_429 {strides = array<i32>} : memref<80xi32, #tpu.memory_space<vmem>>, vector<16xi32>,
        %mul3A_430 = arith.constant 80 : i32
        %mul3A_431 = arith.muli %add3A_331, %mul3A_430 : i32
        %add3A_432 = arith.constant 64 : i32
        %add3A_433 = arith.addi %mul3A_431, %add3A_432 : i32
        %get3A_434 = arith.index_cast %add3A_433 : i32 to index
        %get3A_435 = tpu.vector_load %arg5[%get3A_434] {strides = array<i32>} : memref<20000xi32, #tpu.memory_space<vmem>>, vector<16xi32>,
        %get3A_436 = vector.shape_cast %get3A_435 : vector<16xi32> to vector<16xi32>
        %ge3A_437 = vector.broadcast %mul3A_0 : i32 to vector<16xi32>
        %ge3A_438 = arith.cmpi sge, %get3A_436, %ge3A_437 : vector<16xi32>
        %lt3A_439 = vector.broadcast %add3A_1 : i32 to vector<16xi32>
        %lt3A_440 = arith.cmpi slt, %get3A_436, %lt3A_439 : vector<16xi32>
        %and3A_441 = arith.andi %ge3A_438, %lt3A_440 : vector<16xi1>
        %sub3A_442 = vector.broadcast %mul3A_0 : i32 to vector<16xi32>
        %sub3A_443 = arith.subi %get3A_436, %sub3A_442 : vector<16xi32>
        %jit3A_444 = arith.constant 5000 : i32
        %broadcast_in_dim3A_445 = vector.broadcast %jit3A_444 : i32 to vector<16xi32>
        %select_n3A_446 = arith.select %and3A_441, %sub3A_443, %broadcast_in_dim3A_445 : vector<16xi1>, vector<16xi32>
        %swap3A_447 = arith.constant 64 : index
        %swap3A_448 = tpu.vector_load %arg16[%swap3A_447] {strides = array<i32>} : memref<80xi32, #tpu.memory_space<vmem>>, vector<16xi32>,
        %swap3A_449 = vector.shape_cast %swap3A_448 : vector<16xi32> to vector<16xi32>
        %swap3A_450 = vector.shape_cast %select_n3A_446 : vector<16xi32> to vector<16xi32>
        tpu.vector_store %arg16[%swap3A_447], %swap3A_450 {strides = array<i32>} : memref<80xi32, #tpu.memory_space<vmem>>, vector<16xi32>,
        %dma_start3A_451 = arith.constant 0 : i32
        %dma_start3A_452 = arith.constant 0 : i32
        %dma_start3A_453 = tpu.memref_slice %arg30[%dma_start3A_451, %dma_start3A_452] : memref<5008x128xf32, #tpu.memory_space<vmem_shared>> -> memref<5008x128xf32, #tpu.memory_space<vmem_shared>>
        tpu.enqueue_indirect_dma source(%arg10 : memref<80x128xf32, #tpu.memory_space<vmem>>) target(%dma_start3A_453 : memref<5008x128xf32, #tpu.memory_space<vmem_shared>>) offsets(%arg16 : memref<80xi32, #tpu.memory_space<vmem>>) semaphore(%arg28 : memref<!tpu.dma_semaphore, #tpu.memory_space<semaphore_mem>>) {add = true}
        %sub3A_454 = arith.constant 1 : i32
        %sub3A_455 = arith.subi %add3A_331, %sub3A_454 : i32
        %ge3A_456 = arith.cmpi sge, %sub3A_455, %scan3A_25#0 : i32
        %convert_element_type3A_457 = arith.extui %ge3A_456 : i1 to i32
        %cond3A_458 = arith.constant 0 : i32
        %cond3A_459 = arith.cmpi ne, %convert_element_type3A_457, %cond3A_458 : i32
        scf.if %cond3A_459 {
          %dma_wait3A_466 = arith.constant 0 : i32
          %dma_wait3A_467 = arith.constant 0 : i32
          %dma_wait3A_468 = tpu.memref_slice %arg30[%dma_wait3A_466, %dma_wait3A_467] : memref<5008x128xf32, #tpu.memory_space<vmem_shared>> -> memref<5008x128xf32, #tpu.memory_space<vmem_shared>>
          tpu.wait_indirect_dma semaphore(%arg27 : memref<!tpu.dma_semaphore, #tpu.memory_space<semaphore_mem>>) src(%arg9 : memref<80x128xf32, #tpu.memory_space<vmem>>) dst(%dma_wait3A_468 : memref<5008x128xf32, #tpu.memory_space<vmem_shared>>)
        } else {
        }
        %add3A_460 = arith.constant 4 : i32
        %add3A_461 = arith.addi %add3A_331, %add3A_460 : i32
        %lt3A_462 = arith.cmpi slt, %add3A_461, %scan3A_33#0 : i32
        %convert_element_type3A_463 = arith.extui %lt3A_462 : i1 to i32
        %cond3A_464 = arith.constant 0 : i32
        %cond3A_465 = arith.cmpi ne, %convert_element_type3A_463, %cond3A_464 : i32
        scf.if %cond3A_465 {
          %add3A_466 = arith.constant 4 : i32
          %add3A_467 = arith.addi %add3A_331, %add3A_466 : i32
          %mul3A_468 = arith.constant 80 : i32
          %mul3A_469 = arith.muli %add3A_467, %mul3A_468 : i32
          %add3A_470 = arith.addi %mul3A_36, %mul3A_469 : i32
          %dma_start3A_471 = arith.constant 0 : i32
          %dma_start3A_472 = tpu.memref_slice %arg2[%add3A_470, %dma_start3A_471] : memref<320000x128xf32, #tpu.memory_space<hbm>> -> memref<80x128xf32, #tpu.memory_space<hbm>>
          %dma_start3A_473 = arith.constant 0 : i32
          %dma_start3A_474 = tpu.memref_slice %arg2[%add3A_470, %dma_start3A_473] : memref<320000x128xf32, #tpu.memory_space<hbm>> -> memref<80x128xf32, #tpu.memory_space<hbm>>
          tpu.enqueue_dma source(%dma_start3A_474 : memref<80x128xf32, #tpu.memory_space<hbm>>) target(%arg8 : memref<80x128xf32, #tpu.memory_space<vmem>>) target_semaphore(%arg20 : memref<!tpu.dma_semaphore, #tpu.memory_space<semaphore_mem>>)
        } else {
        }
      } else {
      }
      %add3A_336 = arith.constant 5 : i32
      %add3A_337 = arith.addi %add3A_305, %add3A_336 : i32
      %lt3A_338 = arith.cmpi slt, %add3A_337, %scan3A_33#0 : i32
      %convert_element_type3A_339 = arith.extui %lt3A_338 : i1 to i32
      %cond3A_340 = arith.constant 0 : i32
      %cond3A_341 = arith.cmpi ne, %convert_element_type3A_339, %cond3A_340 : i32
      scf.if %cond3A_341 {
        %mul3A_342 = arith.constant 80 : i32
        %mul3A_343 = arith.muli %add3A_337, %mul3A_342 : i32
        %add3A_344 = arith.addi %mul3A_36, %mul3A_343 : i32
        %dma_wait3A_345 = arith.constant 0 : i32
        %dma_wait3A_346 = tpu.memref_slice %arg2[%add3A_344, %dma_wait3A_345] : memref<320000x128xf32, #tpu.memory_space<hbm>> -> memref<80x128xf32, #tpu.memory_space<hbm>>
        %dma_wait3A_347 = arith.constant 0 : i32
        %dma_wait3A_348 = tpu.memref_slice %arg2[%add3A_344, %dma_wait3A_347] : memref<320000x128xf32, #tpu.memory_space<hbm>> -> memref<80x128xf32, #tpu.memory_space<hbm>>
        tpu.wait_dma2 semaphore(%arg23 : memref<!tpu.dma_semaphore, #tpu.memory_space<semaphore_mem>>) src(%dma_wait3A_348 : memref<80x128xf32, #tpu.memory_space<hbm>>) dst(%arg11 : memref<80x128xf32, #tpu.memory_space<vmem>>)
        %mul3A_349 = arith.constant 80 : i32
        %mul3A_350 = arith.muli %add3A_337, %mul3A_349 : i32
        %add3A_351 = arith.constant 0 : i32
        %add3A_352 = arith.addi %mul3A_350, %add3A_351 : i32
        %get3A = arith.index_cast %add3A_352 : i32 to index
        %get3A_353 = tpu.vector_load %arg5[%get3A] {strides = array<i32>} : memref<20000xi32, #tpu.memory_space<vmem>>, vector<16xi32>,
        %get3A_354 = vector.shape_cast %get3A_353 : vector<16xi32> to vector<16xi32>
        %ge3A_355 = vector.broadcast %mul3A_0 : i32 to vector<16xi32>
        %ge3A_356 = arith.cmpi sge, %get3A_354, %ge3A_355 : vector<16xi32>
        %lt3A_357 = vector.broadcast %add3A_1 : i32 to vector<16xi32>
        %lt3A_358 = arith.cmpi slt, %get3A_354, %lt3A_357 : vector<16xi32>
        %and3A_359 = arith.andi %ge3A_356, %lt3A_358 : vector<16xi1>
        %sub3A_360 = vector.broadcast %mul3A_0 : i32 to vector<16xi32>
        %sub3A_361 = arith.subi %get3A_354, %sub3A_360 : vector<16xi32>
        %jit3A_362 = arith.constant 5000 : i32
        %broadcast_in_dim3A = vector.broadcast %jit3A_362 : i32 to vector<16xi32>
        %select_n3A_363 = arith.select %and3A_359, %sub3A_361, %broadcast_in_dim3A : vector<16xi1>, vector<16xi32>
        %swap3A = arith.constant 0 : index
        %swap3A_364 = tpu.vector_load %arg17[%swap3A] {strides = array<i32>} : memref<80xi32, #tpu.memory_space<vmem>>, vector<16xi32>,
        %swap3A_365 = vector.shape_cast %swap3A_364 : vector<16xi32> to vector<16xi32>
        %swap3A_366 = vector.shape_cast %select_n3A_363 : vector<16xi32> to vector<16xi32>
        tpu.vector_store %arg17[%swap3A], %swap3A_366 {strides = array<i32>} : memref<80xi32, #tpu.memory_space<vmem>>, vector<16xi32>,
        %mul3A_367 = arith.constant 80 : i32
        %mul3A_368 = arith.muli %add3A_337, %mul3A_367 : i32
        %add3A_369 = arith.constant 16 : i32
        %add3A_370 = arith.addi %mul3A_368, %add3A_369 : i32
        %get3A_371 = arith.index_cast %add3A_370 : i32 to index
        %get3A_372 = tpu.vector_load %arg5[%get3A_371] {strides = array<i32>} : memref<20000xi32, #tpu.memory_space<vmem>>, vector<16xi32>,
        %get3A_373 = vector.shape_cast %get3A_372 : vector<16xi32> to vector<16xi32>
        %ge3A_374 = vector.broadcast %mul3A_0 : i32 to vector<16xi32>
        %ge3A_375 = arith.cmpi sge, %get3A_373, %ge3A_374 : vector<16xi32>
        %lt3A_376 = vector.broadcast %add3A_1 : i32 to vector<16xi32>
        %lt3A_377 = arith.cmpi slt, %get3A_373, %lt3A_376 : vector<16xi32>
        %and3A_378 = arith.andi %ge3A_375, %lt3A_377 : vector<16xi1>
        %sub3A_379 = vector.broadcast %mul3A_0 : i32 to vector<16xi32>
        %sub3A_380 = arith.subi %get3A_373, %sub3A_379 : vector<16xi32>
        %jit3A_381 = arith.constant 5000 : i32
        %broadcast_in_dim3A_382 = vector.broadcast %jit3A_381 : i32 to vector<16xi32>
        %select_n3A_383 = arith.select %and3A_378, %sub3A_380, %broadcast_in_dim3A_382 : vector<16xi1>, vector<16xi32>
        %swap3A_384 = arith.constant 16 : index
        %swap3A_385 = tpu.vector_load %arg17[%swap3A_384] {strides = array<i32>} : memref<80xi32, #tpu.memory_space<vmem>>, vector<16xi32>,
        %swap3A_386 = vector.shape_cast %swap3A_385 : vector<16xi32> to vector<16xi32>
        %swap3A_387 = vector.shape_cast %select_n3A_383 : vector<16xi32> to vector<16xi32>
        tpu.vector_store %arg17[%swap3A_384], %swap3A_387 {strides = array<i32>} : memref<80xi32, #tpu.memory_space<vmem>>, vector<16xi32>,
        %mul3A_388 = arith.constant 80 : i32
        %mul3A_389 = arith.muli %add3A_337, %mul3A_388 : i32
        %add3A_390 = arith.constant 32 : i32
        %add3A_391 = arith.addi %mul3A_389, %add3A_390 : i32
        %get3A_392 = arith.index_cast %add3A_391 : i32 to index
        %get3A_393 = tpu.vector_load %arg5[%get3A_392] {strides = array<i32>} : memref<20000xi32, #tpu.memory_space<vmem>>, vector<16xi32>,
        %get3A_394 = vector.shape_cast %get3A_393 : vector<16xi32> to vector<16xi32>
        %ge3A_395 = vector.broadcast %mul3A_0 : i32 to vector<16xi32>
        %ge3A_396 = arith.cmpi sge, %get3A_394, %ge3A_395 : vector<16xi32>
        %lt3A_397 = vector.broadcast %add3A_1 : i32 to vector<16xi32>
        %lt3A_398 = arith.cmpi slt, %get3A_394, %lt3A_397 : vector<16xi32>
        %and3A_399 = arith.andi %ge3A_396, %lt3A_398 : vector<16xi1>
        %sub3A_400 = vector.broadcast %mul3A_0 : i32 to vector<16xi32>
        %sub3A_401 = arith.subi %get3A_394, %sub3A_400 : vector<16xi32>
        %jit3A_402 = arith.constant 5000 : i32
        %broadcast_in_dim3A_403 = vector.broadcast %jit3A_402 : i32 to vector<16xi32>
        %select_n3A_404 = arith.select %and3A_399, %sub3A_401, %broadcast_in_dim3A_403 : vector<16xi1>, vector<16xi32>
        %swap3A_405 = arith.constant 32 : index
        %swap3A_406 = tpu.vector_load %arg17[%swap3A_405] {strides = array<i32>} : memref<80xi32, #tpu.memory_space<vmem>>, vector<16xi32>,
        %swap3A_407 = vector.shape_cast %swap3A_406 : vector<16xi32> to vector<16xi32>
        %swap3A_408 = vector.shape_cast %select_n3A_404 : vector<16xi32> to vector<16xi32>
        tpu.vector_store %arg17[%swap3A_405], %swap3A_408 {strides = array<i32>} : memref<80xi32, #tpu.memory_space<vmem>>, vector<16xi32>,
        %mul3A_409 = arith.constant 80 : i32
        %mul3A_410 = arith.muli %add3A_337, %mul3A_409 : i32
        %add3A_411 = arith.constant 48 : i32
        %add3A_412 = arith.addi %mul3A_410, %add3A_411 : i32
        %get3A_413 = arith.index_cast %add3A_412 : i32 to index
        %get3A_414 = tpu.vector_load %arg5[%get3A_413] {strides = array<i32>} : memref<20000xi32, #tpu.memory_space<vmem>>, vector<16xi32>,
        %get3A_415 = vector.shape_cast %get3A_414 : vector<16xi32> to vector<16xi32>
        %ge3A_416 = vector.broadcast %mul3A_0 : i32 to vector<16xi32>
        %ge3A_417 = arith.cmpi sge, %get3A_415, %ge3A_416 : vector<16xi32>
        %lt3A_418 = vector.broadcast %add3A_1 : i32 to vector<16xi32>
        %lt3A_419 = arith.cmpi slt, %get3A_415, %lt3A_418 : vector<16xi32>
        %and3A_420 = arith.andi %ge3A_417, %lt3A_419 : vector<16xi1>
        %sub3A_421 = vector.broadcast %mul3A_0 : i32 to vector<16xi32>
        %sub3A_422 = arith.subi %get3A_415, %sub3A_421 : vector<16xi32>
        %jit3A_423 = arith.constant 5000 : i32
        %broadcast_in_dim3A_424 = vector.broadcast %jit3A_423 : i32 to vector<16xi32>
        %select_n3A_425 = arith.select %and3A_420, %sub3A_422, %broadcast_in_dim3A_424 : vector<16xi1>, vector<16xi32>
        %swap3A_426 = arith.constant 48 : index
        %swap3A_427 = tpu.vector_load %arg17[%swap3A_426] {strides = array<i32>} : memref<80xi32, #tpu.memory_space<vmem>>, vector<16xi32>,
        %swap3A_428 = vector.shape_cast %swap3A_427 : vector<16xi32> to vector<16xi32>
        %swap3A_429 = vector.shape_cast %select_n3A_425 : vector<16xi32> to vector<16xi32>
        tpu.vector_store %arg17[%swap3A_426], %swap3A_429 {strides = array<i32>} : memref<80xi32, #tpu.memory_space<vmem>>, vector<16xi32>,
        %mul3A_430 = arith.constant 80 : i32
        %mul3A_431 = arith.muli %add3A_337, %mul3A_430 : i32
        %add3A_432 = arith.constant 64 : i32
        %add3A_433 = arith.addi %mul3A_431, %add3A_432 : i32
        %get3A_434 = arith.index_cast %add3A_433 : i32 to index
        %get3A_435 = tpu.vector_load %arg5[%get3A_434] {strides = array<i32>} : memref<20000xi32, #tpu.memory_space<vmem>>, vector<16xi32>,
        %get3A_436 = vector.shape_cast %get3A_435 : vector<16xi32> to vector<16xi32>
        %ge3A_437 = vector.broadcast %mul3A_0 : i32 to vector<16xi32>
        %ge3A_438 = arith.cmpi sge, %get3A_436, %ge3A_437 : vector<16xi32>
        %lt3A_439 = vector.broadcast %add3A_1 : i32 to vector<16xi32>
        %lt3A_440 = arith.cmpi slt, %get3A_436, %lt3A_439 : vector<16xi32>
        %and3A_441 = arith.andi %ge3A_438, %lt3A_440 : vector<16xi1>
        %sub3A_442 = vector.broadcast %mul3A_0 : i32 to vector<16xi32>
        %sub3A_443 = arith.subi %get3A_436, %sub3A_442 : vector<16xi32>
        %jit3A_444 = arith.constant 5000 : i32
        %broadcast_in_dim3A_445 = vector.broadcast %jit3A_444 : i32 to vector<16xi32>
        %select_n3A_446 = arith.select %and3A_441, %sub3A_443, %broadcast_in_dim3A_445 : vector<16xi1>, vector<16xi32>
        %swap3A_447 = arith.constant 64 : index
        %swap3A_448 = tpu.vector_load %arg17[%swap3A_447] {strides = array<i32>} : memref<80xi32, #tpu.memory_space<vmem>>, vector<16xi32>,
        %swap3A_449 = vector.shape_cast %swap3A_448 : vector<16xi32> to vector<16xi32>
        %swap3A_450 = vector.shape_cast %select_n3A_446 : vector<16xi32> to vector<16xi32>
        tpu.vector_store %arg17[%swap3A_447], %swap3A_450 {strides = array<i32>} : memref<80xi32, #tpu.memory_space<vmem>>, vector<16xi32>,
        %dma_start3A_451 = arith.constant 0 : i32
        %dma_start3A_452 = arith.constant 0 : i32
        %dma_start3A_453 = tpu.memref_slice %arg30[%dma_start3A_451, %dma_start3A_452] : memref<5008x128xf32, #tpu.memory_space<vmem_shared>> -> memref<5008x128xf32, #tpu.memory_space<vmem_shared>>
        tpu.enqueue_indirect_dma source(%arg11 : memref<80x128xf32, #tpu.memory_space<vmem>>) target(%dma_start3A_453 : memref<5008x128xf32, #tpu.memory_space<vmem_shared>>) offsets(%arg17 : memref<80xi32, #tpu.memory_space<vmem>>) semaphore(%arg29 : memref<!tpu.dma_semaphore, #tpu.memory_space<semaphore_mem>>) {add = true}
        %sub3A_454 = arith.constant 1 : i32
        %sub3A_455 = arith.subi %add3A_337, %sub3A_454 : i32
        %ge3A_456 = arith.cmpi sge, %sub3A_455, %scan3A_25#0 : i32
        %convert_element_type3A_457 = arith.extui %ge3A_456 : i1 to i32
        %cond3A_458 = arith.constant 0 : i32
        %cond3A_459 = arith.cmpi ne, %convert_element_type3A_457, %cond3A_458 : i32
        scf.if %cond3A_459 {
          %dma_wait3A_466 = arith.constant 0 : i32
          %dma_wait3A_467 = arith.constant 0 : i32
          %dma_wait3A_468 = tpu.memref_slice %arg30[%dma_wait3A_466, %dma_wait3A_467] : memref<5008x128xf32, #tpu.memory_space<vmem_shared>> -> memref<5008x128xf32, #tpu.memory_space<vmem_shared>>
          tpu.wait_indirect_dma semaphore(%arg28 : memref<!tpu.dma_semaphore, #tpu.memory_space<semaphore_mem>>) src(%arg10 : memref<80x128xf32, #tpu.memory_space<vmem>>) dst(%dma_wait3A_468 : memref<5008x128xf32, #tpu.memory_space<vmem_shared>>)
        } else {
        }
        %add3A_460 = arith.constant 4 : i32
        %add3A_461 = arith.addi %add3A_337, %add3A_460 : i32
        %lt3A_462 = arith.cmpi slt, %add3A_461, %scan3A_33#0 : i32
        %convert_element_type3A_463 = arith.extui %lt3A_462 : i1 to i32
        %cond3A_464 = arith.constant 0 : i32
        %cond3A_465 = arith.cmpi ne, %convert_element_type3A_463, %cond3A_464 : i32
        scf.if %cond3A_465 {
          %add3A_466 = arith.constant 4 : i32
          %add3A_467 = arith.addi %add3A_337, %add3A_466 : i32
          %mul3A_468 = arith.constant 80 : i32
          %mul3A_469 = arith.muli %add3A_467, %mul3A_468 : i32
          %add3A_470 = arith.addi %mul3A_36, %mul3A_469 : i32
          %dma_start3A_471 = arith.constant 0 : i32
          %dma_start3A_472 = tpu.memref_slice %arg2[%add3A_470, %dma_start3A_471] : memref<320000x128xf32, #tpu.memory_space<hbm>> -> memref<80x128xf32, #tpu.memory_space<hbm>>
          %dma_start3A_473 = arith.constant 0 : i32
          %dma_start3A_474 = tpu.memref_slice %arg2[%add3A_470, %dma_start3A_473] : memref<320000x128xf32, #tpu.memory_space<hbm>> -> memref<80x128xf32, #tpu.memory_space<hbm>>
          tpu.enqueue_dma source(%dma_start3A_474 : memref<80x128xf32, #tpu.memory_space<hbm>>) target(%arg9 : memref<80x128xf32, #tpu.memory_space<vmem>>) target_semaphore(%arg21 : memref<!tpu.dma_semaphore, #tpu.memory_space<semaphore_mem>>)
        } else {
        }
      } else {
      }
    }
    %while3A_87 = arith.constant 1 : i32
    scf.for %while3A_302 = %while3A_85 to %while3A_81 step %while3A_87  : i32 {
      %mul3A_303 = arith.constant 6 : i32
      %mul3A_304 = arith.muli %while3A_302, %mul3A_303 : i32
      %add3A_305 = arith.addi %scan3A_25#0, %mul3A_304 : i32
      %add3A_306 = arith.constant 0 : i32
      %add3A_307 = arith.addi %add3A_305, %add3A_306 : i32
      %lt3A_308 = arith.cmpi slt, %add3A_307, %scan3A_33#0 : i32
      %convert_element_type3A_309 = arith.extui %lt3A_308 : i1 to i32
      %cond3A_310 = arith.constant 0 : i32
      %cond3A_311 = arith.cmpi ne, %convert_element_type3A_309, %cond3A_310 : i32
      scf.if %cond3A_311 {
        %mul3A_342 = arith.constant 80 : i32
        %mul3A_343 = arith.muli %add3A_307, %mul3A_342 : i32
        %add3A_344 = arith.addi %mul3A_36, %mul3A_343 : i32
        %dma_wait3A_345 = arith.constant 0 : i32
        %dma_wait3A_346 = tpu.memref_slice %arg2[%add3A_344, %dma_wait3A_345] : memref<320000x128xf32, #tpu.memory_space<hbm>> -> memref<80x128xf32, #tpu.memory_space<hbm>>
        %dma_wait3A_347 = arith.constant 0 : i32
        %dma_wait3A_348 = tpu.memref_slice %arg2[%add3A_344, %dma_wait3A_347] : memref<320000x128xf32, #tpu.memory_space<hbm>> -> memref<80x128xf32, #tpu.memory_space<hbm>>
        tpu.wait_dma2 semaphore(%arg18 : memref<!tpu.dma_semaphore, #tpu.memory_space<semaphore_mem>>) src(%dma_wait3A_348 : memref<80x128xf32, #tpu.memory_space<hbm>>) dst(%arg6 : memref<80x128xf32, #tpu.memory_space<vmem>>)
        %mul3A_349 = arith.constant 80 : i32
        %mul3A_350 = arith.muli %add3A_307, %mul3A_349 : i32
        %add3A_351 = arith.constant 0 : i32
        %add3A_352 = arith.addi %mul3A_350, %add3A_351 : i32
        %get3A = arith.index_cast %add3A_352 : i32 to index
        %get3A_353 = tpu.vector_load %arg5[%get3A] {strides = array<i32>} : memref<20000xi32, #tpu.memory_space<vmem>>, vector<16xi32>,
        %get3A_354 = vector.shape_cast %get3A_353 : vector<16xi32> to vector<16xi32>
        %ge3A_355 = vector.broadcast %mul3A_0 : i32 to vector<16xi32>
        %ge3A_356 = arith.cmpi sge, %get3A_354, %ge3A_355 : vector<16xi32>
        %lt3A_357 = vector.broadcast %add3A_1 : i32 to vector<16xi32>
        %lt3A_358 = arith.cmpi slt, %get3A_354, %lt3A_357 : vector<16xi32>
        %and3A_359 = arith.andi %ge3A_356, %lt3A_358 : vector<16xi1>
        %sub3A_360 = vector.broadcast %mul3A_0 : i32 to vector<16xi32>
        %sub3A_361 = arith.subi %get3A_354, %sub3A_360 : vector<16xi32>
        %jit3A_362 = arith.constant 5000 : i32
        %broadcast_in_dim3A = vector.broadcast %jit3A_362 : i32 to vector<16xi32>
        %select_n3A_363 = arith.select %and3A_359, %sub3A_361, %broadcast_in_dim3A : vector<16xi1>, vector<16xi32>
        %swap3A = arith.constant 0 : index
        %swap3A_364 = tpu.vector_load %arg12[%swap3A] {strides = array<i32>} : memref<80xi32, #tpu.memory_space<vmem>>, vector<16xi32>,
        %swap3A_365 = vector.shape_cast %swap3A_364 : vector<16xi32> to vector<16xi32>
        %swap3A_366 = vector.shape_cast %select_n3A_363 : vector<16xi32> to vector<16xi32>
        tpu.vector_store %arg12[%swap3A], %swap3A_366 {strides = array<i32>} : memref<80xi32, #tpu.memory_space<vmem>>, vector<16xi32>,
        %mul3A_367 = arith.constant 80 : i32
        %mul3A_368 = arith.muli %add3A_307, %mul3A_367 : i32
        %add3A_369 = arith.constant 16 : i32
        %add3A_370 = arith.addi %mul3A_368, %add3A_369 : i32
        %get3A_371 = arith.index_cast %add3A_370 : i32 to index
        %get3A_372 = tpu.vector_load %arg5[%get3A_371] {strides = array<i32>} : memref<20000xi32, #tpu.memory_space<vmem>>, vector<16xi32>,
        %get3A_373 = vector.shape_cast %get3A_372 : vector<16xi32> to vector<16xi32>
        %ge3A_374 = vector.broadcast %mul3A_0 : i32 to vector<16xi32>
        %ge3A_375 = arith.cmpi sge, %get3A_373, %ge3A_374 : vector<16xi32>
        %lt3A_376 = vector.broadcast %add3A_1 : i32 to vector<16xi32>
        %lt3A_377 = arith.cmpi slt, %get3A_373, %lt3A_376 : vector<16xi32>
        %and3A_378 = arith.andi %ge3A_375, %lt3A_377 : vector<16xi1>
        %sub3A_379 = vector.broadcast %mul3A_0 : i32 to vector<16xi32>
        %sub3A_380 = arith.subi %get3A_373, %sub3A_379 : vector<16xi32>
        %jit3A_381 = arith.constant 5000 : i32
        %broadcast_in_dim3A_382 = vector.broadcast %jit3A_381 : i32 to vector<16xi32>
        %select_n3A_383 = arith.select %and3A_378, %sub3A_380, %broadcast_in_dim3A_382 : vector<16xi1>, vector<16xi32>
        %swap3A_384 = arith.constant 16 : index
        %swap3A_385 = tpu.vector_load %arg12[%swap3A_384] {strides = array<i32>} : memref<80xi32, #tpu.memory_space<vmem>>, vector<16xi32>,
        %swap3A_386 = vector.shape_cast %swap3A_385 : vector<16xi32> to vector<16xi32>
        %swap3A_387 = vector.shape_cast %select_n3A_383 : vector<16xi32> to vector<16xi32>
        tpu.vector_store %arg12[%swap3A_384], %swap3A_387 {strides = array<i32>} : memref<80xi32, #tpu.memory_space<vmem>>, vector<16xi32>,
        %mul3A_388 = arith.constant 80 : i32
        %mul3A_389 = arith.muli %add3A_307, %mul3A_388 : i32
        %add3A_390 = arith.constant 32 : i32
        %add3A_391 = arith.addi %mul3A_389, %add3A_390 : i32
        %get3A_392 = arith.index_cast %add3A_391 : i32 to index
        %get3A_393 = tpu.vector_load %arg5[%get3A_392] {strides = array<i32>} : memref<20000xi32, #tpu.memory_space<vmem>>, vector<16xi32>,
        %get3A_394 = vector.shape_cast %get3A_393 : vector<16xi32> to vector<16xi32>
        %ge3A_395 = vector.broadcast %mul3A_0 : i32 to vector<16xi32>
        %ge3A_396 = arith.cmpi sge, %get3A_394, %ge3A_395 : vector<16xi32>
        %lt3A_397 = vector.broadcast %add3A_1 : i32 to vector<16xi32>
        %lt3A_398 = arith.cmpi slt, %get3A_394, %lt3A_397 : vector<16xi32>
        %and3A_399 = arith.andi %ge3A_396, %lt3A_398 : vector<16xi1>
        %sub3A_400 = vector.broadcast %mul3A_0 : i32 to vector<16xi32>
        %sub3A_401 = arith.subi %get3A_394, %sub3A_400 : vector<16xi32>
        %jit3A_402 = arith.constant 5000 : i32
        %broadcast_in_dim3A_403 = vector.broadcast %jit3A_402 : i32 to vector<16xi32>
        %select_n3A_404 = arith.select %and3A_399, %sub3A_401, %broadcast_in_dim3A_403 : vector<16xi1>, vector<16xi32>
        %swap3A_405 = arith.constant 32 : index
        %swap3A_406 = tpu.vector_load %arg12[%swap3A_405] {strides = array<i32>} : memref<80xi32, #tpu.memory_space<vmem>>, vector<16xi32>,
        %swap3A_407 = vector.shape_cast %swap3A_406 : vector<16xi32> to vector<16xi32>
        %swap3A_408 = vector.shape_cast %select_n3A_404 : vector<16xi32> to vector<16xi32>
        tpu.vector_store %arg12[%swap3A_405], %swap3A_408 {strides = array<i32>} : memref<80xi32, #tpu.memory_space<vmem>>, vector<16xi32>,
        %mul3A_409 = arith.constant 80 : i32
        %mul3A_410 = arith.muli %add3A_307, %mul3A_409 : i32
        %add3A_411 = arith.constant 48 : i32
        %add3A_412 = arith.addi %mul3A_410, %add3A_411 : i32
        %get3A_413 = arith.index_cast %add3A_412 : i32 to index
        %get3A_414 = tpu.vector_load %arg5[%get3A_413] {strides = array<i32>} : memref<20000xi32, #tpu.memory_space<vmem>>, vector<16xi32>,
        %get3A_415 = vector.shape_cast %get3A_414 : vector<16xi32> to vector<16xi32>
        %ge3A_416 = vector.broadcast %mul3A_0 : i32 to vector<16xi32>
        %ge3A_417 = arith.cmpi sge, %get3A_415, %ge3A_416 : vector<16xi32>
        %lt3A_418 = vector.broadcast %add3A_1 : i32 to vector<16xi32>
        %lt3A_419 = arith.cmpi slt, %get3A_415, %lt3A_418 : vector<16xi32>
        %and3A_420 = arith.andi %ge3A_417, %lt3A_419 : vector<16xi1>
        %sub3A_421 = vector.broadcast %mul3A_0 : i32 to vector<16xi32>
        %sub3A_422 = arith.subi %get3A_415, %sub3A_421 : vector<16xi32>
        %jit3A_423 = arith.constant 5000 : i32
        %broadcast_in_dim3A_424 = vector.broadcast %jit3A_423 : i32 to vector<16xi32>
        %select_n3A_425 = arith.select %and3A_420, %sub3A_422, %broadcast_in_dim3A_424 : vector<16xi1>, vector<16xi32>
        %swap3A_426 = arith.constant 48 : index
        %swap3A_427 = tpu.vector_load %arg12[%swap3A_426] {strides = array<i32>} : memref<80xi32, #tpu.memory_space<vmem>>, vector<16xi32>,
        %swap3A_428 = vector.shape_cast %swap3A_427 : vector<16xi32> to vector<16xi32>
        %swap3A_429 = vector.shape_cast %select_n3A_425 : vector<16xi32> to vector<16xi32>
        tpu.vector_store %arg12[%swap3A_426], %swap3A_429 {strides = array<i32>} : memref<80xi32, #tpu.memory_space<vmem>>, vector<16xi32>,
        %mul3A_430 = arith.constant 80 : i32
        %mul3A_431 = arith.muli %add3A_307, %mul3A_430 : i32
        %add3A_432 = arith.constant 64 : i32
        %add3A_433 = arith.addi %mul3A_431, %add3A_432 : i32
        %get3A_434 = arith.index_cast %add3A_433 : i32 to index
        %get3A_435 = tpu.vector_load %arg5[%get3A_434] {strides = array<i32>} : memref<20000xi32, #tpu.memory_space<vmem>>, vector<16xi32>,
        %get3A_436 = vector.shape_cast %get3A_435 : vector<16xi32> to vector<16xi32>
        %ge3A_437 = vector.broadcast %mul3A_0 : i32 to vector<16xi32>
        %ge3A_438 = arith.cmpi sge, %get3A_436, %ge3A_437 : vector<16xi32>
        %lt3A_439 = vector.broadcast %add3A_1 : i32 to vector<16xi32>
        %lt3A_440 = arith.cmpi slt, %get3A_436, %lt3A_439 : vector<16xi32>
        %and3A_441 = arith.andi %ge3A_438, %lt3A_440 : vector<16xi1>
        %sub3A_442 = vector.broadcast %mul3A_0 : i32 to vector<16xi32>
        %sub3A_443 = arith.subi %get3A_436, %sub3A_442 : vector<16xi32>
        %jit3A_444 = arith.constant 5000 : i32
        %broadcast_in_dim3A_445 = vector.broadcast %jit3A_444 : i32 to vector<16xi32>
        %select_n3A_446 = arith.select %and3A_441, %sub3A_443, %broadcast_in_dim3A_445 : vector<16xi1>, vector<16xi32>
        %swap3A_447 = arith.constant 64 : index
        %swap3A_448 = tpu.vector_load %arg12[%swap3A_447] {strides = array<i32>} : memref<80xi32, #tpu.memory_space<vmem>>, vector<16xi32>,
        %swap3A_449 = vector.shape_cast %swap3A_448 : vector<16xi32> to vector<16xi32>
        %swap3A_450 = vector.shape_cast %select_n3A_446 : vector<16xi32> to vector<16xi32>
        tpu.vector_store %arg12[%swap3A_447], %swap3A_450 {strides = array<i32>} : memref<80xi32, #tpu.memory_space<vmem>>, vector<16xi32>,
        %dma_start3A_451 = arith.constant 0 : i32
        %dma_start3A_452 = arith.constant 0 : i32
        %dma_start3A_453 = tpu.memref_slice %arg30[%dma_start3A_451, %dma_start3A_452] : memref<5008x128xf32, #tpu.memory_space<vmem_shared>> -> memref<5008x128xf32, #tpu.memory_space<vmem_shared>>
        tpu.enqueue_indirect_dma source(%arg6 : memref<80x128xf32, #tpu.memory_space<vmem>>) target(%dma_start3A_453 : memref<5008x128xf32, #tpu.memory_space<vmem_shared>>) offsets(%arg12 : memref<80xi32, #tpu.memory_space<vmem>>) semaphore(%arg24 : memref<!tpu.dma_semaphore, #tpu.memory_space<semaphore_mem>>) {add = true}
        %sub3A_454 = arith.constant 1 : i32
        %sub3A_455 = arith.subi %add3A_307, %sub3A_454 : i32
        %ge3A_456 = arith.cmpi sge, %sub3A_455, %scan3A_25#0 : i32
        %convert_element_type3A_457 = arith.extui %ge3A_456 : i1 to i32
        %cond3A_458 = arith.constant 0 : i32
        %cond3A_459 = arith.cmpi ne, %convert_element_type3A_457, %cond3A_458 : i32
        scf.if %cond3A_459 {
          %dma_wait3A_466 = arith.constant 0 : i32
          %dma_wait3A_467 = arith.constant 0 : i32
          %dma_wait3A_468 = tpu.memref_slice %arg30[%dma_wait3A_466, %dma_wait3A_467] : memref<5008x128xf32, #tpu.memory_space<vmem_shared>> -> memref<5008x128xf32, #tpu.memory_space<vmem_shared>>
          tpu.wait_indirect_dma semaphore(%arg29 : memref<!tpu.dma_semaphore, #tpu.memory_space<semaphore_mem>>) src(%arg11 : memref<80x128xf32, #tpu.memory_space<vmem>>) dst(%dma_wait3A_468 : memref<5008x128xf32, #tpu.memory_space<vmem_shared>>)
        } else {
        }
        %add3A_460 = arith.constant 4 : i32
        %add3A_461 = arith.addi %add3A_307, %add3A_460 : i32
        %lt3A_462 = arith.cmpi slt, %add3A_461, %scan3A_33#0 : i32
        %convert_element_type3A_463 = arith.extui %lt3A_462 : i1 to i32
        %cond3A_464 = arith.constant 0 : i32
        %cond3A_465 = arith.cmpi ne, %convert_element_type3A_463, %cond3A_464 : i32
        scf.if %cond3A_465 {
          %add3A_466 = arith.constant 4 : i32
          %add3A_467 = arith.addi %add3A_307, %add3A_466 : i32
          %mul3A_468 = arith.constant 80 : i32
          %mul3A_469 = arith.muli %add3A_467, %mul3A_468 : i32
          %add3A_470 = arith.addi %mul3A_36, %mul3A_469 : i32
          %dma_start3A_471 = arith.constant 0 : i32
          %dma_start3A_472 = tpu.memref_slice %arg2[%add3A_470, %dma_start3A_471] : memref<320000x128xf32, #tpu.memory_space<hbm>> -> memref<80x128xf32, #tpu.memory_space<hbm>>
          %dma_start3A_473 = arith.constant 0 : i32
          %dma_start3A_474 = tpu.memref_slice %arg2[%add3A_470, %dma_start3A_473] : memref<320000x128xf32, #tpu.memory_space<hbm>> -> memref<80x128xf32, #tpu.memory_space<hbm>>
          tpu.enqueue_dma source(%dma_start3A_474 : memref<80x128xf32, #tpu.memory_space<hbm>>) target(%arg10 : memref<80x128xf32, #tpu.memory_space<vmem>>) target_semaphore(%arg22 : memref<!tpu.dma_semaphore, #tpu.memory_space<semaphore_mem>>)
        } else {
        }
      } else {
      }
      %add3A_312 = arith.constant 1 : i32
      %add3A_313 = arith.addi %add3A_305, %add3A_312 : i32
      %lt3A_314 = arith.cmpi slt, %add3A_313, %scan3A_33#0 : i32
      %convert_element_type3A_315 = arith.extui %lt3A_314 : i1 to i32
      %cond3A_316 = arith.constant 0 : i32
      %cond3A_317 = arith.cmpi ne, %convert_element_type3A_315, %cond3A_316 : i32
      scf.if %cond3A_317 {
        %mul3A_342 = arith.constant 80 : i32
        %mul3A_343 = arith.muli %add3A_313, %mul3A_342 : i32
        %add3A_344 = arith.addi %mul3A_36, %mul3A_343 : i32
        %dma_wait3A_345 = arith.constant 0 : i32
        %dma_wait3A_346 = tpu.memref_slice %arg2[%add3A_344, %dma_wait3A_345] : memref<320000x128xf32, #tpu.memory_space<hbm>> -> memref<80x128xf32, #tpu.memory_space<hbm>>
        %dma_wait3A_347 = arith.constant 0 : i32
        %dma_wait3A_348 = tpu.memref_slice %arg2[%add3A_344, %dma_wait3A_347] : memref<320000x128xf32, #tpu.memory_space<hbm>> -> memref<80x128xf32, #tpu.memory_space<hbm>>
        tpu.wait_dma2 semaphore(%arg19 : memref<!tpu.dma_semaphore, #tpu.memory_space<semaphore_mem>>) src(%dma_wait3A_348 : memref<80x128xf32, #tpu.memory_space<hbm>>) dst(%arg7 : memref<80x128xf32, #tpu.memory_space<vmem>>)
        %mul3A_349 = arith.constant 80 : i32
        %mul3A_350 = arith.muli %add3A_313, %mul3A_349 : i32
        %add3A_351 = arith.constant 0 : i32
        %add3A_352 = arith.addi %mul3A_350, %add3A_351 : i32
        %get3A = arith.index_cast %add3A_352 : i32 to index
        %get3A_353 = tpu.vector_load %arg5[%get3A] {strides = array<i32>} : memref<20000xi32, #tpu.memory_space<vmem>>, vector<16xi32>,
        %get3A_354 = vector.shape_cast %get3A_353 : vector<16xi32> to vector<16xi32>
        %ge3A_355 = vector.broadcast %mul3A_0 : i32 to vector<16xi32>
        %ge3A_356 = arith.cmpi sge, %get3A_354, %ge3A_355 : vector<16xi32>
        %lt3A_357 = vector.broadcast %add3A_1 : i32 to vector<16xi32>
        %lt3A_358 = arith.cmpi slt, %get3A_354, %lt3A_357 : vector<16xi32>
        %and3A_359 = arith.andi %ge3A_356, %lt3A_358 : vector<16xi1>
        %sub3A_360 = vector.broadcast %mul3A_0 : i32 to vector<16xi32>
        %sub3A_361 = arith.subi %get3A_354, %sub3A_360 : vector<16xi32>
        %jit3A_362 = arith.constant 5000 : i32
        %broadcast_in_dim3A = vector.broadcast %jit3A_362 : i32 to vector<16xi32>
        %select_n3A_363 = arith.select %and3A_359, %sub3A_361, %broadcast_in_dim3A : vector<16xi1>, vector<16xi32>
        %swap3A = arith.constant 0 : index
        %swap3A_364 = tpu.vector_load %arg13[%swap3A] {strides = array<i32>} : memref<80xi32, #tpu.memory_space<vmem>>, vector<16xi32>,
        %swap3A_365 = vector.shape_cast %swap3A_364 : vector<16xi32> to vector<16xi32>
        %swap3A_366 = vector.shape_cast %select_n3A_363 : vector<16xi32> to vector<16xi32>
        tpu.vector_store %arg13[%swap3A], %swap3A_366 {strides = array<i32>} : memref<80xi32, #tpu.memory_space<vmem>>, vector<16xi32>,
        %mul3A_367 = arith.constant 80 : i32
        %mul3A_368 = arith.muli %add3A_313, %mul3A_367 : i32
        %add3A_369 = arith.constant 16 : i32
        %add3A_370 = arith.addi %mul3A_368, %add3A_369 : i32
        %get3A_371 = arith.index_cast %add3A_370 : i32 to index
        %get3A_372 = tpu.vector_load %arg5[%get3A_371] {strides = array<i32>} : memref<20000xi32, #tpu.memory_space<vmem>>, vector<16xi32>,
        %get3A_373 = vector.shape_cast %get3A_372 : vector<16xi32> to vector<16xi32>
        %ge3A_374 = vector.broadcast %mul3A_0 : i32 to vector<16xi32>
        %ge3A_375 = arith.cmpi sge, %get3A_373, %ge3A_374 : vector<16xi32>
        %lt3A_376 = vector.broadcast %add3A_1 : i32 to vector<16xi32>
        %lt3A_377 = arith.cmpi slt, %get3A_373, %lt3A_376 : vector<16xi32>
        %and3A_378 = arith.andi %ge3A_375, %lt3A_377 : vector<16xi1>
        %sub3A_379 = vector.broadcast %mul3A_0 : i32 to vector<16xi32>
        %sub3A_380 = arith.subi %get3A_373, %sub3A_379 : vector<16xi32>
        %jit3A_381 = arith.constant 5000 : i32
        %broadcast_in_dim3A_382 = vector.broadcast %jit3A_381 : i32 to vector<16xi32>
        %select_n3A_383 = arith.select %and3A_378, %sub3A_380, %broadcast_in_dim3A_382 : vector<16xi1>, vector<16xi32>
        %swap3A_384 = arith.constant 16 : index
        %swap3A_385 = tpu.vector_load %arg13[%swap3A_384] {strides = array<i32>} : memref<80xi32, #tpu.memory_space<vmem>>, vector<16xi32>,
        %swap3A_386 = vector.shape_cast %swap3A_385 : vector<16xi32> to vector<16xi32>
        %swap3A_387 = vector.shape_cast %select_n3A_383 : vector<16xi32> to vector<16xi32>
        tpu.vector_store %arg13[%swap3A_384], %swap3A_387 {strides = array<i32>} : memref<80xi32, #tpu.memory_space<vmem>>, vector<16xi32>,
        %mul3A_388 = arith.constant 80 : i32
        %mul3A_389 = arith.muli %add3A_313, %mul3A_388 : i32
        %add3A_390 = arith.constant 32 : i32
        %add3A_391 = arith.addi %mul3A_389, %add3A_390 : i32
        %get3A_392 = arith.index_cast %add3A_391 : i32 to index
        %get3A_393 = tpu.vector_load %arg5[%get3A_392] {strides = array<i32>} : memref<20000xi32, #tpu.memory_space<vmem>>, vector<16xi32>,
        %get3A_394 = vector.shape_cast %get3A_393 : vector<16xi32> to vector<16xi32>
        %ge3A_395 = vector.broadcast %mul3A_0 : i32 to vector<16xi32>
        %ge3A_396 = arith.cmpi sge, %get3A_394, %ge3A_395 : vector<16xi32>
        %lt3A_397 = vector.broadcast %add3A_1 : i32 to vector<16xi32>
        %lt3A_398 = arith.cmpi slt, %get3A_394, %lt3A_397 : vector<16xi32>
        %and3A_399 = arith.andi %ge3A_396, %lt3A_398 : vector<16xi1>
        %sub3A_400 = vector.broadcast %mul3A_0 : i32 to vector<16xi32>
        %sub3A_401 = arith.subi %get3A_394, %sub3A_400 : vector<16xi32>
        %jit3A_402 = arith.constant 5000 : i32
        %broadcast_in_dim3A_403 = vector.broadcast %jit3A_402 : i32 to vector<16xi32>
        %select_n3A_404 = arith.select %and3A_399, %sub3A_401, %broadcast_in_dim3A_403 : vector<16xi1>, vector<16xi32>
        %swap3A_405 = arith.constant 32 : index
        %swap3A_406 = tpu.vector_load %arg13[%swap3A_405] {strides = array<i32>} : memref<80xi32, #tpu.memory_space<vmem>>, vector<16xi32>,
        %swap3A_407 = vector.shape_cast %swap3A_406 : vector<16xi32> to vector<16xi32>
        %swap3A_408 = vector.shape_cast %select_n3A_404 : vector<16xi32> to vector<16xi32>
        tpu.vector_store %arg13[%swap3A_405], %swap3A_408 {strides = array<i32>} : memref<80xi32, #tpu.memory_space<vmem>>, vector<16xi32>,
        %mul3A_409 = arith.constant 80 : i32
        %mul3A_410 = arith.muli %add3A_313, %mul3A_409 : i32
        %add3A_411 = arith.constant 48 : i32
        %add3A_412 = arith.addi %mul3A_410, %add3A_411 : i32
        %get3A_413 = arith.index_cast %add3A_412 : i32 to index
        %get3A_414 = tpu.vector_load %arg5[%get3A_413] {strides = array<i32>} : memref<20000xi32, #tpu.memory_space<vmem>>, vector<16xi32>,
        %get3A_415 = vector.shape_cast %get3A_414 : vector<16xi32> to vector<16xi32>
        %ge3A_416 = vector.broadcast %mul3A_0 : i32 to vector<16xi32>
        %ge3A_417 = arith.cmpi sge, %get3A_415, %ge3A_416 : vector<16xi32>
        %lt3A_418 = vector.broadcast %add3A_1 : i32 to vector<16xi32>
        %lt3A_419 = arith.cmpi slt, %get3A_415, %lt3A_418 : vector<16xi32>
        %and3A_420 = arith.andi %ge3A_417, %lt3A_419 : vector<16xi1>
        %sub3A_421 = vector.broadcast %mul3A_0 : i32 to vector<16xi32>
        %sub3A_422 = arith.subi %get3A_415, %sub3A_421 : vector<16xi32>
        %jit3A_423 = arith.constant 5000 : i32
        %broadcast_in_dim3A_424 = vector.broadcast %jit3A_423 : i32 to vector<16xi32>
        %select_n3A_425 = arith.select %and3A_420, %sub3A_422, %broadcast_in_dim3A_424 : vector<16xi1>, vector<16xi32>
        %swap3A_426 = arith.constant 48 : index
        %swap3A_427 = tpu.vector_load %arg13[%swap3A_426] {strides = array<i32>} : memref<80xi32, #tpu.memory_space<vmem>>, vector<16xi32>,
        %swap3A_428 = vector.shape_cast %swap3A_427 : vector<16xi32> to vector<16xi32>
        %swap3A_429 = vector.shape_cast %select_n3A_425 : vector<16xi32> to vector<16xi32>
        tpu.vector_store %arg13[%swap3A_426], %swap3A_429 {strides = array<i32>} : memref<80xi32, #tpu.memory_space<vmem>>, vector<16xi32>,
        %mul3A_430 = arith.constant 80 : i32
        %mul3A_431 = arith.muli %add3A_313, %mul3A_430 : i32
        %add3A_432 = arith.constant 64 : i32
        %add3A_433 = arith.addi %mul3A_431, %add3A_432 : i32
        %get3A_434 = arith.index_cast %add3A_433 : i32 to index
        %get3A_435 = tpu.vector_load %arg5[%get3A_434] {strides = array<i32>} : memref<20000xi32, #tpu.memory_space<vmem>>, vector<16xi32>,
        %get3A_436 = vector.shape_cast %get3A_435 : vector<16xi32> to vector<16xi32>
        %ge3A_437 = vector.broadcast %mul3A_0 : i32 to vector<16xi32>
        %ge3A_438 = arith.cmpi sge, %get3A_436, %ge3A_437 : vector<16xi32>
        %lt3A_439 = vector.broadcast %add3A_1 : i32 to vector<16xi32>
        %lt3A_440 = arith.cmpi slt, %get3A_436, %lt3A_439 : vector<16xi32>
        %and3A_441 = arith.andi %ge3A_438, %lt3A_440 : vector<16xi1>
        %sub3A_442 = vector.broadcast %mul3A_0 : i32 to vector<16xi32>
        %sub3A_443 = arith.subi %get3A_436, %sub3A_442 : vector<16xi32>
        %jit3A_444 = arith.constant 5000 : i32
        %broadcast_in_dim3A_445 = vector.broadcast %jit3A_444 : i32 to vector<16xi32>
        %select_n3A_446 = arith.select %and3A_441, %sub3A_443, %broadcast_in_dim3A_445 : vector<16xi1>, vector<16xi32>
        %swap3A_447 = arith.constant 64 : index
        %swap3A_448 = tpu.vector_load %arg13[%swap3A_447] {strides = array<i32>} : memref<80xi32, #tpu.memory_space<vmem>>, vector<16xi32>,
        %swap3A_449 = vector.shape_cast %swap3A_448 : vector<16xi32> to vector<16xi32>
        %swap3A_450 = vector.shape_cast %select_n3A_446 : vector<16xi32> to vector<16xi32>
        tpu.vector_store %arg13[%swap3A_447], %swap3A_450 {strides = array<i32>} : memref<80xi32, #tpu.memory_space<vmem>>, vector<16xi32>,
        %dma_start3A_451 = arith.constant 0 : i32
        %dma_start3A_452 = arith.constant 0 : i32
        %dma_start3A_453 = tpu.memref_slice %arg30[%dma_start3A_451, %dma_start3A_452] : memref<5008x128xf32, #tpu.memory_space<vmem_shared>> -> memref<5008x128xf32, #tpu.memory_space<vmem_shared>>
        tpu.enqueue_indirect_dma source(%arg7 : memref<80x128xf32, #tpu.memory_space<vmem>>) target(%dma_start3A_453 : memref<5008x128xf32, #tpu.memory_space<vmem_shared>>) offsets(%arg13 : memref<80xi32, #tpu.memory_space<vmem>>) semaphore(%arg25 : memref<!tpu.dma_semaphore, #tpu.memory_space<semaphore_mem>>) {add = true}
        %sub3A_454 = arith.constant 1 : i32
        %sub3A_455 = arith.subi %add3A_313, %sub3A_454 : i32
        %ge3A_456 = arith.cmpi sge, %sub3A_455, %scan3A_25#0 : i32
        %convert_element_type3A_457 = arith.extui %ge3A_456 : i1 to i32
        %cond3A_458 = arith.constant 0 : i32
        %cond3A_459 = arith.cmpi ne, %convert_element_type3A_457, %cond3A_458 : i32
        scf.if %cond3A_459 {
          %dma_wait3A_466 = arith.constant 0 : i32
          %dma_wait3A_467 = arith.constant 0 : i32
          %dma_wait3A_468 = tpu.memref_slice %arg30[%dma_wait3A_466, %dma_wait3A_467] : memref<5008x128xf32, #tpu.memory_space<vmem_shared>> -> memref<5008x128xf32, #tpu.memory_space<vmem_shared>>
          tpu.wait_indirect_dma semaphore(%arg24 : memref<!tpu.dma_semaphore, #tpu.memory_space<semaphore_mem>>) src(%arg6 : memref<80x128xf32, #tpu.memory_space<vmem>>) dst(%dma_wait3A_468 : memref<5008x128xf32, #tpu.memory_space<vmem_shared>>)
        } else {
        }
        %add3A_460 = arith.constant 4 : i32
        %add3A_461 = arith.addi %add3A_313, %add3A_460 : i32
        %lt3A_462 = arith.cmpi slt, %add3A_461, %scan3A_33#0 : i32
        %convert_element_type3A_463 = arith.extui %lt3A_462 : i1 to i32
        %cond3A_464 = arith.constant 0 : i32
        %cond3A_465 = arith.cmpi ne, %convert_element_type3A_463, %cond3A_464 : i32
        scf.if %cond3A_465 {
          %add3A_466 = arith.constant 4 : i32
          %add3A_467 = arith.addi %add3A_313, %add3A_466 : i32
          %mul3A_468 = arith.constant 80 : i32
          %mul3A_469 = arith.muli %add3A_467, %mul3A_468 : i32
          %add3A_470 = arith.addi %mul3A_36, %mul3A_469 : i32
          %dma_start3A_471 = arith.constant 0 : i32
          %dma_start3A_472 = tpu.memref_slice %arg2[%add3A_470, %dma_start3A_471] : memref<320000x128xf32, #tpu.memory_space<hbm>> -> memref<80x128xf32, #tpu.memory_space<hbm>>
          %dma_start3A_473 = arith.constant 0 : i32
          %dma_start3A_474 = tpu.memref_slice %arg2[%add3A_470, %dma_start3A_473] : memref<320000x128xf32, #tpu.memory_space<hbm>> -> memref<80x128xf32, #tpu.memory_space<hbm>>
          tpu.enqueue_dma source(%dma_start3A_474 : memref<80x128xf32, #tpu.memory_space<hbm>>) target(%arg11 : memref<80x128xf32, #tpu.memory_space<vmem>>) target_semaphore(%arg23 : memref<!tpu.dma_semaphore, #tpu.memory_space<semaphore_mem>>)
        } else {
        }
      } else {
      }
      %add3A_318 = arith.constant 2 : i32
      %add3A_319 = arith.addi %add3A_305, %add3A_318 : i32
      %lt3A_320 = arith.cmpi slt, %add3A_319, %scan3A_33#0 : i32
      %convert_element_type3A_321 = arith.extui %lt3A_320 : i1 to i32
      %cond3A_322 = arith.constant 0 : i32
      %cond3A_323 = arith.cmpi ne, %convert_element_type3A_321, %cond3A_322 : i32
      scf.if %cond3A_323 {
        %mul3A_342 = arith.constant 80 : i32
        %mul3A_343 = arith.muli %add3A_319, %mul3A_342 : i32
        %add3A_344 = arith.addi %mul3A_36, %mul3A_343 : i32
        %dma_wait3A_345 = arith.constant 0 : i32
        %dma_wait3A_346 = tpu.memref_slice %arg2[%add3A_344, %dma_wait3A_345] : memref<320000x128xf32, #tpu.memory_space<hbm>> -> memref<80x128xf32, #tpu.memory_space<hbm>>
        %dma_wait3A_347 = arith.constant 0 : i32
        %dma_wait3A_348 = tpu.memref_slice %arg2[%add3A_344, %dma_wait3A_347] : memref<320000x128xf32, #tpu.memory_space<hbm>> -> memref<80x128xf32, #tpu.memory_space<hbm>>
        tpu.wait_dma2 semaphore(%arg20 : memref<!tpu.dma_semaphore, #tpu.memory_space<semaphore_mem>>) src(%dma_wait3A_348 : memref<80x128xf32, #tpu.memory_space<hbm>>) dst(%arg8 : memref<80x128xf32, #tpu.memory_space<vmem>>)
        %mul3A_349 = arith.constant 80 : i32
        %mul3A_350 = arith.muli %add3A_319, %mul3A_349 : i32
        %add3A_351 = arith.constant 0 : i32
        %add3A_352 = arith.addi %mul3A_350, %add3A_351 : i32
        %get3A = arith.index_cast %add3A_352 : i32 to index
        %get3A_353 = tpu.vector_load %arg5[%get3A] {strides = array<i32>} : memref<20000xi32, #tpu.memory_space<vmem>>, vector<16xi32>,
        %get3A_354 = vector.shape_cast %get3A_353 : vector<16xi32> to vector<16xi32>
        %ge3A_355 = vector.broadcast %mul3A_0 : i32 to vector<16xi32>
        %ge3A_356 = arith.cmpi sge, %get3A_354, %ge3A_355 : vector<16xi32>
        %lt3A_357 = vector.broadcast %add3A_1 : i32 to vector<16xi32>
        %lt3A_358 = arith.cmpi slt, %get3A_354, %lt3A_357 : vector<16xi32>
        %and3A_359 = arith.andi %ge3A_356, %lt3A_358 : vector<16xi1>
        %sub3A_360 = vector.broadcast %mul3A_0 : i32 to vector<16xi32>
        %sub3A_361 = arith.subi %get3A_354, %sub3A_360 : vector<16xi32>
        %jit3A_362 = arith.constant 5000 : i32
        %broadcast_in_dim3A = vector.broadcast %jit3A_362 : i32 to vector<16xi32>
        %select_n3A_363 = arith.select %and3A_359, %sub3A_361, %broadcast_in_dim3A : vector<16xi1>, vector<16xi32>
        %swap3A = arith.constant 0 : index
        %swap3A_364 = tpu.vector_load %arg14[%swap3A] {strides = array<i32>} : memref<80xi32, #tpu.memory_space<vmem>>, vector<16xi32>,
        %swap3A_365 = vector.shape_cast %swap3A_364 : vector<16xi32> to vector<16xi32>
        %swap3A_366 = vector.shape_cast %select_n3A_363 : vector<16xi32> to vector<16xi32>
        tpu.vector_store %arg14[%swap3A], %swap3A_366 {strides = array<i32>} : memref<80xi32, #tpu.memory_space<vmem>>, vector<16xi32>,
        %mul3A_367 = arith.constant 80 : i32
        %mul3A_368 = arith.muli %add3A_319, %mul3A_367 : i32
        %add3A_369 = arith.constant 16 : i32
        %add3A_370 = arith.addi %mul3A_368, %add3A_369 : i32
        %get3A_371 = arith.index_cast %add3A_370 : i32 to index
        %get3A_372 = tpu.vector_load %arg5[%get3A_371] {strides = array<i32>} : memref<20000xi32, #tpu.memory_space<vmem>>, vector<16xi32>,
        %get3A_373 = vector.shape_cast %get3A_372 : vector<16xi32> to vector<16xi32>
        %ge3A_374 = vector.broadcast %mul3A_0 : i32 to vector<16xi32>
        %ge3A_375 = arith.cmpi sge, %get3A_373, %ge3A_374 : vector<16xi32>
        %lt3A_376 = vector.broadcast %add3A_1 : i32 to vector<16xi32>
        %lt3A_377 = arith.cmpi slt, %get3A_373, %lt3A_376 : vector<16xi32>
        %and3A_378 = arith.andi %ge3A_375, %lt3A_377 : vector<16xi1>
        %sub3A_379 = vector.broadcast %mul3A_0 : i32 to vector<16xi32>
        %sub3A_380 = arith.subi %get3A_373, %sub3A_379 : vector<16xi32>
        %jit3A_381 = arith.constant 5000 : i32
        %broadcast_in_dim3A_382 = vector.broadcast %jit3A_381 : i32 to vector<16xi32>
        %select_n3A_383 = arith.select %and3A_378, %sub3A_380, %broadcast_in_dim3A_382 : vector<16xi1>, vector<16xi32>
        %swap3A_384 = arith.constant 16 : index
        %swap3A_385 = tpu.vector_load %arg14[%swap3A_384] {strides = array<i32>} : memref<80xi32, #tpu.memory_space<vmem>>, vector<16xi32>,
        %swap3A_386 = vector.shape_cast %swap3A_385 : vector<16xi32> to vector<16xi32>
        %swap3A_387 = vector.shape_cast %select_n3A_383 : vector<16xi32> to vector<16xi32>
        tpu.vector_store %arg14[%swap3A_384], %swap3A_387 {strides = array<i32>} : memref<80xi32, #tpu.memory_space<vmem>>, vector<16xi32>,
        %mul3A_388 = arith.constant 80 : i32
        %mul3A_389 = arith.muli %add3A_319, %mul3A_388 : i32
        %add3A_390 = arith.constant 32 : i32
        %add3A_391 = arith.addi %mul3A_389, %add3A_390 : i32
        %get3A_392 = arith.index_cast %add3A_391 : i32 to index
        %get3A_393 = tpu.vector_load %arg5[%get3A_392] {strides = array<i32>} : memref<20000xi32, #tpu.memory_space<vmem>>, vector<16xi32>,
        %get3A_394 = vector.shape_cast %get3A_393 : vector<16xi32> to vector<16xi32>
        %ge3A_395 = vector.broadcast %mul3A_0 : i32 to vector<16xi32>
        %ge3A_396 = arith.cmpi sge, %get3A_394, %ge3A_395 : vector<16xi32>
        %lt3A_397 = vector.broadcast %add3A_1 : i32 to vector<16xi32>
        %lt3A_398 = arith.cmpi slt, %get3A_394, %lt3A_397 : vector<16xi32>
        %and3A_399 = arith.andi %ge3A_396, %lt3A_398 : vector<16xi1>
        %sub3A_400 = vector.broadcast %mul3A_0 : i32 to vector<16xi32>
        %sub3A_401 = arith.subi %get3A_394, %sub3A_400 : vector<16xi32>
        %jit3A_402 = arith.constant 5000 : i32
        %broadcast_in_dim3A_403 = vector.broadcast %jit3A_402 : i32 to vector<16xi32>
        %select_n3A_404 = arith.select %and3A_399, %sub3A_401, %broadcast_in_dim3A_403 : vector<16xi1>, vector<16xi32>
        %swap3A_405 = arith.constant 32 : index
        %swap3A_406 = tpu.vector_load %arg14[%swap3A_405] {strides = array<i32>} : memref<80xi32, #tpu.memory_space<vmem>>, vector<16xi32>,
        %swap3A_407 = vector.shape_cast %swap3A_406 : vector<16xi32> to vector<16xi32>
        %swap3A_408 = vector.shape_cast %select_n3A_404 : vector<16xi32> to vector<16xi32>
        tpu.vector_store %arg14[%swap3A_405], %swap3A_408 {strides = array<i32>} : memref<80xi32, #tpu.memory_space<vmem>>, vector<16xi32>,
        %mul3A_409 = arith.constant 80 : i32
        %mul3A_410 = arith.muli %add3A_319, %mul3A_409 : i32
        %add3A_411 = arith.constant 48 : i32
        %add3A_412 = arith.addi %mul3A_410, %add3A_411 : i32
        %get3A_413 = arith.index_cast %add3A_412 : i32 to index
        %get3A_414 = tpu.vector_load %arg5[%get3A_413] {strides = array<i32>} : memref<20000xi32, #tpu.memory_space<vmem>>, vector<16xi32>,
        %get3A_415 = vector.shape_cast %get3A_414 : vector<16xi32> to vector<16xi32>
        %ge3A_416 = vector.broadcast %mul3A_0 : i32 to vector<16xi32>
        %ge3A_417 = arith.cmpi sge, %get3A_415, %ge3A_416 : vector<16xi32>
        %lt3A_418 = vector.broadcast %add3A_1 : i32 to vector<16xi32>
        %lt3A_419 = arith.cmpi slt, %get3A_415, %lt3A_418 : vector<16xi32>
        %and3A_420 = arith.andi %ge3A_417, %lt3A_419 : vector<16xi1>
        %sub3A_421 = vector.broadcast %mul3A_0 : i32 to vector<16xi32>
        %sub3A_422 = arith.subi %get3A_415, %sub3A_421 : vector<16xi32>
        %jit3A_423 = arith.constant 5000 : i32
        %broadcast_in_dim3A_424 = vector.broadcast %jit3A_423 : i32 to vector<16xi32>
        %select_n3A_425 = arith.select %and3A_420, %sub3A_422, %broadcast_in_dim3A_424 : vector<16xi1>, vector<16xi32>
        %swap3A_426 = arith.constant 48 : index
        %swap3A_427 = tpu.vector_load %arg14[%swap3A_426] {strides = array<i32>} : memref<80xi32, #tpu.memory_space<vmem>>, vector<16xi32>,
        %swap3A_428 = vector.shape_cast %swap3A_427 : vector<16xi32> to vector<16xi32>
        %swap3A_429 = vector.shape_cast %select_n3A_425 : vector<16xi32> to vector<16xi32>
        tpu.vector_store %arg14[%swap3A_426], %swap3A_429 {strides = array<i32>} : memref<80xi32, #tpu.memory_space<vmem>>, vector<16xi32>,
        %mul3A_430 = arith.constant 80 : i32
        %mul3A_431 = arith.muli %add3A_319, %mul3A_430 : i32
        %add3A_432 = arith.constant 64 : i32
        %add3A_433 = arith.addi %mul3A_431, %add3A_432 : i32
        %get3A_434 = arith.index_cast %add3A_433 : i32 to index
        %get3A_435 = tpu.vector_load %arg5[%get3A_434] {strides = array<i32>} : memref<20000xi32, #tpu.memory_space<vmem>>, vector<16xi32>,
        %get3A_436 = vector.shape_cast %get3A_435 : vector<16xi32> to vector<16xi32>
        %ge3A_437 = vector.broadcast %mul3A_0 : i32 to vector<16xi32>
        %ge3A_438 = arith.cmpi sge, %get3A_436, %ge3A_437 : vector<16xi32>
        %lt3A_439 = vector.broadcast %add3A_1 : i32 to vector<16xi32>
        %lt3A_440 = arith.cmpi slt, %get3A_436, %lt3A_439 : vector<16xi32>
        %and3A_441 = arith.andi %ge3A_438, %lt3A_440 : vector<16xi1>
        %sub3A_442 = vector.broadcast %mul3A_0 : i32 to vector<16xi32>
        %sub3A_443 = arith.subi %get3A_436, %sub3A_442 : vector<16xi32>
        %jit3A_444 = arith.constant 5000 : i32
        %broadcast_in_dim3A_445 = vector.broadcast %jit3A_444 : i32 to vector<16xi32>
        %select_n3A_446 = arith.select %and3A_441, %sub3A_443, %broadcast_in_dim3A_445 : vector<16xi1>, vector<16xi32>
        %swap3A_447 = arith.constant 64 : index
        %swap3A_448 = tpu.vector_load %arg14[%swap3A_447] {strides = array<i32>} : memref<80xi32, #tpu.memory_space<vmem>>, vector<16xi32>,
        %swap3A_449 = vector.shape_cast %swap3A_448 : vector<16xi32> to vector<16xi32>
        %swap3A_450 = vector.shape_cast %select_n3A_446 : vector<16xi32> to vector<16xi32>
        tpu.vector_store %arg14[%swap3A_447], %swap3A_450 {strides = array<i32>} : memref<80xi32, #tpu.memory_space<vmem>>, vector<16xi32>,
        %dma_start3A_451 = arith.constant 0 : i32
        %dma_start3A_452 = arith.constant 0 : i32
        %dma_start3A_453 = tpu.memref_slice %arg30[%dma_start3A_451, %dma_start3A_452] : memref<5008x128xf32, #tpu.memory_space<vmem_shared>> -> memref<5008x128xf32, #tpu.memory_space<vmem_shared>>
        tpu.enqueue_indirect_dma source(%arg8 : memref<80x128xf32, #tpu.memory_space<vmem>>) target(%dma_start3A_453 : memref<5008x128xf32, #tpu.memory_space<vmem_shared>>) offsets(%arg14 : memref<80xi32, #tpu.memory_space<vmem>>) semaphore(%arg26 : memref<!tpu.dma_semaphore, #tpu.memory_space<semaphore_mem>>) {add = true}
        %sub3A_454 = arith.constant 1 : i32
        %sub3A_455 = arith.subi %add3A_319, %sub3A_454 : i32
        %ge3A_456 = arith.cmpi sge, %sub3A_455, %scan3A_25#0 : i32
        %convert_element_type3A_457 = arith.extui %ge3A_456 : i1 to i32
        %cond3A_458 = arith.constant 0 : i32
        %cond3A_459 = arith.cmpi ne, %convert_element_type3A_457, %cond3A_458 : i32
        scf.if %cond3A_459 {
          %dma_wait3A_466 = arith.constant 0 : i32
          %dma_wait3A_467 = arith.constant 0 : i32
          %dma_wait3A_468 = tpu.memref_slice %arg30[%dma_wait3A_466, %dma_wait3A_467] : memref<5008x128xf32, #tpu.memory_space<vmem_shared>> -> memref<5008x128xf32, #tpu.memory_space<vmem_shared>>
          tpu.wait_indirect_dma semaphore(%arg25 : memref<!tpu.dma_semaphore, #tpu.memory_space<semaphore_mem>>) src(%arg7 : memref<80x128xf32, #tpu.memory_space<vmem>>) dst(%dma_wait3A_468 : memref<5008x128xf32, #tpu.memory_space<vmem_shared>>)
        } else {
        }
        %add3A_460 = arith.constant 4 : i32
        %add3A_461 = arith.addi %add3A_319, %add3A_460 : i32
        %lt3A_462 = arith.cmpi slt, %add3A_461, %scan3A_33#0 : i32
        %convert_element_type3A_463 = arith.extui %lt3A_462 : i1 to i32
        %cond3A_464 = arith.constant 0 : i32
        %cond3A_465 = arith.cmpi ne, %convert_element_type3A_463, %cond3A_464 : i32
        scf.if %cond3A_465 {
          %add3A_466 = arith.constant 4 : i32
          %add3A_467 = arith.addi %add3A_319, %add3A_466 : i32
          %mul3A_468 = arith.constant 80 : i32
          %mul3A_469 = arith.muli %add3A_467, %mul3A_468 : i32
          %add3A_470 = arith.addi %mul3A_36, %mul3A_469 : i32
          %dma_start3A_471 = arith.constant 0 : i32
          %dma_start3A_472 = tpu.memref_slice %arg2[%add3A_470, %dma_start3A_471] : memref<320000x128xf32, #tpu.memory_space<hbm>> -> memref<80x128xf32, #tpu.memory_space<hbm>>
          %dma_start3A_473 = arith.constant 0 : i32
          %dma_start3A_474 = tpu.memref_slice %arg2[%add3A_470, %dma_start3A_473] : memref<320000x128xf32, #tpu.memory_space<hbm>> -> memref<80x128xf32, #tpu.memory_space<hbm>>
          tpu.enqueue_dma source(%dma_start3A_474 : memref<80x128xf32, #tpu.memory_space<hbm>>) target(%arg6 : memref<80x128xf32, #tpu.memory_space<vmem>>) target_semaphore(%arg18 : memref<!tpu.dma_semaphore, #tpu.memory_space<semaphore_mem>>)
        } else {
        }
      } else {
      }
      %add3A_324 = arith.constant 3 : i32
      %add3A_325 = arith.addi %add3A_305, %add3A_324 : i32
      %lt3A_326 = arith.cmpi slt, %add3A_325, %scan3A_33#0 : i32
      %convert_element_type3A_327 = arith.extui %lt3A_326 : i1 to i32
      %cond3A_328 = arith.constant 0 : i32
      %cond3A_329 = arith.cmpi ne, %convert_element_type3A_327, %cond3A_328 : i32
      scf.if %cond3A_329 {
        %mul3A_342 = arith.constant 80 : i32
        %mul3A_343 = arith.muli %add3A_325, %mul3A_342 : i32
        %add3A_344 = arith.addi %mul3A_36, %mul3A_343 : i32
        %dma_wait3A_345 = arith.constant 0 : i32
        %dma_wait3A_346 = tpu.memref_slice %arg2[%add3A_344, %dma_wait3A_345] : memref<320000x128xf32, #tpu.memory_space<hbm>> -> memref<80x128xf32, #tpu.memory_space<hbm>>
        %dma_wait3A_347 = arith.constant 0 : i32
        %dma_wait3A_348 = tpu.memref_slice %arg2[%add3A_344, %dma_wait3A_347] : memref<320000x128xf32, #tpu.memory_space<hbm>> -> memref<80x128xf32, #tpu.memory_space<hbm>>
        tpu.wait_dma2 semaphore(%arg21 : memref<!tpu.dma_semaphore, #tpu.memory_space<semaphore_mem>>) src(%dma_wait3A_348 : memref<80x128xf32, #tpu.memory_space<hbm>>) dst(%arg9 : memref<80x128xf32, #tpu.memory_space<vmem>>)
        %mul3A_349 = arith.constant 80 : i32
        %mul3A_350 = arith.muli %add3A_325, %mul3A_349 : i32
        %add3A_351 = arith.constant 0 : i32
        %add3A_352 = arith.addi %mul3A_350, %add3A_351 : i32
        %get3A = arith.index_cast %add3A_352 : i32 to index
        %get3A_353 = tpu.vector_load %arg5[%get3A] {strides = array<i32>} : memref<20000xi32, #tpu.memory_space<vmem>>, vector<16xi32>,
        %get3A_354 = vector.shape_cast %get3A_353 : vector<16xi32> to vector<16xi32>
        %ge3A_355 = vector.broadcast %mul3A_0 : i32 to vector<16xi32>
        %ge3A_356 = arith.cmpi sge, %get3A_354, %ge3A_355 : vector<16xi32>
        %lt3A_357 = vector.broadcast %add3A_1 : i32 to vector<16xi32>
        %lt3A_358 = arith.cmpi slt, %get3A_354, %lt3A_357 : vector<16xi32>
        %and3A_359 = arith.andi %ge3A_356, %lt3A_358 : vector<16xi1>
        %sub3A_360 = vector.broadcast %mul3A_0 : i32 to vector<16xi32>
        %sub3A_361 = arith.subi %get3A_354, %sub3A_360 : vector<16xi32>
        %jit3A_362 = arith.constant 5000 : i32
        %broadcast_in_dim3A = vector.broadcast %jit3A_362 : i32 to vector<16xi32>
        %select_n3A_363 = arith.select %and3A_359, %sub3A_361, %broadcast_in_dim3A : vector<16xi1>, vector<16xi32>
        %swap3A = arith.constant 0 : index
        %swap3A_364 = tpu.vector_load %arg15[%swap3A] {strides = array<i32>} : memref<80xi32, #tpu.memory_space<vmem>>, vector<16xi32>,
        %swap3A_365 = vector.shape_cast %swap3A_364 : vector<16xi32> to vector<16xi32>
        %swap3A_366 = vector.shape_cast %select_n3A_363 : vector<16xi32> to vector<16xi32>
        tpu.vector_store %arg15[%swap3A], %swap3A_366 {strides = array<i32>} : memref<80xi32, #tpu.memory_space<vmem>>, vector<16xi32>,
        %mul3A_367 = arith.constant 80 : i32
        %mul3A_368 = arith.muli %add3A_325, %mul3A_367 : i32
        %add3A_369 = arith.constant 16 : i32
        %add3A_370 = arith.addi %mul3A_368, %add3A_369 : i32
        %get3A_371 = arith.index_cast %add3A_370 : i32 to index
        %get3A_372 = tpu.vector_load %arg5[%get3A_371] {strides = array<i32>} : memref<20000xi32, #tpu.memory_space<vmem>>, vector<16xi32>,
        %get3A_373 = vector.shape_cast %get3A_372 : vector<16xi32> to vector<16xi32>
        %ge3A_374 = vector.broadcast %mul3A_0 : i32 to vector<16xi32>
        %ge3A_375 = arith.cmpi sge, %get3A_373, %ge3A_374 : vector<16xi32>
        %lt3A_376 = vector.broadcast %add3A_1 : i32 to vector<16xi32>
        %lt3A_377 = arith.cmpi slt, %get3A_373, %lt3A_376 : vector<16xi32>
        %and3A_378 = arith.andi %ge3A_375, %lt3A_377 : vector<16xi1>
        %sub3A_379 = vector.broadcast %mul3A_0 : i32 to vector<16xi32>
        %sub3A_380 = arith.subi %get3A_373, %sub3A_379 : vector<16xi32>
        %jit3A_381 = arith.constant 5000 : i32
        %broadcast_in_dim3A_382 = vector.broadcast %jit3A_381 : i32 to vector<16xi32>
        %select_n3A_383 = arith.select %and3A_378, %sub3A_380, %broadcast_in_dim3A_382 : vector<16xi1>, vector<16xi32>
        %swap3A_384 = arith.constant 16 : index
        %swap3A_385 = tpu.vector_load %arg15[%swap3A_384] {strides = array<i32>} : memref<80xi32, #tpu.memory_space<vmem>>, vector<16xi32>,
        %swap3A_386 = vector.shape_cast %swap3A_385 : vector<16xi32> to vector<16xi32>
        %swap3A_387 = vector.shape_cast %select_n3A_383 : vector<16xi32> to vector<16xi32>
        tpu.vector_store %arg15[%swap3A_384], %swap3A_387 {strides = array<i32>} : memref<80xi32, #tpu.memory_space<vmem>>, vector<16xi32>,
        %mul3A_388 = arith.constant 80 : i32
        %mul3A_389 = arith.muli %add3A_325, %mul3A_388 : i32
        %add3A_390 = arith.constant 32 : i32
        %add3A_391 = arith.addi %mul3A_389, %add3A_390 : i32
        %get3A_392 = arith.index_cast %add3A_391 : i32 to index
        %get3A_393 = tpu.vector_load %arg5[%get3A_392] {strides = array<i32>} : memref<20000xi32, #tpu.memory_space<vmem>>, vector<16xi32>,
        %get3A_394 = vector.shape_cast %get3A_393 : vector<16xi32> to vector<16xi32>
        %ge3A_395 = vector.broadcast %mul3A_0 : i32 to vector<16xi32>
        %ge3A_396 = arith.cmpi sge, %get3A_394, %ge3A_395 : vector<16xi32>
        %lt3A_397 = vector.broadcast %add3A_1 : i32 to vector<16xi32>
        %lt3A_398 = arith.cmpi slt, %get3A_394, %lt3A_397 : vector<16xi32>
        %and3A_399 = arith.andi %ge3A_396, %lt3A_398 : vector<16xi1>
        %sub3A_400 = vector.broadcast %mul3A_0 : i32 to vector<16xi32>
        %sub3A_401 = arith.subi %get3A_394, %sub3A_400 : vector<16xi32>
        %jit3A_402 = arith.constant 5000 : i32
        %broadcast_in_dim3A_403 = vector.broadcast %jit3A_402 : i32 to vector<16xi32>
        %select_n3A_404 = arith.select %and3A_399, %sub3A_401, %broadcast_in_dim3A_403 : vector<16xi1>, vector<16xi32>
        %swap3A_405 = arith.constant 32 : index
        %swap3A_406 = tpu.vector_load %arg15[%swap3A_405] {strides = array<i32>} : memref<80xi32, #tpu.memory_space<vmem>>, vector<16xi32>,
        %swap3A_407 = vector.shape_cast %swap3A_406 : vector<16xi32> to vector<16xi32>
        %swap3A_408 = vector.shape_cast %select_n3A_404 : vector<16xi32> to vector<16xi32>
        tpu.vector_store %arg15[%swap3A_405], %swap3A_408 {strides = array<i32>} : memref<80xi32, #tpu.memory_space<vmem>>, vector<16xi32>,
        %mul3A_409 = arith.constant 80 : i32
        %mul3A_410 = arith.muli %add3A_325, %mul3A_409 : i32
        %add3A_411 = arith.constant 48 : i32
        %add3A_412 = arith.addi %mul3A_410, %add3A_411 : i32
        %get3A_413 = arith.index_cast %add3A_412 : i32 to index
        %get3A_414 = tpu.vector_load %arg5[%get3A_413] {strides = array<i32>} : memref<20000xi32, #tpu.memory_space<vmem>>, vector<16xi32>,
        %get3A_415 = vector.shape_cast %get3A_414 : vector<16xi32> to vector<16xi32>
        %ge3A_416 = vector.broadcast %mul3A_0 : i32 to vector<16xi32>
        %ge3A_417 = arith.cmpi sge, %get3A_415, %ge3A_416 : vector<16xi32>
        %lt3A_418 = vector.broadcast %add3A_1 : i32 to vector<16xi32>
        %lt3A_419 = arith.cmpi slt, %get3A_415, %lt3A_418 : vector<16xi32>
        %and3A_420 = arith.andi %ge3A_417, %lt3A_419 : vector<16xi1>
        %sub3A_421 = vector.broadcast %mul3A_0 : i32 to vector<16xi32>
        %sub3A_422 = arith.subi %get3A_415, %sub3A_421 : vector<16xi32>
        %jit3A_423 = arith.constant 5000 : i32
        %broadcast_in_dim3A_424 = vector.broadcast %jit3A_423 : i32 to vector<16xi32>
        %select_n3A_425 = arith.select %and3A_420, %sub3A_422, %broadcast_in_dim3A_424 : vector<16xi1>, vector<16xi32>
        %swap3A_426 = arith.constant 48 : index
        %swap3A_427 = tpu.vector_load %arg15[%swap3A_426] {strides = array<i32>} : memref<80xi32, #tpu.memory_space<vmem>>, vector<16xi32>,
        %swap3A_428 = vector.shape_cast %swap3A_427 : vector<16xi32> to vector<16xi32>
        %swap3A_429 = vector.shape_cast %select_n3A_425 : vector<16xi32> to vector<16xi32>
        tpu.vector_store %arg15[%swap3A_426], %swap3A_429 {strides = array<i32>} : memref<80xi32, #tpu.memory_space<vmem>>, vector<16xi32>,
        %mul3A_430 = arith.constant 80 : i32
        %mul3A_431 = arith.muli %add3A_325, %mul3A_430 : i32
        %add3A_432 = arith.constant 64 : i32
        %add3A_433 = arith.addi %mul3A_431, %add3A_432 : i32
        %get3A_434 = arith.index_cast %add3A_433 : i32 to index
        %get3A_435 = tpu.vector_load %arg5[%get3A_434] {strides = array<i32>} : memref<20000xi32, #tpu.memory_space<vmem>>, vector<16xi32>,
        %get3A_436 = vector.shape_cast %get3A_435 : vector<16xi32> to vector<16xi32>
        %ge3A_437 = vector.broadcast %mul3A_0 : i32 to vector<16xi32>
        %ge3A_438 = arith.cmpi sge, %get3A_436, %ge3A_437 : vector<16xi32>
        %lt3A_439 = vector.broadcast %add3A_1 : i32 to vector<16xi32>
        %lt3A_440 = arith.cmpi slt, %get3A_436, %lt3A_439 : vector<16xi32>
        %and3A_441 = arith.andi %ge3A_438, %lt3A_440 : vector<16xi1>
        %sub3A_442 = vector.broadcast %mul3A_0 : i32 to vector<16xi32>
        %sub3A_443 = arith.subi %get3A_436, %sub3A_442 : vector<16xi32>
        %jit3A_444 = arith.constant 5000 : i32
        %broadcast_in_dim3A_445 = vector.broadcast %jit3A_444 : i32 to vector<16xi32>
        %select_n3A_446 = arith.select %and3A_441, %sub3A_443, %broadcast_in_dim3A_445 : vector<16xi1>, vector<16xi32>
        %swap3A_447 = arith.constant 64 : index
        %swap3A_448 = tpu.vector_load %arg15[%swap3A_447] {strides = array<i32>} : memref<80xi32, #tpu.memory_space<vmem>>, vector<16xi32>,
        %swap3A_449 = vector.shape_cast %swap3A_448 : vector<16xi32> to vector<16xi32>
        %swap3A_450 = vector.shape_cast %select_n3A_446 : vector<16xi32> to vector<16xi32>
        tpu.vector_store %arg15[%swap3A_447], %swap3A_450 {strides = array<i32>} : memref<80xi32, #tpu.memory_space<vmem>>, vector<16xi32>,
        %dma_start3A_451 = arith.constant 0 : i32
        %dma_start3A_452 = arith.constant 0 : i32
        %dma_start3A_453 = tpu.memref_slice %arg30[%dma_start3A_451, %dma_start3A_452] : memref<5008x128xf32, #tpu.memory_space<vmem_shared>> -> memref<5008x128xf32, #tpu.memory_space<vmem_shared>>
        tpu.enqueue_indirect_dma source(%arg9 : memref<80x128xf32, #tpu.memory_space<vmem>>) target(%dma_start3A_453 : memref<5008x128xf32, #tpu.memory_space<vmem_shared>>) offsets(%arg15 : memref<80xi32, #tpu.memory_space<vmem>>) semaphore(%arg27 : memref<!tpu.dma_semaphore, #tpu.memory_space<semaphore_mem>>) {add = true}
        %sub3A_454 = arith.constant 1 : i32
        %sub3A_455 = arith.subi %add3A_325, %sub3A_454 : i32
        %ge3A_456 = arith.cmpi sge, %sub3A_455, %scan3A_25#0 : i32
        %convert_element_type3A_457 = arith.extui %ge3A_456 : i1 to i32
        %cond3A_458 = arith.constant 0 : i32
        %cond3A_459 = arith.cmpi ne, %convert_element_type3A_457, %cond3A_458 : i32
        scf.if %cond3A_459 {
          %dma_wait3A_466 = arith.constant 0 : i32
          %dma_wait3A_467 = arith.constant 0 : i32
          %dma_wait3A_468 = tpu.memref_slice %arg30[%dma_wait3A_466, %dma_wait3A_467] : memref<5008x128xf32, #tpu.memory_space<vmem_shared>> -> memref<5008x128xf32, #tpu.memory_space<vmem_shared>>
          tpu.wait_indirect_dma semaphore(%arg26 : memref<!tpu.dma_semaphore, #tpu.memory_space<semaphore_mem>>) src(%arg8 : memref<80x128xf32, #tpu.memory_space<vmem>>) dst(%dma_wait3A_468 : memref<5008x128xf32, #tpu.memory_space<vmem_shared>>)
        } else {
        }
        %add3A_460 = arith.constant 4 : i32
        %add3A_461 = arith.addi %add3A_325, %add3A_460 : i32
        %lt3A_462 = arith.cmpi slt, %add3A_461, %scan3A_33#0 : i32
        %convert_element_type3A_463 = arith.extui %lt3A_462 : i1 to i32
        %cond3A_464 = arith.constant 0 : i32
        %cond3A_465 = arith.cmpi ne, %convert_element_type3A_463, %cond3A_464 : i32
        scf.if %cond3A_465 {
          %add3A_466 = arith.constant 4 : i32
          %add3A_467 = arith.addi %add3A_325, %add3A_466 : i32
          %mul3A_468 = arith.constant 80 : i32
          %mul3A_469 = arith.muli %add3A_467, %mul3A_468 : i32
          %add3A_470 = arith.addi %mul3A_36, %mul3A_469 : i32
          %dma_start3A_471 = arith.constant 0 : i32
          %dma_start3A_472 = tpu.memref_slice %arg2[%add3A_470, %dma_start3A_471] : memref<320000x128xf32, #tpu.memory_space<hbm>> -> memref<80x128xf32, #tpu.memory_space<hbm>>
          %dma_start3A_473 = arith.constant 0 : i32
          %dma_start3A_474 = tpu.memref_slice %arg2[%add3A_470, %dma_start3A_473] : memref<320000x128xf32, #tpu.memory_space<hbm>> -> memref<80x128xf32, #tpu.memory_space<hbm>>
          tpu.enqueue_dma source(%dma_start3A_474 : memref<80x128xf32, #tpu.memory_space<hbm>>) target(%arg7 : memref<80x128xf32, #tpu.memory_space<vmem>>) target_semaphore(%arg19 : memref<!tpu.dma_semaphore, #tpu.memory_space<semaphore_mem>>)
        } else {
        }
      } else {
      }
      %add3A_330 = arith.constant 4 : i32
      %add3A_331 = arith.addi %add3A_305, %add3A_330 : i32
      %lt3A_332 = arith.cmpi slt, %add3A_331, %scan3A_33#0 : i32
      %convert_element_type3A_333 = arith.extui %lt3A_332 : i1 to i32
      %cond3A_334 = arith.constant 0 : i32
      %cond3A_335 = arith.cmpi ne, %convert_element_type3A_333, %cond3A_334 : i32
      scf.if %cond3A_335 {
        %mul3A_342 = arith.constant 80 : i32
        %mul3A_343 = arith.muli %add3A_331, %mul3A_342 : i32
        %add3A_344 = arith.addi %mul3A_36, %mul3A_343 : i32
        %dma_wait3A_345 = arith.constant 0 : i32
        %dma_wait3A_346 = tpu.memref_slice %arg2[%add3A_344, %dma_wait3A_345] : memref<320000x128xf32, #tpu.memory_space<hbm>> -> memref<80x128xf32, #tpu.memory_space<hbm>>
        %dma_wait3A_347 = arith.constant 0 : i32
        %dma_wait3A_348 = tpu.memref_slice %arg2[%add3A_344, %dma_wait3A_347] : memref<320000x128xf32, #tpu.memory_space<hbm>> -> memref<80x128xf32, #tpu.memory_space<hbm>>
        tpu.wait_dma2 semaphore(%arg22 : memref<!tpu.dma_semaphore, #tpu.memory_space<semaphore_mem>>) src(%dma_wait3A_348 : memref<80x128xf32, #tpu.memory_space<hbm>>) dst(%arg10 : memref<80x128xf32, #tpu.memory_space<vmem>>)
        %mul3A_349 = arith.constant 80 : i32
        %mul3A_350 = arith.muli %add3A_331, %mul3A_349 : i32
        %add3A_351 = arith.constant 0 : i32
        %add3A_352 = arith.addi %mul3A_350, %add3A_351 : i32
        %get3A = arith.index_cast %add3A_352 : i32 to index
        %get3A_353 = tpu.vector_load %arg5[%get3A] {strides = array<i32>} : memref<20000xi32, #tpu.memory_space<vmem>>, vector<16xi32>,
        %get3A_354 = vector.shape_cast %get3A_353 : vector<16xi32> to vector<16xi32>
        %ge3A_355 = vector.broadcast %mul3A_0 : i32 to vector<16xi32>
        %ge3A_356 = arith.cmpi sge, %get3A_354, %ge3A_355 : vector<16xi32>
        %lt3A_357 = vector.broadcast %add3A_1 : i32 to vector<16xi32>
        %lt3A_358 = arith.cmpi slt, %get3A_354, %lt3A_357 : vector<16xi32>
        %and3A_359 = arith.andi %ge3A_356, %lt3A_358 : vector<16xi1>
        %sub3A_360 = vector.broadcast %mul3A_0 : i32 to vector<16xi32>
        %sub3A_361 = arith.subi %get3A_354, %sub3A_360 : vector<16xi32>
        %jit3A_362 = arith.constant 5000 : i32
        %broadcast_in_dim3A = vector.broadcast %jit3A_362 : i32 to vector<16xi32>
        %select_n3A_363 = arith.select %and3A_359, %sub3A_361, %broadcast_in_dim3A : vector<16xi1>, vector<16xi32>
        %swap3A = arith.constant 0 : index
        %swap3A_364 = tpu.vector_load %arg16[%swap3A] {strides = array<i32>} : memref<80xi32, #tpu.memory_space<vmem>>, vector<16xi32>,
        %swap3A_365 = vector.shape_cast %swap3A_364 : vector<16xi32> to vector<16xi32>
        %swap3A_366 = vector.shape_cast %select_n3A_363 : vector<16xi32> to vector<16xi32>
        tpu.vector_store %arg16[%swap3A], %swap3A_366 {strides = array<i32>} : memref<80xi32, #tpu.memory_space<vmem>>, vector<16xi32>,
        %mul3A_367 = arith.constant 80 : i32
        %mul3A_368 = arith.muli %add3A_331, %mul3A_367 : i32
        %add3A_369 = arith.constant 16 : i32
        %add3A_370 = arith.addi %mul3A_368, %add3A_369 : i32
        %get3A_371 = arith.index_cast %add3A_370 : i32 to index
        %get3A_372 = tpu.vector_load %arg5[%get3A_371] {strides = array<i32>} : memref<20000xi32, #tpu.memory_space<vmem>>, vector<16xi32>,
        %get3A_373 = vector.shape_cast %get3A_372 : vector<16xi32> to vector<16xi32>
        %ge3A_374 = vector.broadcast %mul3A_0 : i32 to vector<16xi32>
        %ge3A_375 = arith.cmpi sge, %get3A_373, %ge3A_374 : vector<16xi32>
        %lt3A_376 = vector.broadcast %add3A_1 : i32 to vector<16xi32>
        %lt3A_377 = arith.cmpi slt, %get3A_373, %lt3A_376 : vector<16xi32>
        %and3A_378 = arith.andi %ge3A_375, %lt3A_377 : vector<16xi1>
        %sub3A_379 = vector.broadcast %mul3A_0 : i32 to vector<16xi32>
        %sub3A_380 = arith.subi %get3A_373, %sub3A_379 : vector<16xi32>
        %jit3A_381 = arith.constant 5000 : i32
        %broadcast_in_dim3A_382 = vector.broadcast %jit3A_381 : i32 to vector<16xi32>
        %select_n3A_383 = arith.select %and3A_378, %sub3A_380, %broadcast_in_dim3A_382 : vector<16xi1>, vector<16xi32>
        %swap3A_384 = arith.constant 16 : index
        %swap3A_385 = tpu.vector_load %arg16[%swap3A_384] {strides = array<i32>} : memref<80xi32, #tpu.memory_space<vmem>>, vector<16xi32>,
        %swap3A_386 = vector.shape_cast %swap3A_385 : vector<16xi32> to vector<16xi32>
        %swap3A_387 = vector.shape_cast %select_n3A_383 : vector<16xi32> to vector<16xi32>
        tpu.vector_store %arg16[%swap3A_384], %swap3A_387 {strides = array<i32>} : memref<80xi32, #tpu.memory_space<vmem>>, vector<16xi32>,
        %mul3A_388 = arith.constant 80 : i32
        %mul3A_389 = arith.muli %add3A_331, %mul3A_388 : i32
        %add3A_390 = arith.constant 32 : i32
        %add3A_391 = arith.addi %mul3A_389, %add3A_390 : i32
        %get3A_392 = arith.index_cast %add3A_391 : i32 to index
        %get3A_393 = tpu.vector_load %arg5[%get3A_392] {strides = array<i32>} : memref<20000xi32, #tpu.memory_space<vmem>>, vector<16xi32>,
        %get3A_394 = vector.shape_cast %get3A_393 : vector<16xi32> to vector<16xi32>
        %ge3A_395 = vector.broadcast %mul3A_0 : i32 to vector<16xi32>
        %ge3A_396 = arith.cmpi sge, %get3A_394, %ge3A_395 : vector<16xi32>
        %lt3A_397 = vector.broadcast %add3A_1 : i32 to vector<16xi32>
        %lt3A_398 = arith.cmpi slt, %get3A_394, %lt3A_397 : vector<16xi32>
        %and3A_399 = arith.andi %ge3A_396, %lt3A_398 : vector<16xi1>
        %sub3A_400 = vector.broadcast %mul3A_0 : i32 to vector<16xi32>
        %sub3A_401 = arith.subi %get3A_394, %sub3A_400 : vector<16xi32>
        %jit3A_402 = arith.constant 5000 : i32
        %broadcast_in_dim3A_403 = vector.broadcast %jit3A_402 : i32 to vector<16xi32>
        %select_n3A_404 = arith.select %and3A_399, %sub3A_401, %broadcast_in_dim3A_403 : vector<16xi1>, vector<16xi32>
        %swap3A_405 = arith.constant 32 : index
        %swap3A_406 = tpu.vector_load %arg16[%swap3A_405] {strides = array<i32>} : memref<80xi32, #tpu.memory_space<vmem>>, vector<16xi32>,
        %swap3A_407 = vector.shape_cast %swap3A_406 : vector<16xi32> to vector<16xi32>
        %swap3A_408 = vector.shape_cast %select_n3A_404 : vector<16xi32> to vector<16xi32>
        tpu.vector_store %arg16[%swap3A_405], %swap3A_408 {strides = array<i32>} : memref<80xi32, #tpu.memory_space<vmem>>, vector<16xi32>,
        %mul3A_409 = arith.constant 80 : i32
        %mul3A_410 = arith.muli %add3A_331, %mul3A_409 : i32
        %add3A_411 = arith.constant 48 : i32
        %add3A_412 = arith.addi %mul3A_410, %add3A_411 : i32
        %get3A_413 = arith.index_cast %add3A_412 : i32 to index
        %get3A_414 = tpu.vector_load %arg5[%get3A_413] {strides = array<i32>} : memref<20000xi32, #tpu.memory_space<vmem>>, vector<16xi32>,
        %get3A_415 = vector.shape_cast %get3A_414 : vector<16xi32> to vector<16xi32>
        %ge3A_416 = vector.broadcast %mul3A_0 : i32 to vector<16xi32>
        %ge3A_417 = arith.cmpi sge, %get3A_415, %ge3A_416 : vector<16xi32>
        %lt3A_418 = vector.broadcast %add3A_1 : i32 to vector<16xi32>
        %lt3A_419 = arith.cmpi slt, %get3A_415, %lt3A_418 : vector<16xi32>
        %and3A_420 = arith.andi %ge3A_417, %lt3A_419 : vector<16xi1>
        %sub3A_421 = vector.broadcast %mul3A_0 : i32 to vector<16xi32>
        %sub3A_422 = arith.subi %get3A_415, %sub3A_421 : vector<16xi32>
        %jit3A_423 = arith.constant 5000 : i32
        %broadcast_in_dim3A_424 = vector.broadcast %jit3A_423 : i32 to vector<16xi32>
        %select_n3A_425 = arith.select %and3A_420, %sub3A_422, %broadcast_in_dim3A_424 : vector<16xi1>, vector<16xi32>
        %swap3A_426 = arith.constant 48 : index
        %swap3A_427 = tpu.vector_load %arg16[%swap3A_426] {strides = array<i32>} : memref<80xi32, #tpu.memory_space<vmem>>, vector<16xi32>,
        %swap3A_428 = vector.shape_cast %swap3A_427 : vector<16xi32> to vector<16xi32>
        %swap3A_429 = vector.shape_cast %select_n3A_425 : vector<16xi32> to vector<16xi32>
        tpu.vector_store %arg16[%swap3A_426], %swap3A_429 {strides = array<i32>} : memref<80xi32, #tpu.memory_space<vmem>>, vector<16xi32>,
        %mul3A_430 = arith.constant 80 : i32
        %mul3A_431 = arith.muli %add3A_331, %mul3A_430 : i32
        %add3A_432 = arith.constant 64 : i32
        %add3A_433 = arith.addi %mul3A_431, %add3A_432 : i32
        %get3A_434 = arith.index_cast %add3A_433 : i32 to index
        %get3A_435 = tpu.vector_load %arg5[%get3A_434] {strides = array<i32>} : memref<20000xi32, #tpu.memory_space<vmem>>, vector<16xi32>,
        %get3A_436 = vector.shape_cast %get3A_435 : vector<16xi32> to vector<16xi32>
        %ge3A_437 = vector.broadcast %mul3A_0 : i32 to vector<16xi32>
        %ge3A_438 = arith.cmpi sge, %get3A_436, %ge3A_437 : vector<16xi32>
        %lt3A_439 = vector.broadcast %add3A_1 : i32 to vector<16xi32>
        %lt3A_440 = arith.cmpi slt, %get3A_436, %lt3A_439 : vector<16xi32>
        %and3A_441 = arith.andi %ge3A_438, %lt3A_440 : vector<16xi1>
        %sub3A_442 = vector.broadcast %mul3A_0 : i32 to vector<16xi32>
        %sub3A_443 = arith.subi %get3A_436, %sub3A_442 : vector<16xi32>
        %jit3A_444 = arith.constant 5000 : i32
        %broadcast_in_dim3A_445 = vector.broadcast %jit3A_444 : i32 to vector<16xi32>
        %select_n3A_446 = arith.select %and3A_441, %sub3A_443, %broadcast_in_dim3A_445 : vector<16xi1>, vector<16xi32>
        %swap3A_447 = arith.constant 64 : index
        %swap3A_448 = tpu.vector_load %arg16[%swap3A_447] {strides = array<i32>} : memref<80xi32, #tpu.memory_space<vmem>>, vector<16xi32>,
        %swap3A_449 = vector.shape_cast %swap3A_448 : vector<16xi32> to vector<16xi32>
        %swap3A_450 = vector.shape_cast %select_n3A_446 : vector<16xi32> to vector<16xi32>
        tpu.vector_store %arg16[%swap3A_447], %swap3A_450 {strides = array<i32>} : memref<80xi32, #tpu.memory_space<vmem>>, vector<16xi32>,
        %dma_start3A_451 = arith.constant 0 : i32
        %dma_start3A_452 = arith.constant 0 : i32
        %dma_start3A_453 = tpu.memref_slice %arg30[%dma_start3A_451, %dma_start3A_452] : memref<5008x128xf32, #tpu.memory_space<vmem_shared>> -> memref<5008x128xf32, #tpu.memory_space<vmem_shared>>
        tpu.enqueue_indirect_dma source(%arg10 : memref<80x128xf32, #tpu.memory_space<vmem>>) target(%dma_start3A_453 : memref<5008x128xf32, #tpu.memory_space<vmem_shared>>) offsets(%arg16 : memref<80xi32, #tpu.memory_space<vmem>>) semaphore(%arg28 : memref<!tpu.dma_semaphore, #tpu.memory_space<semaphore_mem>>) {add = true}
        %sub3A_454 = arith.constant 1 : i32
        %sub3A_455 = arith.subi %add3A_331, %sub3A_454 : i32
        %ge3A_456 = arith.cmpi sge, %sub3A_455, %scan3A_25#0 : i32
        %convert_element_type3A_457 = arith.extui %ge3A_456 : i1 to i32
        %cond3A_458 = arith.constant 0 : i32
        %cond3A_459 = arith.cmpi ne, %convert_element_type3A_457, %cond3A_458 : i32
        scf.if %cond3A_459 {
          %dma_wait3A_466 = arith.constant 0 : i32
          %dma_wait3A_467 = arith.constant 0 : i32
          %dma_wait3A_468 = tpu.memref_slice %arg30[%dma_wait3A_466, %dma_wait3A_467] : memref<5008x128xf32, #tpu.memory_space<vmem_shared>> -> memref<5008x128xf32, #tpu.memory_space<vmem_shared>>
          tpu.wait_indirect_dma semaphore(%arg27 : memref<!tpu.dma_semaphore, #tpu.memory_space<semaphore_mem>>) src(%arg9 : memref<80x128xf32, #tpu.memory_space<vmem>>) dst(%dma_wait3A_468 : memref<5008x128xf32, #tpu.memory_space<vmem_shared>>)
        } else {
        }
        %add3A_460 = arith.constant 4 : i32
        %add3A_461 = arith.addi %add3A_331, %add3A_460 : i32
        %lt3A_462 = arith.cmpi slt, %add3A_461, %scan3A_33#0 : i32
        %convert_element_type3A_463 = arith.extui %lt3A_462 : i1 to i32
        %cond3A_464 = arith.constant 0 : i32
        %cond3A_465 = arith.cmpi ne, %convert_element_type3A_463, %cond3A_464 : i32
        scf.if %cond3A_465 {
          %add3A_466 = arith.constant 4 : i32
          %add3A_467 = arith.addi %add3A_331, %add3A_466 : i32
          %mul3A_468 = arith.constant 80 : i32
          %mul3A_469 = arith.muli %add3A_467, %mul3A_468 : i32
          %add3A_470 = arith.addi %mul3A_36, %mul3A_469 : i32
          %dma_start3A_471 = arith.constant 0 : i32
          %dma_start3A_472 = tpu.memref_slice %arg2[%add3A_470, %dma_start3A_471] : memref<320000x128xf32, #tpu.memory_space<hbm>> -> memref<80x128xf32, #tpu.memory_space<hbm>>
          %dma_start3A_473 = arith.constant 0 : i32
          %dma_start3A_474 = tpu.memref_slice %arg2[%add3A_470, %dma_start3A_473] : memref<320000x128xf32, #tpu.memory_space<hbm>> -> memref<80x128xf32, #tpu.memory_space<hbm>>
          tpu.enqueue_dma source(%dma_start3A_474 : memref<80x128xf32, #tpu.memory_space<hbm>>) target(%arg8 : memref<80x128xf32, #tpu.memory_space<vmem>>) target_semaphore(%arg20 : memref<!tpu.dma_semaphore, #tpu.memory_space<semaphore_mem>>)
        } else {
        }
      } else {
      }
      %add3A_336 = arith.constant 5 : i32
      %add3A_337 = arith.addi %add3A_305, %add3A_336 : i32
      %lt3A_338 = arith.cmpi slt, %add3A_337, %scan3A_33#0 : i32
      %convert_element_type3A_339 = arith.extui %lt3A_338 : i1 to i32
      %cond3A_340 = arith.constant 0 : i32
      %cond3A_341 = arith.cmpi ne, %convert_element_type3A_339, %cond3A_340 : i32
      scf.if %cond3A_341 {
        %mul3A_342 = arith.constant 80 : i32
        %mul3A_343 = arith.muli %add3A_337, %mul3A_342 : i32
        %add3A_344 = arith.addi %mul3A_36, %mul3A_343 : i32
        %dma_wait3A_345 = arith.constant 0 : i32
        %dma_wait3A_346 = tpu.memref_slice %arg2[%add3A_344, %dma_wait3A_345] : memref<320000x128xf32, #tpu.memory_space<hbm>> -> memref<80x128xf32, #tpu.memory_space<hbm>>
        %dma_wait3A_347 = arith.constant 0 : i32
        %dma_wait3A_348 = tpu.memref_slice %arg2[%add3A_344, %dma_wait3A_347] : memref<320000x128xf32, #tpu.memory_space<hbm>> -> memref<80x128xf32, #tpu.memory_space<hbm>>
        tpu.wait_dma2 semaphore(%arg23 : memref<!tpu.dma_semaphore, #tpu.memory_space<semaphore_mem>>) src(%dma_wait3A_348 : memref<80x128xf32, #tpu.memory_space<hbm>>) dst(%arg11 : memref<80x128xf32, #tpu.memory_space<vmem>>)
        %mul3A_349 = arith.constant 80 : i32
        %mul3A_350 = arith.muli %add3A_337, %mul3A_349 : i32
        %add3A_351 = arith.constant 0 : i32
        %add3A_352 = arith.addi %mul3A_350, %add3A_351 : i32
        %get3A = arith.index_cast %add3A_352 : i32 to index
        %get3A_353 = tpu.vector_load %arg5[%get3A] {strides = array<i32>} : memref<20000xi32, #tpu.memory_space<vmem>>, vector<16xi32>,
        %get3A_354 = vector.shape_cast %get3A_353 : vector<16xi32> to vector<16xi32>
        %ge3A_355 = vector.broadcast %mul3A_0 : i32 to vector<16xi32>
        %ge3A_356 = arith.cmpi sge, %get3A_354, %ge3A_355 : vector<16xi32>
        %lt3A_357 = vector.broadcast %add3A_1 : i32 to vector<16xi32>
        %lt3A_358 = arith.cmpi slt, %get3A_354, %lt3A_357 : vector<16xi32>
        %and3A_359 = arith.andi %ge3A_356, %lt3A_358 : vector<16xi1>
        %sub3A_360 = vector.broadcast %mul3A_0 : i32 to vector<16xi32>
        %sub3A_361 = arith.subi %get3A_354, %sub3A_360 : vector<16xi32>
        %jit3A_362 = arith.constant 5000 : i32
        %broadcast_in_dim3A = vector.broadcast %jit3A_362 : i32 to vector<16xi32>
        %select_n3A_363 = arith.select %and3A_359, %sub3A_361, %broadcast_in_dim3A : vector<16xi1>, vector<16xi32>
        %swap3A = arith.constant 0 : index
        %swap3A_364 = tpu.vector_load %arg17[%swap3A] {strides = array<i32>} : memref<80xi32, #tpu.memory_space<vmem>>, vector<16xi32>,
        %swap3A_365 = vector.shape_cast %swap3A_364 : vector<16xi32> to vector<16xi32>
        %swap3A_366 = vector.shape_cast %select_n3A_363 : vector<16xi32> to vector<16xi32>
        tpu.vector_store %arg17[%swap3A], %swap3A_366 {strides = array<i32>} : memref<80xi32, #tpu.memory_space<vmem>>, vector<16xi32>,
        %mul3A_367 = arith.constant 80 : i32
        %mul3A_368 = arith.muli %add3A_337, %mul3A_367 : i32
        %add3A_369 = arith.constant 16 : i32
        %add3A_370 = arith.addi %mul3A_368, %add3A_369 : i32
        %get3A_371 = arith.index_cast %add3A_370 : i32 to index
        %get3A_372 = tpu.vector_load %arg5[%get3A_371] {strides = array<i32>} : memref<20000xi32, #tpu.memory_space<vmem>>, vector<16xi32>,
        %get3A_373 = vector.shape_cast %get3A_372 : vector<16xi32> to vector<16xi32>
        %ge3A_374 = vector.broadcast %mul3A_0 : i32 to vector<16xi32>
        %ge3A_375 = arith.cmpi sge, %get3A_373, %ge3A_374 : vector<16xi32>
        %lt3A_376 = vector.broadcast %add3A_1 : i32 to vector<16xi32>
        %lt3A_377 = arith.cmpi slt, %get3A_373, %lt3A_376 : vector<16xi32>
        %and3A_378 = arith.andi %ge3A_375, %lt3A_377 : vector<16xi1>
        %sub3A_379 = vector.broadcast %mul3A_0 : i32 to vector<16xi32>
        %sub3A_380 = arith.subi %get3A_373, %sub3A_379 : vector<16xi32>
        %jit3A_381 = arith.constant 5000 : i32
        %broadcast_in_dim3A_382 = vector.broadcast %jit3A_381 : i32 to vector<16xi32>
        %select_n3A_383 = arith.select %and3A_378, %sub3A_380, %broadcast_in_dim3A_382 : vector<16xi1>, vector<16xi32>
        %swap3A_384 = arith.constant 16 : index
        %swap3A_385 = tpu.vector_load %arg17[%swap3A_384] {strides = array<i32>} : memref<80xi32, #tpu.memory_space<vmem>>, vector<16xi32>,
        %swap3A_386 = vector.shape_cast %swap3A_385 : vector<16xi32> to vector<16xi32>
        %swap3A_387 = vector.shape_cast %select_n3A_383 : vector<16xi32> to vector<16xi32>
        tpu.vector_store %arg17[%swap3A_384], %swap3A_387 {strides = array<i32>} : memref<80xi32, #tpu.memory_space<vmem>>, vector<16xi32>,
        %mul3A_388 = arith.constant 80 : i32
        %mul3A_389 = arith.muli %add3A_337, %mul3A_388 : i32
        %add3A_390 = arith.constant 32 : i32
        %add3A_391 = arith.addi %mul3A_389, %add3A_390 : i32
        %get3A_392 = arith.index_cast %add3A_391 : i32 to index
        %get3A_393 = tpu.vector_load %arg5[%get3A_392] {strides = array<i32>} : memref<20000xi32, #tpu.memory_space<vmem>>, vector<16xi32>,
        %get3A_394 = vector.shape_cast %get3A_393 : vector<16xi32> to vector<16xi32>
        %ge3A_395 = vector.broadcast %mul3A_0 : i32 to vector<16xi32>
        %ge3A_396 = arith.cmpi sge, %get3A_394, %ge3A_395 : vector<16xi32>
        %lt3A_397 = vector.broadcast %add3A_1 : i32 to vector<16xi32>
        %lt3A_398 = arith.cmpi slt, %get3A_394, %lt3A_397 : vector<16xi32>
        %and3A_399 = arith.andi %ge3A_396, %lt3A_398 : vector<16xi1>
        %sub3A_400 = vector.broadcast %mul3A_0 : i32 to vector<16xi32>
        %sub3A_401 = arith.subi %get3A_394, %sub3A_400 : vector<16xi32>
        %jit3A_402 = arith.constant 5000 : i32
        %broadcast_in_dim3A_403 = vector.broadcast %jit3A_402 : i32 to vector<16xi32>
        %select_n3A_404 = arith.select %and3A_399, %sub3A_401, %broadcast_in_dim3A_403 : vector<16xi1>, vector<16xi32>
        %swap3A_405 = arith.constant 32 : index
        %swap3A_406 = tpu.vector_load %arg17[%swap3A_405] {strides = array<i32>} : memref<80xi32, #tpu.memory_space<vmem>>, vector<16xi32>,
        %swap3A_407 = vector.shape_cast %swap3A_406 : vector<16xi32> to vector<16xi32>
        %swap3A_408 = vector.shape_cast %select_n3A_404 : vector<16xi32> to vector<16xi32>
        tpu.vector_store %arg17[%swap3A_405], %swap3A_408 {strides = array<i32>} : memref<80xi32, #tpu.memory_space<vmem>>, vector<16xi32>,
        %mul3A_409 = arith.constant 80 : i32
        %mul3A_410 = arith.muli %add3A_337, %mul3A_409 : i32
        %add3A_411 = arith.constant 48 : i32
        %add3A_412 = arith.addi %mul3A_410, %add3A_411 : i32
        %get3A_413 = arith.index_cast %add3A_412 : i32 to index
        %get3A_414 = tpu.vector_load %arg5[%get3A_413] {strides = array<i32>} : memref<20000xi32, #tpu.memory_space<vmem>>, vector<16xi32>,
        %get3A_415 = vector.shape_cast %get3A_414 : vector<16xi32> to vector<16xi32>
        %ge3A_416 = vector.broadcast %mul3A_0 : i32 to vector<16xi32>
        %ge3A_417 = arith.cmpi sge, %get3A_415, %ge3A_416 : vector<16xi32>
        %lt3A_418 = vector.broadcast %add3A_1 : i32 to vector<16xi32>
        %lt3A_419 = arith.cmpi slt, %get3A_415, %lt3A_418 : vector<16xi32>
        %and3A_420 = arith.andi %ge3A_417, %lt3A_419 : vector<16xi1>
        %sub3A_421 = vector.broadcast %mul3A_0 : i32 to vector<16xi32>
        %sub3A_422 = arith.subi %get3A_415, %sub3A_421 : vector<16xi32>
        %jit3A_423 = arith.constant 5000 : i32
        %broadcast_in_dim3A_424 = vector.broadcast %jit3A_423 : i32 to vector<16xi32>
        %select_n3A_425 = arith.select %and3A_420, %sub3A_422, %broadcast_in_dim3A_424 : vector<16xi1>, vector<16xi32>
        %swap3A_426 = arith.constant 48 : index
        %swap3A_427 = tpu.vector_load %arg17[%swap3A_426] {strides = array<i32>} : memref<80xi32, #tpu.memory_space<vmem>>, vector<16xi32>,
        %swap3A_428 = vector.shape_cast %swap3A_427 : vector<16xi32> to vector<16xi32>
        %swap3A_429 = vector.shape_cast %select_n3A_425 : vector<16xi32> to vector<16xi32>
        tpu.vector_store %arg17[%swap3A_426], %swap3A_429 {strides = array<i32>} : memref<80xi32, #tpu.memory_space<vmem>>, vector<16xi32>,
        %mul3A_430 = arith.constant 80 : i32
        %mul3A_431 = arith.muli %add3A_337, %mul3A_430 : i32
        %add3A_432 = arith.constant 64 : i32
        %add3A_433 = arith.addi %mul3A_431, %add3A_432 : i32
        %get3A_434 = arith.index_cast %add3A_433 : i32 to index
        %get3A_435 = tpu.vector_load %arg5[%get3A_434] {strides = array<i32>} : memref<20000xi32, #tpu.memory_space<vmem>>, vector<16xi32>,
        %get3A_436 = vector.shape_cast %get3A_435 : vector<16xi32> to vector<16xi32>
        %ge3A_437 = vector.broadcast %mul3A_0 : i32 to vector<16xi32>
        %ge3A_438 = arith.cmpi sge, %get3A_436, %ge3A_437 : vector<16xi32>
        %lt3A_439 = vector.broadcast %add3A_1 : i32 to vector<16xi32>
        %lt3A_440 = arith.cmpi slt, %get3A_436, %lt3A_439 : vector<16xi32>
        %and3A_441 = arith.andi %ge3A_438, %lt3A_440 : vector<16xi1>
        %sub3A_442 = vector.broadcast %mul3A_0 : i32 to vector<16xi32>
        %sub3A_443 = arith.subi %get3A_436, %sub3A_442 : vector<16xi32>
        %jit3A_444 = arith.constant 5000 : i32
        %broadcast_in_dim3A_445 = vector.broadcast %jit3A_444 : i32 to vector<16xi32>
        %select_n3A_446 = arith.select %and3A_441, %sub3A_443, %broadcast_in_dim3A_445 : vector<16xi1>, vector<16xi32>
        %swap3A_447 = arith.constant 64 : index
        %swap3A_448 = tpu.vector_load %arg17[%swap3A_447] {strides = array<i32>} : memref<80xi32, #tpu.memory_space<vmem>>, vector<16xi32>,
        %swap3A_449 = vector.shape_cast %swap3A_448 : vector<16xi32> to vector<16xi32>
        %swap3A_450 = vector.shape_cast %select_n3A_446 : vector<16xi32> to vector<16xi32>
        tpu.vector_store %arg17[%swap3A_447], %swap3A_450 {strides = array<i32>} : memref<80xi32, #tpu.memory_space<vmem>>, vector<16xi32>,
        %dma_start3A_451 = arith.constant 0 : i32
        %dma_start3A_452 = arith.constant 0 : i32
        %dma_start3A_453 = tpu.memref_slice %arg30[%dma_start3A_451, %dma_start3A_452] : memref<5008x128xf32, #tpu.memory_space<vmem_shared>> -> memref<5008x128xf32, #tpu.memory_space<vmem_shared>>
        tpu.enqueue_indirect_dma source(%arg11 : memref<80x128xf32, #tpu.memory_space<vmem>>) target(%dma_start3A_453 : memref<5008x128xf32, #tpu.memory_space<vmem_shared>>) offsets(%arg17 : memref<80xi32, #tpu.memory_space<vmem>>) semaphore(%arg29 : memref<!tpu.dma_semaphore, #tpu.memory_space<semaphore_mem>>) {add = true}
        %sub3A_454 = arith.constant 1 : i32
        %sub3A_455 = arith.subi %add3A_337, %sub3A_454 : i32
        %ge3A_456 = arith.cmpi sge, %sub3A_455, %scan3A_25#0 : i32
        %convert_element_type3A_457 = arith.extui %ge3A_456 : i1 to i32
        %cond3A_458 = arith.constant 0 : i32
        %cond3A_459 = arith.cmpi ne, %convert_element_type3A_457, %cond3A_458 : i32
        scf.if %cond3A_459 {
          %dma_wait3A_466 = arith.constant 0 : i32
          %dma_wait3A_467 = arith.constant 0 : i32
          %dma_wait3A_468 = tpu.memref_slice %arg30[%dma_wait3A_466, %dma_wait3A_467] : memref<5008x128xf32, #tpu.memory_space<vmem_shared>> -> memref<5008x128xf32, #tpu.memory_space<vmem_shared>>
          tpu.wait_indirect_dma semaphore(%arg28 : memref<!tpu.dma_semaphore, #tpu.memory_space<semaphore_mem>>) src(%arg10 : memref<80x128xf32, #tpu.memory_space<vmem>>) dst(%dma_wait3A_468 : memref<5008x128xf32, #tpu.memory_space<vmem_shared>>)
        } else {
        }
        %add3A_460 = arith.constant 4 : i32
        %add3A_461 = arith.addi %add3A_337, %add3A_460 : i32
        %lt3A_462 = arith.cmpi slt, %add3A_461, %scan3A_33#0 : i32
        %convert_element_type3A_463 = arith.extui %lt3A_462 : i1 to i32
        %cond3A_464 = arith.constant 0 : i32
        %cond3A_465 = arith.cmpi ne, %convert_element_type3A_463, %cond3A_464 : i32
        scf.if %cond3A_465 {
          %add3A_466 = arith.constant 4 : i32
          %add3A_467 = arith.addi %add3A_337, %add3A_466 : i32
          %mul3A_468 = arith.constant 80 : i32
          %mul3A_469 = arith.muli %add3A_467, %mul3A_468 : i32
          %add3A_470 = arith.addi %mul3A_36, %mul3A_469 : i32
          %dma_start3A_471 = arith.constant 0 : i32
          %dma_start3A_472 = tpu.memref_slice %arg2[%add3A_470, %dma_start3A_471] : memref<320000x128xf32, #tpu.memory_space<hbm>> -> memref<80x128xf32, #tpu.memory_space<hbm>>
          %dma_start3A_473 = arith.constant 0 : i32
          %dma_start3A_474 = tpu.memref_slice %arg2[%add3A_470, %dma_start3A_473] : memref<320000x128xf32, #tpu.memory_space<hbm>> -> memref<80x128xf32, #tpu.memory_space<hbm>>
          tpu.enqueue_dma source(%dma_start3A_474 : memref<80x128xf32, #tpu.memory_space<hbm>>) target(%arg9 : memref<80x128xf32, #tpu.memory_space<vmem>>) target_semaphore(%arg21 : memref<!tpu.dma_semaphore, #tpu.memory_space<semaphore_mem>>)
        } else {
        }
      } else {
      }
    }
    %sub3A_88 = arith.constant 1 : i32
    %sub3A_89 = arith.subi %scan3A_33#0, %sub3A_88 : i32
    %sub3A_90 = arith.subi %sub3A_89, %scan3A_25#0 : i32
    %rem3A_91 = arith.constant 6 : i32
    %rem3A_92 = arith.remsi %sub3A_90, %rem3A_91 : i32
    %sub3A_93 = arith.constant 0 : i32
    %sub3A_94 = arith.subi %rem3A_92, %sub3A_93 : i32
    %add3A_95 = arith.constant 6 : i32
    %add3A_96 = arith.addi %sub3A_94, %add3A_95 : i32
    %rem3A_97 = arith.constant 6 : i32
    %rem3A_98 = arith.remsi %add3A_96, %rem3A_97 : i32
    %sub3A_99 = arith.subi %sub3A_89, %rem3A_98 : i32
    %gt3A = arith.cmpi sgt, %scan3A_33#0, %scan3A_25#0 : i32
    %sub3A_100 = arith.constant 1 : i32
    %sub3A_101 = arith.subi %scan3A_33#0, %sub3A_100 : i32
    %ge3A = arith.cmpi sge, %sub3A_99, %sub3A_101 : i32
    %ge3A_102 = arith.cmpi sge, %sub3A_99, %scan3A_25#0 : i32
    %and3A_103 = arith.andi %ge3A, %ge3A_102 : i1
    %and3A_104 = arith.andi %gt3A, %and3A_103 : i1
    %convert_element_type3A_105 = arith.extui %and3A_104 : i1 to i32
    %cond3A_106 = arith.constant 0 : i32
    %cond3A_107 = arith.cmpi ne, %convert_element_type3A_105, %cond3A_106 : i32
    scf.if %cond3A_107 {
      %dma_wait3A_302 = arith.constant 0 : i32
      %dma_wait3A_303 = arith.constant 0 : i32
      %dma_wait3A_304 = tpu.memref_slice %arg30[%dma_wait3A_302, %dma_wait3A_303] : memref<5008x128xf32, #tpu.memory_space<vmem_shared>> -> memref<5008x128xf32, #tpu.memory_space<vmem_shared>>
      tpu.wait_indirect_dma semaphore(%arg24 : memref<!tpu.dma_semaphore, #tpu.memory_space<semaphore_mem>>) src(%arg6 : memref<80x128xf32, #tpu.memory_space<vmem>>) dst(%dma_wait3A_304 : memref<5008x128xf32, #tpu.memory_space<vmem_shared>>)
    } else {
    }
    %sub3A_108 = arith.constant 1 : i32
    %sub3A_109 = arith.subi %rem3A_92, %sub3A_108 : i32
    %add3A_110 = arith.constant 6 : i32
    %add3A_111 = arith.addi %sub3A_109, %add3A_110 : i32
    %rem3A_112 = arith.constant 6 : i32
    %rem3A_113 = arith.remsi %add3A_111, %rem3A_112 : i32
    %sub3A_114 = arith.subi %sub3A_89, %rem3A_113 : i32
    %gt3A_115 = arith.cmpi sgt, %scan3A_33#0, %scan3A_25#0 : i32
    %sub3A_116 = arith.constant 1 : i32
    %sub3A_117 = arith.subi %scan3A_33#0, %sub3A_116 : i32
    %ge3A_118 = arith.cmpi sge, %sub3A_114, %sub3A_117 : i32
    %ge3A_119 = arith.cmpi sge, %sub3A_114, %scan3A_25#0 : i32
    %and3A_120 = arith.andi %ge3A_118, %ge3A_119 : i1
    %and3A_121 = arith.andi %gt3A_115, %and3A_120 : i1
    %convert_element_type3A_122 = arith.extui %and3A_121 : i1 to i32
    %cond3A_123 = arith.constant 0 : i32
    %cond3A_124 = arith.cmpi ne, %convert_element_type3A_122, %cond3A_123 : i32
    scf.if %cond3A_124 {
      %dma_wait3A_302 = arith.constant 0 : i32
      %dma_wait3A_303 = arith.constant 0 : i32
      %dma_wait3A_304 = tpu.memref_slice %arg30[%dma_wait3A_302, %dma_wait3A_303] : memref<5008x128xf32, #tpu.memory_space<vmem_shared>> -> memref<5008x128xf32, #tpu.memory_space<vmem_shared>>
      tpu.wait_indirect_dma semaphore(%arg25 : memref<!tpu.dma_semaphore, #tpu.memory_space<semaphore_mem>>) src(%arg7 : memref<80x128xf32, #tpu.memory_space<vmem>>) dst(%dma_wait3A_304 : memref<5008x128xf32, #tpu.memory_space<vmem_shared>>)
    } else {
    }
    %sub3A_125 = arith.constant 2 : i32
    %sub3A_126 = arith.subi %rem3A_92, %sub3A_125 : i32
    %add3A_127 = arith.constant 6 : i32
    %add3A_128 = arith.addi %sub3A_126, %add3A_127 : i32
    %rem3A_129 = arith.constant 6 : i32
    %rem3A_130 = arith.remsi %add3A_128, %rem3A_129 : i32
    %sub3A_131 = arith.subi %sub3A_89, %rem3A_130 : i32
    %gt3A_132 = arith.cmpi sgt, %scan3A_33#0, %scan3A_25#0 : i32
    %sub3A_133 = arith.constant 1 : i32
    %sub3A_134 = arith.subi %scan3A_33#0, %sub3A_133 : i32
    %ge3A_135 = arith.cmpi sge, %sub3A_131, %sub3A_134 : i32
    %ge3A_136 = arith.cmpi sge, %sub3A_131, %scan3A_25#0 : i32
    %and3A_137 = arith.andi %ge3A_135, %ge3A_136 : i1
    %and3A_138 = arith.andi %gt3A_132, %and3A_137 : i1
    %convert_element_type3A_139 = arith.extui %and3A_138 : i1 to i32
    %cond3A_140 = arith.constant 0 : i32
    %cond3A_141 = arith.cmpi ne, %convert_element_type3A_139, %cond3A_140 : i32
    scf.if %cond3A_141 {
      %dma_wait3A_302 = arith.constant 0 : i32
      %dma_wait3A_303 = arith.constant 0 : i32
      %dma_wait3A_304 = tpu.memref_slice %arg30[%dma_wait3A_302, %dma_wait3A_303] : memref<5008x128xf32, #tpu.memory_space<vmem_shared>> -> memref<5008x128xf32, #tpu.memory_space<vmem_shared>>
      tpu.wait_indirect_dma semaphore(%arg26 : memref<!tpu.dma_semaphore, #tpu.memory_space<semaphore_mem>>) src(%arg8 : memref<80x128xf32, #tpu.memory_space<vmem>>) dst(%dma_wait3A_304 : memref<5008x128xf32, #tpu.memory_space<vmem_shared>>)
    } else {
    }
    %sub3A_142 = arith.constant 3 : i32
    %sub3A_143 = arith.subi %rem3A_92, %sub3A_142 : i32
    %add3A_144 = arith.constant 6 : i32
    %add3A_145 = arith.addi %sub3A_143, %add3A_144 : i32
    %rem3A_146 = arith.constant 6 : i32
    %rem3A_147 = arith.remsi %add3A_145, %rem3A_146 : i32
    %sub3A_148 = arith.subi %sub3A_89, %rem3A_147 : i32
    %gt3A_149 = arith.cmpi sgt, %scan3A_33#0, %scan3A_25#0 : i32
    %sub3A_150 = arith.constant 1 : i32
    %sub3A_151 = arith.subi %scan3A_33#0, %sub3A_150 : i32
    %ge3A_152 = arith.cmpi sge, %sub3A_148, %sub3A_151 : i32
    %ge3A_153 = arith.cmpi sge, %sub3A_148, %scan3A_25#0 : i32
    %and3A_154 = arith.andi %ge3A_152, %ge3A_153 : i1
    %and3A_155 = arith.andi %gt3A_149, %and3A_154 : i1
    %convert_element_type3A_156 = arith.extui %and3A_155 : i1 to i32
    %cond3A_157 = arith.constant 0 : i32
    %cond3A_158 = arith.cmpi ne, %convert_element_type3A_156, %cond3A_157 : i32
    scf.if %cond3A_158 {
      %dma_wait3A_302 = arith.constant 0 : i32
      %dma_wait3A_303 = arith.constant 0 : i32
      %dma_wait3A_304 = tpu.memref_slice %arg30[%dma_wait3A_302, %dma_wait3A_303] : memref<5008x128xf32, #tpu.memory_space<vmem_shared>> -> memref<5008x128xf32, #tpu.memory_space<vmem_shared>>
      tpu.wait_indirect_dma semaphore(%arg27 : memref<!tpu.dma_semaphore, #tpu.memory_space<semaphore_mem>>) src(%arg9 : memref<80x128xf32, #tpu.memory_space<vmem>>) dst(%dma_wait3A_304 : memref<5008x128xf32, #tpu.memory_space<vmem_shared>>)
    } else {
    }
    %sub3A_159 = arith.constant 4 : i32
    %sub3A_160 = arith.subi %rem3A_92, %sub3A_159 : i32
    %add3A_161 = arith.constant 6 : i32
    %add3A_162 = arith.addi %sub3A_160, %add3A_161 : i32
    %rem3A_163 = arith.constant 6 : i32
    %rem3A_164 = arith.remsi %add3A_162, %rem3A_163 : i32
    %sub3A_165 = arith.subi %sub3A_89, %rem3A_164 : i32
    %gt3A_166 = arith.cmpi sgt, %scan3A_33#0, %scan3A_25#0 : i32
    %sub3A_167 = arith.constant 1 : i32
    %sub3A_168 = arith.subi %scan3A_33#0, %sub3A_167 : i32
    %ge3A_169 = arith.cmpi sge, %sub3A_165, %sub3A_168 : i32
    %ge3A_170 = arith.cmpi sge, %sub3A_165, %scan3A_25#0 : i32
    %and3A_171 = arith.andi %ge3A_169, %ge3A_170 : i1
    %and3A_172 = arith.andi %gt3A_166, %and3A_171 : i1
    %convert_element_type3A_173 = arith.extui %and3A_172 : i1 to i32
    %cond3A_174 = arith.constant 0 : i32
    %cond3A_175 = arith.cmpi ne, %convert_element_type3A_173, %cond3A_174 : i32
    scf.if %cond3A_175 {
      %dma_wait3A_302 = arith.constant 0 : i32
      %dma_wait3A_303 = arith.constant 0 : i32
      %dma_wait3A_304 = tpu.memref_slice %arg30[%dma_wait3A_302, %dma_wait3A_303] : memref<5008x128xf32, #tpu.memory_space<vmem_shared>> -> memref<5008x128xf32, #tpu.memory_space<vmem_shared>>
      tpu.wait_indirect_dma semaphore(%arg28 : memref<!tpu.dma_semaphore, #tpu.memory_space<semaphore_mem>>) src(%arg10 : memref<80x128xf32, #tpu.memory_space<vmem>>) dst(%dma_wait3A_304 : memref<5008x128xf32, #tpu.memory_space<vmem_shared>>)
    } else {
    }
    %sub3A_176 = arith.constant 5 : i32
    %sub3A_177 = arith.subi %rem3A_92, %sub3A_176 : i32
    %add3A_178 = arith.constant 6 : i32
    %add3A_179 = arith.addi %sub3A_177, %add3A_178 : i32
    %rem3A_180 = arith.constant 6 : i32
    %rem3A_181 = arith.remsi %add3A_179, %rem3A_180 : i32
    %sub3A_182 = arith.subi %sub3A_89, %rem3A_181 : i32
    %gt3A_183 = arith.cmpi sgt, %scan3A_33#0, %scan3A_25#0 : i32
    %sub3A_184 = arith.constant 1 : i32
    %sub3A_185 = arith.subi %scan3A_33#0, %sub3A_184 : i32
    %ge3A_186 = arith.cmpi sge, %sub3A_182, %sub3A_185 : i32
    %ge3A_187 = arith.cmpi sge, %sub3A_182, %scan3A_25#0 : i32
    %and3A_188 = arith.andi %ge3A_186, %ge3A_187 : i1
    %and3A_189 = arith.andi %gt3A_183, %and3A_188 : i1
    %convert_element_type3A_190 = arith.extui %and3A_189 : i1 to i32
    %cond3A_191 = arith.constant 0 : i32
    %cond3A_192 = arith.cmpi ne, %convert_element_type3A_190, %cond3A_191 : i32
    scf.if %cond3A_192 {
      %dma_wait3A_302 = arith.constant 0 : i32
      %dma_wait3A_303 = arith.constant 0 : i32
      %dma_wait3A_304 = tpu.memref_slice %arg30[%dma_wait3A_302, %dma_wait3A_303] : memref<5008x128xf32, #tpu.memory_space<vmem_shared>> -> memref<5008x128xf32, #tpu.memory_space<vmem_shared>>
      tpu.wait_indirect_dma semaphore(%arg29 : memref<!tpu.dma_semaphore, #tpu.memory_space<semaphore_mem>>) src(%arg11 : memref<80x128xf32, #tpu.memory_space<vmem>>) dst(%dma_wait3A_304 : memref<5008x128xf32, #tpu.memory_space<vmem_shared>>)
    } else {
    }
    %barrier3A_193 = arith.constant 0 : index
    tpu.barrier barrier_id(%barrier3A_193)
    %mul3A_194 = arith.constant 312 : i32
    %mul3A_195 = arith.muli %arg1, %mul3A_194 : i32
    %add3A_196 = arith.constant 0 : i32
    %add3A_197 = arith.addi %mul3A_195, %add3A_196 : i32
    %dma_start3A = arith.constant 0 : i32
    %dma_start3A_198 = tpu.memref_slice %arg30[%add3A_197, %dma_start3A] : memref<5008x128xf32, #tpu.memory_space<vmem_shared>> -> memref<80x128xf32, #tpu.memory_space<vmem_shared>>
    %dma_start3A_199 = arith.constant 0 : i32
    %dma_start3A_200 = tpu.memref_slice %arg30[%add3A_197, %dma_start3A_199] : memref<5008x128xf32, #tpu.memory_space<vmem_shared>> -> memref<80x128xf32, #tpu.memory_space<vmem_shared>>
    tpu.enqueue_dma source(%dma_start3A_200 : memref<80x128xf32, #tpu.memory_space<vmem_shared>>) target(%arg6 : memref<80x128xf32, #tpu.memory_space<vmem>>) target_semaphore(%arg18 : memref<!tpu.dma_semaphore, #tpu.memory_space<semaphore_mem>>)
    %add3A_201 = arith.constant 80 : i32
    %add3A_202 = arith.addi %mul3A_195, %add3A_201 : i32
    %dma_start3A_203 = arith.constant 0 : i32
    %dma_start3A_204 = tpu.memref_slice %arg30[%add3A_202, %dma_start3A_203] : memref<5008x128xf32, #tpu.memory_space<vmem_shared>> -> memref<80x128xf32, #tpu.memory_space<vmem_shared>>
    %dma_start3A_205 = arith.constant 0 : i32
    %dma_start3A_206 = tpu.memref_slice %arg30[%add3A_202, %dma_start3A_205] : memref<5008x128xf32, #tpu.memory_space<vmem_shared>> -> memref<80x128xf32, #tpu.memory_space<vmem_shared>>
    tpu.enqueue_dma source(%dma_start3A_206 : memref<80x128xf32, #tpu.memory_space<vmem_shared>>) target(%arg7 : memref<80x128xf32, #tpu.memory_space<vmem>>) target_semaphore(%arg19 : memref<!tpu.dma_semaphore, #tpu.memory_space<semaphore_mem>>)
    %add3A_207 = arith.constant 160 : i32
    %add3A_208 = arith.addi %mul3A_195, %add3A_207 : i32
    %dma_start3A_209 = arith.constant 0 : i32
    %dma_start3A_210 = tpu.memref_slice %arg30[%add3A_208, %dma_start3A_209] : memref<5008x128xf32, #tpu.memory_space<vmem_shared>> -> memref<80x128xf32, #tpu.memory_space<vmem_shared>>
    %dma_start3A_211 = arith.constant 0 : i32
    %dma_start3A_212 = tpu.memref_slice %arg30[%add3A_208, %dma_start3A_211] : memref<5008x128xf32, #tpu.memory_space<vmem_shared>> -> memref<80x128xf32, #tpu.memory_space<vmem_shared>>
    tpu.enqueue_dma source(%dma_start3A_212 : memref<80x128xf32, #tpu.memory_space<vmem_shared>>) target(%arg8 : memref<80x128xf32, #tpu.memory_space<vmem>>) target_semaphore(%arg20 : memref<!tpu.dma_semaphore, #tpu.memory_space<semaphore_mem>>)
    %add3A_213 = arith.constant 232 : i32
    %add3A_214 = arith.addi %mul3A_195, %add3A_213 : i32
    %dma_start3A_215 = arith.constant 0 : i32
    %dma_start3A_216 = tpu.memref_slice %arg30[%add3A_214, %dma_start3A_215] : memref<5008x128xf32, #tpu.memory_space<vmem_shared>> -> memref<80x128xf32, #tpu.memory_space<vmem_shared>>
    %dma_start3A_217 = arith.constant 0 : i32
    %dma_start3A_218 = tpu.memref_slice %arg30[%add3A_214, %dma_start3A_217] : memref<5008x128xf32, #tpu.memory_space<vmem_shared>> -> memref<80x128xf32, #tpu.memory_space<vmem_shared>>
    tpu.enqueue_dma source(%dma_start3A_218 : memref<80x128xf32, #tpu.memory_space<vmem_shared>>) target(%arg9 : memref<80x128xf32, #tpu.memory_space<vmem>>) target_semaphore(%arg21 : memref<!tpu.dma_semaphore, #tpu.memory_space<semaphore_mem>>)
    %add3A_219 = arith.constant 0 : i32
    %add3A_220 = arith.addi %mul3A_195, %add3A_219 : i32
    %dma_wait3A = arith.constant 0 : i32
    %dma_wait3A_221 = tpu.memref_slice %arg30[%add3A_220, %dma_wait3A] : memref<5008x128xf32, #tpu.memory_space<vmem_shared>> -> memref<80x128xf32, #tpu.memory_space<vmem_shared>>
    %dma_wait3A_222 = arith.constant 0 : i32
    %dma_wait3A_223 = tpu.memref_slice %arg30[%add3A_220, %dma_wait3A_222] : memref<5008x128xf32, #tpu.memory_space<vmem_shared>> -> memref<80x128xf32, #tpu.memory_space<vmem_shared>>
    tpu.wait_dma2 semaphore(%arg18 : memref<!tpu.dma_semaphore, #tpu.memory_space<semaphore_mem>>) src(%dma_wait3A_223 : memref<80x128xf32, #tpu.memory_space<vmem_shared>>) dst(%arg6 : memref<80x128xf32, #tpu.memory_space<vmem>>)
    %add3A_224 = arith.addi %mul3A_0, %mul3A_195 : i32
    %add3A_225 = arith.constant 0 : i32
    %add3A_226 = arith.addi %add3A_224, %add3A_225 : i32
    %dma_start3A_227 = arith.constant 0 : i32
    %dma_start3A_228 = tpu.memref_slice %arg4[%add3A_226, %dma_start3A_227] : memref<10000x128xf32, #tpu.memory_space<hbm>> -> memref<80x128xf32, #tpu.memory_space<hbm>>
    %dma_start3A_229 = arith.constant 0 : i32
    %dma_start3A_230 = tpu.memref_slice %arg4[%add3A_226, %dma_start3A_229] : memref<10000x128xf32, #tpu.memory_space<hbm>> -> memref<80x128xf32, #tpu.memory_space<hbm>>
    tpu.enqueue_dma source(%arg6 : memref<80x128xf32, #tpu.memory_space<vmem>>) target(%dma_start3A_230 : memref<80x128xf32, #tpu.memory_space<hbm>>) target_semaphore(%arg24 : memref<!tpu.dma_semaphore, #tpu.memory_space<semaphore_mem>>)
    %add3A_231 = arith.constant 80 : i32
    %add3A_232 = arith.addi %mul3A_195, %add3A_231 : i32
    %dma_wait3A_233 = arith.constant 0 : i32
    %dma_wait3A_234 = tpu.memref_slice %arg30[%add3A_232, %dma_wait3A_233] : memref<5008x128xf32, #tpu.memory_space<vmem_shared>> -> memref<80x128xf32, #tpu.memory_space<vmem_shared>>
    %dma_wait3A_235 = arith.constant 0 : i32
    %dma_wait3A_236 = tpu.memref_slice %arg30[%add3A_232, %dma_wait3A_235] : memref<5008x128xf32, #tpu.memory_space<vmem_shared>> -> memref<80x128xf32, #tpu.memory_space<vmem_shared>>
    tpu.wait_dma2 semaphore(%arg19 : memref<!tpu.dma_semaphore, #tpu.memory_space<semaphore_mem>>) src(%dma_wait3A_236 : memref<80x128xf32, #tpu.memory_space<vmem_shared>>) dst(%arg7 : memref<80x128xf32, #tpu.memory_space<vmem>>)
    %add3A_237 = arith.addi %mul3A_0, %mul3A_195 : i32
    %add3A_238 = arith.constant 80 : i32
    %add3A_239 = arith.addi %add3A_237, %add3A_238 : i32
    %dma_start3A_240 = arith.constant 0 : i32
    %dma_start3A_241 = tpu.memref_slice %arg4[%add3A_239, %dma_start3A_240] : memref<10000x128xf32, #tpu.memory_space<hbm>> -> memref<80x128xf32, #tpu.memory_space<hbm>>
    %dma_start3A_242 = arith.constant 0 : i32
    %dma_start3A_243 = tpu.memref_slice %arg4[%add3A_239, %dma_start3A_242] : memref<10000x128xf32, #tpu.memory_space<hbm>> -> memref<80x128xf32, #tpu.memory_space<hbm>>
    tpu.enqueue_dma source(%arg7 : memref<80x128xf32, #tpu.memory_space<vmem>>) target(%dma_start3A_243 : memref<80x128xf32, #tpu.memory_space<hbm>>) target_semaphore(%arg25 : memref<!tpu.dma_semaphore, #tpu.memory_space<semaphore_mem>>)
    %add3A_244 = arith.constant 160 : i32
    %add3A_245 = arith.addi %mul3A_195, %add3A_244 : i32
    %dma_wait3A_246 = arith.constant 0 : i32
    %dma_wait3A_247 = tpu.memref_slice %arg30[%add3A_245, %dma_wait3A_246] : memref<5008x128xf32, #tpu.memory_space<vmem_shared>> -> memref<80x128xf32, #tpu.memory_space<vmem_shared>>
    %dma_wait3A_248 = arith.constant 0 : i32
    %dma_wait3A_249 = tpu.memref_slice %arg30[%add3A_245, %dma_wait3A_248] : memref<5008x128xf32, #tpu.memory_space<vmem_shared>> -> memref<80x128xf32, #tpu.memory_space<vmem_shared>>
    tpu.wait_dma2 semaphore(%arg20 : memref<!tpu.dma_semaphore, #tpu.memory_space<semaphore_mem>>) src(%dma_wait3A_249 : memref<80x128xf32, #tpu.memory_space<vmem_shared>>) dst(%arg8 : memref<80x128xf32, #tpu.memory_space<vmem>>)
    %add3A_250 = arith.addi %mul3A_0, %mul3A_195 : i32
    %add3A_251 = arith.constant 160 : i32
    %add3A_252 = arith.addi %add3A_250, %add3A_251 : i32
    %dma_start3A_253 = arith.constant 0 : i32
    %dma_start3A_254 = tpu.memref_slice %arg4[%add3A_252, %dma_start3A_253] : memref<10000x128xf32, #tpu.memory_space<hbm>> -> memref<80x128xf32, #tpu.memory_space<hbm>>
    %dma_start3A_255 = arith.constant 0 : i32
    %dma_start3A_256 = tpu.memref_slice %arg4[%add3A_252, %dma_start3A_255] : memref<10000x128xf32, #tpu.memory_space<hbm>> -> memref<80x128xf32, #tpu.memory_space<hbm>>
    tpu.enqueue_dma source(%arg8 : memref<80x128xf32, #tpu.memory_space<vmem>>) target(%dma_start3A_256 : memref<80x128xf32, #tpu.memory_space<hbm>>) target_semaphore(%arg26 : memref<!tpu.dma_semaphore, #tpu.memory_space<semaphore_mem>>)
    %add3A_257 = arith.constant 232 : i32
    %add3A_258 = arith.addi %mul3A_195, %add3A_257 : i32
    %dma_wait3A_259 = arith.constant 0 : i32
    %dma_wait3A_260 = tpu.memref_slice %arg30[%add3A_258, %dma_wait3A_259] : memref<5008x128xf32, #tpu.memory_space<vmem_shared>> -> memref<80x128xf32, #tpu.memory_space<vmem_shared>>
    %dma_wait3A_261 = arith.constant 0 : i32
    %dma_wait3A_262 = tpu.memref_slice %arg30[%add3A_258, %dma_wait3A_261] : memref<5008x128xf32, #tpu.memory_space<vmem_shared>> -> memref<80x128xf32, #tpu.memory_space<vmem_shared>>
    tpu.wait_dma2 semaphore(%arg21 : memref<!tpu.dma_semaphore, #tpu.memory_space<semaphore_mem>>) src(%dma_wait3A_262 : memref<80x128xf32, #tpu.memory_space<vmem_shared>>) dst(%arg9 : memref<80x128xf32, #tpu.memory_space<vmem>>)
    %add3A_263 = arith.addi %mul3A_0, %mul3A_195 : i32
    %add3A_264 = arith.constant 232 : i32
    %add3A_265 = arith.addi %add3A_263, %add3A_264 : i32
    %dma_start3A_266 = arith.constant 0 : i32
    %dma_start3A_267 = tpu.memref_slice %arg4[%add3A_265, %dma_start3A_266] : memref<10000x128xf32, #tpu.memory_space<hbm>> -> memref<80x128xf32, #tpu.memory_space<hbm>>
    %dma_start3A_268 = arith.constant 0 : i32
    %dma_start3A_269 = tpu.memref_slice %arg4[%add3A_265, %dma_start3A_268] : memref<10000x128xf32, #tpu.memory_space<hbm>> -> memref<80x128xf32, #tpu.memory_space<hbm>>
    tpu.enqueue_dma source(%arg9 : memref<80x128xf32, #tpu.memory_space<vmem>>) target(%dma_start3A_269 : memref<80x128xf32, #tpu.memory_space<hbm>>) target_semaphore(%arg27 : memref<!tpu.dma_semaphore, #tpu.memory_space<semaphore_mem>>)
    %add3A_270 = arith.addi %mul3A_0, %mul3A_195 : i32
    %add3A_271 = arith.constant 0 : i32
    %add3A_272 = arith.addi %add3A_270, %add3A_271 : i32
    %dma_wait3A_273 = arith.constant 0 : i32
    %dma_wait3A_274 = tpu.memref_slice %arg4[%add3A_272, %dma_wait3A_273] : memref<10000x128xf32, #tpu.memory_space<hbm>> -> memref<80x128xf32, #tpu.memory_space<hbm>>
    %dma_wait3A_275 = arith.constant 0 : i32
    %dma_wait3A_276 = tpu.memref_slice %arg4[%add3A_272, %dma_wait3A_275] : memref<10000x128xf32, #tpu.memory_space<hbm>> -> memref<80x128xf32, #tpu.memory_space<hbm>>
    tpu.wait_dma2 semaphore(%arg24 : memref<!tpu.dma_semaphore, #tpu.memory_space<semaphore_mem>>) src(%arg6 : memref<80x128xf32, #tpu.memory_space<vmem>>) dst(%dma_wait3A_276 : memref<80x128xf32, #tpu.memory_space<hbm>>)
    %add3A_277 = arith.addi %mul3A_0, %mul3A_195 : i32
    %add3A_278 = arith.constant 80 : i32
    %add3A_279 = arith.addi %add3A_277, %add3A_278 : i32
    %dma_wait3A_280 = arith.constant 0 : i32
    %dma_wait3A_281 = tpu.memref_slice %arg4[%add3A_279, %dma_wait3A_280] : memref<10000x128xf32, #tpu.memory_space<hbm>> -> memref<80x128xf32, #tpu.memory_space<hbm>>
    %dma_wait3A_282 = arith.constant 0 : i32
    %dma_wait3A_283 = tpu.memref_slice %arg4[%add3A_279, %dma_wait3A_282] : memref<10000x128xf32, #tpu.memory_space<hbm>> -> memref<80x128xf32, #tpu.memory_space<hbm>>
    tpu.wait_dma2 semaphore(%arg25 : memref<!tpu.dma_semaphore, #tpu.memory_space<semaphore_mem>>) src(%arg7 : memref<80x128xf32, #tpu.memory_space<vmem>>) dst(%dma_wait3A_283 : memref<80x128xf32, #tpu.memory_space<hbm>>)
    %add3A_284 = arith.addi %mul3A_0, %mul3A_195 : i32
    %add3A_285 = arith.constant 160 : i32
    %add3A_286 = arith.addi %add3A_284, %add3A_285 : i32
    %dma_wait3A_287 = arith.constant 0 : i32
    %dma_wait3A_288 = tpu.memref_slice %arg4[%add3A_286, %dma_wait3A_287] : memref<10000x128xf32, #tpu.memory_space<hbm>> -> memref<80x128xf32, #tpu.memory_space<hbm>>
    %dma_wait3A_289 = arith.constant 0 : i32
    %dma_wait3A_290 = tpu.memref_slice %arg4[%add3A_286, %dma_wait3A_289] : memref<10000x128xf32, #tpu.memory_space<hbm>> -> memref<80x128xf32, #tpu.memory_space<hbm>>
    tpu.wait_dma2 semaphore(%arg26 : memref<!tpu.dma_semaphore, #tpu.memory_space<semaphore_mem>>) src(%arg8 : memref<80x128xf32, #tpu.memory_space<vmem>>) dst(%dma_wait3A_290 : memref<80x128xf32, #tpu.memory_space<hbm>>)
    %add3A_291 = arith.addi %mul3A_0, %mul3A_195 : i32
    %add3A_292 = arith.constant 232 : i32
    %add3A_293 = arith.addi %add3A_291, %add3A_292 : i32
    %dma_wait3A_294 = arith.constant 0 : i32
    %dma_wait3A_295 = tpu.memref_slice %arg4[%add3A_293, %dma_wait3A_294] : memref<10000x128xf32, #tpu.memory_space<hbm>> -> memref<80x128xf32, #tpu.memory_space<hbm>>
    %dma_wait3A_296 = arith.constant 0 : i32
    %dma_wait3A_297 = tpu.memref_slice %arg4[%add3A_293, %dma_wait3A_296] : memref<10000x128xf32, #tpu.memory_space<hbm>> -> memref<80x128xf32, #tpu.memory_space<hbm>>
    tpu.wait_dma2 semaphore(%arg27 : memref<!tpu.dma_semaphore, #tpu.memory_space<semaphore_mem>>) src(%arg9 : memref<80x128xf32, #tpu.memory_space<vmem>>) dst(%dma_wait3A_297 : memref<80x128xf32, #tpu.memory_space<hbm>>)
    %eq3A = arith.constant 0 : i32
    %eq3A_298 = arith.cmpi eq, %arg1, %eq3A : i32
    %convert_element_type3A_299 = arith.extui %eq3A_298 : i1 to i32
    %cond3A_300 = arith.constant 0 : i32
    %cond3A_301 = arith.cmpi ne, %convert_element_type3A_299, %cond3A_300 : i32
    scf.if %cond3A_301 {
      "tpu.region"() ({
        %run_scoped3A = tpu.sem_alloc : memref<!tpu.dma_semaphore, #tpu.memory_space<semaphore_mem>>
        %dma_start3A_304 = arith.constant 0 : i32
        %dma_start3A_305 = arith.constant 0 : i32
        %dma_start3A_306 = tpu.memref_slice %arg10[%dma_start3A_304, %dma_start3A_305] : memref<80x128xf32, #tpu.memory_space<vmem>> -> memref<8x128xf32, #tpu.memory_space<vmem>>
        %dma_start3A_307 = arith.constant 4992 : i32
        %dma_start3A_308 = arith.constant 0 : i32
        %dma_start3A_309 = tpu.memref_slice %arg30[%dma_start3A_307, %dma_start3A_308] : memref<5008x128xf32, #tpu.memory_space<vmem_shared>> -> memref<8x128xf32, #tpu.memory_space<vmem_shared>>
        %dma_start3A_310 = arith.constant 0 : i32
        %dma_start3A_311 = arith.constant 0 : i32
        %dma_start3A_312 = tpu.memref_slice %arg10[%dma_start3A_310, %dma_start3A_311] : memref<80x128xf32, #tpu.memory_space<vmem>> -> memref<8x128xf32, #tpu.memory_space<vmem>>
        %dma_start3A_313 = arith.constant 4992 : i32
        %dma_start3A_314 = arith.constant 0 : i32
        %dma_start3A_315 = tpu.memref_slice %arg30[%dma_start3A_313, %dma_start3A_314] : memref<5008x128xf32, #tpu.memory_space<vmem_shared>> -> memref<8x128xf32, #tpu.memory_space<vmem_shared>>
        tpu.enqueue_dma source(%dma_start3A_315 : memref<8x128xf32, #tpu.memory_space<vmem_shared>>) target(%dma_start3A_312 : memref<8x128xf32, #tpu.memory_space<vmem>>) target_semaphore(%run_scoped3A : memref<!tpu.dma_semaphore, #tpu.memory_space<semaphore_mem>>)
        %dma_wait3A_316 = arith.constant 0 : i32
        %dma_wait3A_317 = arith.constant 0 : i32
        %dma_wait3A_318 = tpu.memref_slice %arg10[%dma_wait3A_316, %dma_wait3A_317] : memref<80x128xf32, #tpu.memory_space<vmem>> -> memref<8x128xf32, #tpu.memory_space<vmem>>
        %dma_wait3A_319 = arith.constant 4992 : i32
        %dma_wait3A_320 = arith.constant 0 : i32
        %dma_wait3A_321 = tpu.memref_slice %arg30[%dma_wait3A_319, %dma_wait3A_320] : memref<5008x128xf32, #tpu.memory_space<vmem_shared>> -> memref<8x128xf32, #tpu.memory_space<vmem_shared>>
        %dma_wait3A_322 = arith.constant 0 : i32
        %dma_wait3A_323 = arith.constant 0 : i32
        %dma_wait3A_324 = tpu.memref_slice %arg10[%dma_wait3A_322, %dma_wait3A_323] : memref<80x128xf32, #tpu.memory_space<vmem>> -> memref<8x128xf32, #tpu.memory_space<vmem>>
        %dma_wait3A_325 = arith.constant 4992 : i32
        %dma_wait3A_326 = arith.constant 0 : i32
        %dma_wait3A_327 = tpu.memref_slice %arg30[%dma_wait3A_325, %dma_wait3A_326] : memref<5008x128xf32, #tpu.memory_space<vmem_shared>> -> memref<8x128xf32, #tpu.memory_space<vmem_shared>>
        tpu.wait_dma2 semaphore(%run_scoped3A : memref<!tpu.dma_semaphore, #tpu.memory_space<semaphore_mem>>) src(%dma_wait3A_327 : memref<8x128xf32, #tpu.memory_space<vmem_shared>>) dst(%dma_wait3A_324 : memref<8x128xf32, #tpu.memory_space<vmem>>)
        tpu.yield
      }) : () -> ()
      %add3A_302 = arith.constant 4992 : i32
      %add3A_303 = arith.addi %mul3A_0, %add3A_302 : i32
      "tpu.region"() ({
        %run_scoped3A = tpu.sem_alloc : memref<!tpu.dma_semaphore, #tpu.memory_space<semaphore_mem>>
        %dma_start3A_304 = arith.constant 0 : i32
        %dma_start3A_305 = arith.constant 0 : i32
        %dma_start3A_306 = tpu.memref_slice %arg10[%dma_start3A_304, %dma_start3A_305] : memref<80x128xf32, #tpu.memory_space<vmem>> -> memref<8x128xf32, #tpu.memory_space<vmem>>
        %dma_start3A_307 = arith.constant 0 : i32
        %dma_start3A_308 = tpu.memref_slice %arg4[%add3A_303, %dma_start3A_307] : memref<10000x128xf32, #tpu.memory_space<hbm>> -> memref<8x128xf32, #tpu.memory_space<hbm>>
        %dma_start3A_309 = arith.constant 0 : i32
        %dma_start3A_310 = tpu.memref_slice %arg4[%add3A_303, %dma_start3A_309] : memref<10000x128xf32, #tpu.memory_space<hbm>> -> memref<8x128xf32, #tpu.memory_space<hbm>>
        %dma_start3A_311 = arith.constant 0 : i32
        %dma_start3A_312 = arith.constant 0 : i32
        %dma_start3A_313 = tpu.memref_slice %arg10[%dma_start3A_311, %dma_start3A_312] : memref<80x128xf32, #tpu.memory_space<vmem>> -> memref<8x128xf32, #tpu.memory_space<vmem>>
        tpu.enqueue_dma source(%dma_start3A_313 : memref<8x128xf32, #tpu.memory_space<vmem>>) target(%dma_start3A_310 : memref<8x128xf32, #tpu.memory_space<hbm>>) target_semaphore(%run_scoped3A : memref<!tpu.dma_semaphore, #tpu.memory_space<semaphore_mem>>)
        %dma_wait3A_314 = arith.constant 0 : i32
        %dma_wait3A_315 = arith.constant 0 : i32
        %dma_wait3A_316 = tpu.memref_slice %arg10[%dma_wait3A_314, %dma_wait3A_315] : memref<80x128xf32, #tpu.memory_space<vmem>> -> memref<8x128xf32, #tpu.memory_space<vmem>>
        %dma_wait3A_317 = arith.constant 0 : i32
        %dma_wait3A_318 = tpu.memref_slice %arg4[%add3A_303, %dma_wait3A_317] : memref<10000x128xf32, #tpu.memory_space<hbm>> -> memref<8x128xf32, #tpu.memory_space<hbm>>
        %dma_wait3A_319 = arith.constant 0 : i32
        %dma_wait3A_320 = tpu.memref_slice %arg4[%add3A_303, %dma_wait3A_319] : memref<10000x128xf32, #tpu.memory_space<hbm>> -> memref<8x128xf32, #tpu.memory_space<hbm>>
        %dma_wait3A_321 = arith.constant 0 : i32
        %dma_wait3A_322 = arith.constant 0 : i32
        %dma_wait3A_323 = tpu.memref_slice %arg10[%dma_wait3A_321, %dma_wait3A_322] : memref<80x128xf32, #tpu.memory_space<vmem>> -> memref<8x128xf32, #tpu.memory_space<vmem>>
        tpu.wait_dma2 semaphore(%run_scoped3A : memref<!tpu.dma_semaphore, #tpu.memory_space<semaphore_mem>>) src(%dma_wait3A_323 : memref<8x128xf32, #tpu.memory_space<vmem>>) dst(%dma_wait3A_320 : memref<8x128xf32, #tpu.memory_space<hbm>>)
        tpu.yield
      }) : () -> ()
    } else {
    }
    return
  }
}

</mosaic_0001>

<sc_bundles>
// kernel: _segment_sum_sc.3.cloned.1.call-start
scs
__scs_entry_jumppad:
0x0: {  	(pc) =	sbr.rel $0x88, $3  }
0x1: {  	(tag) =	ssettag $0x0;
	lr =	simm.s32 $0x1  }
0x2: {  	[smem:$0x3F9F] =	sst lr;
	_ =	strace $0xD0000000  }
0x3: {  	_ = 	snop  }
0x4: {  	_ = 	snop  }
0x5: {  	_ = 	snop  }
0x6: {  	_ = 	snop  }
0x7: {  	_ = 	snop  }
__scs_overlays_trampoline_lowered:
0x8: {  	[smem:$0x3FAE] =	sst s0  }
0x9: {  	[smem:$0x3FAF] =	sst s1  }
0xa: {  	[smem:$0x3FB0] =	sst s2  }
0xb: {  	[smem:$0x3FB1] =	sst s3  }
0xc: {  	[smem:$0x3FB2] =	sst s4  }
0xd: {  	[smem:$0x3FB3] =	sst s5  }
0xe: {  	[smem:$0x3FB4] =	sst s6  }
0xf: {  	[smem:$0x3FB5] =	sst s7  }
0x10: {  	[smem:$0x3FB6] =	sst s8  }
0x11: {  	[smem:$0x3FB7] =	sst s9;
	s0 =	simm.s32 @!p0 $0x0  }
0x12: {  	s1 =	sld [smem:$0x3F9D];
	s0 =	simm.s32 @p0 $0x1  }
0x13: {  	[smem:$0x3FB8] =	sst s0;
	s0 =	simm.s32 @!p1 $0x0  }
0x14: {  	s2 =	sld [smem:$0x3F9C];
	s0 =	simm.s32 @p1 $0x1  }
0x15: {  	[smem:$0x3FB9] =	sst s0;
	s0 =	simm.s32 @!p2 $0x0  }
0x16: {  	s3 =	sld [smem:$0x3FDB];
	s0 =	simm.s32 @p2 $0x1  }
0x17: {  	s4 =	simm.s32 $0x1BF5;
	[smem:$0x3FBB] =	sst s0  }
0x18: {  	s0 =	sld [smem:$0x3F9E];
	_ =	swait.ge [sflag:s4], $0x0  }
0x19: {  	s7 =	sld [smem:$0x3F9F]  }
0x1a: {  	s8 =	sadd.s32 $0xFFFFE003, lr  }
0x1b: {  	s9 =	sadd.s32 $0xFFFFFEF7, lr;
	s5 =	simm.s32 $0xFFFFFFFF;
	p2 =	slt.u32 s8, $0xFFFFF086  }
0x1c: {  	p1 =	slt.u32 s9, $0xF7A;
	s5 =	simm.s32 @!p2 $0x0  }
0x1d: {  	s5 =	simm.s32 @p1 $0x1;
	p0 =	seq.s32 s7, s2  }
0x1e: {  	s7 =	smul.u32 @!p0 $0xF7A, s2;
	p2 =	seq.s32 @!p0 s5, $0x0  }
0x1f: {  	s9 =	smul.u32 $0xF7A, s1;
	s8 =	simm.s32 @!p0 $0x1BF5;
	p2 =	por !p2, p0  }
0x20: {  	[sflag:s8] =	ssyncset.s32 @!p0 $0xFFFFF086;
	s6 =	sadd.s32 @!p0 s3, s7;
	s7 =	simm.s32 @!p0 $0x108  }
0x21: {  	s3 =	sadd.s32 s3, s9;
	s6 =	sadd.s32 @!p0 $0x88, s6;
	s7 =	simm.s32 @p2 $0x1082  }
0x22: {  	[simem:s7], [sflag:s8] =	dma.local @!p0 [hbm:s6], $0xF7A  }
0x23: {  	s9 =	sor.u32 $0xD0000000, s2;
	s6 =	simm.s32 $0x108;
	_ =	swait.ge @!p0 [sflag:s8], $0x0  }
0x24: {  	s3 =	sadd.s32 $0x88, s3;
	s6 =	simm.s32 @!p1 $0x1082;
	[sflag:s4] =	ssyncset.s32 $0xFFFFF086  }
0x25: {  	[simem:s6], [sflag:s4] =	dma.local [hbm:s3], $0xF7A  }
0x26: {  	[smem:$0x3F9F] =	sst s1;
	(tag) =	ssettag s2;
	_ =	strace s9  }
0x27: {  	s1 =	sld [smem:$0x3FAF]  }
0x28: {  	s2 =	sld [smem:$0x3FB0]  }
0x29: {  	s4 =	sld [smem:$0x3FB2]  }
0x2a: {  	p0 =	seq.s32 s5, $0x0;
	s5 =	sld [smem:$0x3FB3]  }
0x2b: {  	s6 =	sld [smem:$0x3FB4]  }
0x2c: {  	s7 =	sld [smem:$0x3FB5]  }
0x2d: {  	s3 =	simm.s32 $0x108;
	s8 =	sld [smem:$0x3FB6]  }
0x2e: {  	s3 =	simm.s32 @!p0 $0x1082;
	s9 =	sld [smem:$0x3FB7]  }
0x2f: {  	lr =	sadd.s32 s0, s3;
	s0 =	sld [smem:$0x3FAE]  }
0x30: {  	s3 =	sld [smem:$0x3FB1]  }
0x31: {  	[smem:$0x3FBA] =	sst s10  }
0x32: {  	s10 =	sld [smem:$0x3FB8];
	_ =	sdelay $0x3  }
0x33: {  	p0 =	seq.s32 s10, $0x1;
	s10 =	sld [smem:$0x3FBA];
	_ =	sdelay $0x3  }
0x34: {  	[smem:$0x3FBA] =	sst s10  }
0x35: {  	s10 =	sld [smem:$0x3FB9];
	_ =	sdelay $0x3  }
0x36: {  	p1 =	seq.s32 s10, $0x1;
	s10 =	sld [smem:$0x3FBA];
	_ =	sdelay $0x3  }
0x37: {  	[smem:$0x3FBA] =	sst s10  }
0x38: {  	s10 =	sld [smem:$0x3FBB]  }
0x39: {  	_ = 	snop;
	(pc) =	sbr.ind lr, $3  }
0x3a: {  	_ = 	snop  }
0x3b: {  	_ = 	snop  }
0x3c: {  	p2 =	seq.s32 s10, $0x1;
	s10 =	sld [smem:$0x3FBA]  }
0x3d: {  	_ =	shalt  }
0x3e: {  	_ =	shalt  }
0x3f: {  	_ =	shalt  }
0x40: {  	_ =	shalt  }
0x41: {  	_ =	shalt  }
0x42: {  	_ =	shalt  }
0x43: {  	_ =	shalt  }
0x44: {  	_ =	shalt  }
0x45: {  	_ =	shalt  }
0x46: {  	_ =	shalt  }
0x47: {  	_ =	shalt  }
0x48: {  	_ =	shalt  }
0x49: {  	_ =	shalt  }
0x4a: {  	_ =	shalt  }
0x4b: {  	_ =	shalt  }
0x4c: {  	_ =	shalt  }
0x4d: {  	_ =	shalt  }
0x4e: {  	_ =	shalt  }
0x4f: {  	_ =	shalt  }
0x50: {  	_ =	shalt  }
0x51: {  	_ =	shalt  }
0x52: {  	_ =	shalt  }
0x53: {  	_ =	shalt  }
0x54: {  	_ =	shalt  }
0x55: {  	_ =	shalt  }
0x56: {  	_ =	shalt  }
0x57: {  	_ =	shalt  }
0x58: {  	_ =	shalt  }
0x59: {  	_ =	shalt  }
0x5a: {  	_ =	shalt  }
0x5b: {  	_ =	shalt  }
0x5c: {  	_ =	shalt  }
0x5d: {  	_ =	shalt  }
0x5e: {  	_ =	shalt  }
0x5f: {  	_ =	shalt  }
0x60: {  	_ =	shalt  }
0x61: {  	_ =	shalt  }
0x62: {  	_ =	shalt  }
0x63: {  	_ =	shalt  }
0x64: {  	_ =	shalt  }
0x65: {  	_ =	shalt  }
0x66: {  	_ =	shalt  }
0x67: {  	_ =	shalt  }
0x68: {  	_ =	shalt  }
0x69: {  	_ =	shalt  }
0x6a: {  	_ =	shalt  }
0x6b: {  	_ =	shalt  }
0x6c: {  	_ =	shalt  }
0x6d: {  	_ =	shalt  }
0x6e: {  	_ =	shalt  }
0x6f: {  	_ =	shalt  }
0x70: {  	_ =	shalt  }
0x71: {  	_ =	shalt  }
0x72: {  	_ =	shalt  }
0x73: {  	_ =	shalt  }
0x74: {  	_ =	shalt  }
0x75: {  	_ =	shalt  }
0x76: {  	_ =	shalt  }
0x77: {  	_ =	shalt  }
0x78: {  	_ =	shalt  }
0x79: {  	_ =	shalt  }
0x7a: {  	_ =	shalt  }
0x7b: {  	_ =	shalt  }
0x7c: {  	_ =	shalt  }
0x7d: {  	_ =	shalt  }
0x7e: {  	_ =	shalt  }
0x7f: {  	_ =	shalt  }
0x80: {  	_ =	shalt  }
0x81: {  	_ =	shalt  }
0x82: {  	_ =	shalt  }
0x83: {  	_ =	shalt  }
0x84: {  	_ =	shalt  }
0x85: {  	_ =	shalt  }
0x86: {  	_ =	shalt  }
0x87: {  	_ =	shalt  }
.Lfunc_end0:
.L_simem_size_0:
called_computation_lowered:
.L_overlay_start_0:
0x88: {  	s2 =	sld [smem:$0x3FD9]  }
0x89: {  	s3 =	sld [smem:$0x3FFE];
	_ =	sdelay $0x1  }
0x8a: {  	s1 =	srdreg.scid  }
0x8b: {  	s0 =	sand.u32 $0x1, s1  }
0x8c: {  	s18 =	sshll.u32 s0, $0xA;
	s2 =	sadd.s32 s3, s2  }
0x8d: {  	s2 =	sadd.s32 s2, s18  }
0x8e: {  	[smem:$0x3FC6] =	sst s2  }
0x8f: {  	_ = 	snop  }
0x90: {  	s2 =	sld [smem:$0x3FC9]  }
0x91: {  	s19 =	sld [smem:$0x3FC8]  }
0x92: {  	s4 =	sld [smem:$0x3FD0];
	(tm) =	ssettm $0x1  }
0x93: {  	s5 =	sld [smem:$0x3FFB];
	_ =	sdelay $0x3  }
0x94: {  	_ =	strace s5  }
0x95: {  	s5 =	sld [smem:$0x3FFC];
	_ =	sdelay $0x3  }
0x96: {  	_ =	strace s5  }
0x97: {  	s5 =	sld [smem:$0x3FFD];
	_ =	sdelay $0x3  }
0x98: {  	_ =	strace s5  }
0x99: {  	_ =	strace $0x8FFFFFFF  }
0x9a: {  	s20 =	sld [smem:$0x3FDB];
	_ =	sdelay $0x1  }
0x9b: {  	s6 =	simm.s32 $_scs_section_size  }
0x9c: {  	s7 =	simm.s32 $_size__tile_overlayer_lowered;
	s8 =	simm.s32 $_tile_overlayer_lowered  }
0x9d: {  	s23 =	simm.s32 $0x1BFF;
	s22 =	sshll.u32 s8, $0x1;
	s5 =	sadd.s32 s6, s20  }
0x9e: {  	s9 =	simm.s32 $0x0;
	s21 =	sshll.u32 s7, $0x1;
	s7 =	sadd.s32 s22, s5  }
0x9f: {  	[timem:s9], [sflag:s23] =	dma.local [hbm:s7], s21  }
0xa0: {  	_ =	swait.ge [sflag:s23], s21  }
0xa1: {  	s6 =	ssub.s32 $0x0, s21;
	[sflag:s23] =	ssyncset.done $0x0  }
0xa2: {  	[sflag:s23] =	ssyncadd.s32 s6;
	_ =	sdelay $0x1  }
0xa3: {  	s24 =	simm.s32 $0x1B8B  }
0xa4: {  	_ =	swait.ge [sflag:s24], $0x1  }
0xa5: {  	[sflag:s24] =	ssyncset.done $0x0  }
0xa6: {  	s25 =	simm.s32 $0x1B8E;
	[sflag:s24] =	ssyncadd.s32 $0xFFFFFFFF  }
0xa7: {  	s26 =	simm.s32 $execute0_lowered;
	[smem:$0x3FD2] =	sst s25  }
0xa8: {  	s6 =	sshll.u32 s26, $0x1;
	_ =	strace $0x80000046;
	[dreg:$0x1] =	wrdreg $0xFFFFFFFF  }
0xa9: {  	s28 =	simm.s32 $_size_execute0_lowered;
	s5 =	sadd.s32 s5, s6;
	[dreg:$0x0] =	wrdreg $0x0  }
0xaa: {  	s6 =	sshll.u32 s28, $0x1;
	[dreg:$0x2] =	wrdreg s5  }
0xab: {  	[dreg:$0x3] =	wrdreg s6  }
0xac: {  	[dreg:$0x4] =	wrdreg $0xC0  }
0xad: {  	_ =	task [dreg:s9], $0x5FFFF  }
0xae: {  	[dreg:$0x1] =	wrdreg $0xFFFFFFFF  }
0xaf: {  	[dreg:$0x0] =	wrdreg $0x60  }
0xb0: {  	[dreg:$0x2] =	wrdreg s2  }
0xb1: {  	[dreg:$0x3] =	wrdreg s19  }
0xb2: {  	[dreg:$0x4] =	wrdreg s4  }
0xb3: {  	[dreg:$0x5] =	wrdreg $0x141800  }
0xb4: {  	[dreg:$0x6] =	wrdreg $0x9  }
0xb5: {  	_ =	task.clear_ibuf [dreg:s9], $0x7FFFF;
	_ =	strace $0x90000046  }
0xb6: {  	s29 =	simm.s32 $0x9;
	_ =	strace $0x80000048  }
0xb7: {  	_ =	swait.ge [sflag:s29], $0x1  }
0xb8: {  	[sflag:s29] =	ssyncadd.s32 $0xFFFFFFFF  }
0xb9: {  	_ =	strace $0x90000048  }
0xba: {  	_ =	sfence  }
0xbb: {  	s30 =	sld [smem:$0x0];
	_ =	sdelay $0x2  }
0xbc: {  	s31 =	sshll.u32 s1, $0xD;
	s1 =	sshrl.u32 s1, $0x2  }
0xbd: {  	s3 =	sand.u32 $0x4000, s31;
	s1 =	sadd.s32 s1, s30  }
0xbe: {  	s0 =	sor.u32 s3, s0;
	s1 =	sshll.u32 s1, $0x11  }
0xbf: {  	s0 =	sor.u32 s1, s0  }
0xc0: {  	s0 =	sadd.s32 $0x8F2B, s0  }
0xc1: {  	[sflag:s0] =	ssyncadd.remote.s32 $0x1  }
0xc2: {  	_ =	sfence.sel $0xFFFF  }
0xc3: {  	[dreg:$0x0] =	wrdreg $0xFFFFFFFF;
	(pc) =	sbr.abs _section_cstart, $3  }
0xc4: {  	[dreg:$0x1] =	wrdreg $0xFFFFFFFF  }
0xc5: {  	_ =	task.clear_ibuf [dreg:s9], $0x2FFFF;
	_ =	strace $0x9FFFFFFF  }
0xc6: {  	(tm) =	ssettm $0x7FFFFFFF  }
0xc7: {  	_ =	shalt  }
tec
execute0_lowered:
.L_overlay_start_1:
0x0: {  	(tag) =	ssettag $0x1  }
0x1: {  	s1 =	rddreg [dreg:$0x0]  }
0x2: {  	s0 =	rddreg [dreg:$0x1];
	s9 =	stileid.u32  }
0x3: {  	s8 =	rddreg [dreg:$0x2];
	s6 =	smul.u32 $0x27200, s9  }
0x4: {  	s2 =	rddreg [dreg:$0x3];
	s12 =	smul.u32 $0x27000, s9  }
0x5: {  	s4 =	srdreg.scid;
	s3 =	simm.s32 $0x0;
	s18 =	smul.u32 $0x138, s9  }
0x6: {  	s10 =	sand.u32 $0x1, s4;
	[smem:$0x7FF] =	sst s3;
	s25 =	smul.u32 $0x4E200, s9  }
0x7: {  	s29 =	sadd.s32 $0x9C000, s2;
	p0 =	sne.s32 s9, $0x0;
	s4 =	smul.u32 $0x1388, s10  }
0x8: {  	s5 =	ssub.s32 $0x2, s10;
	_ =	strace $0x80000047;
	s10 =	smul.u32 $0x9C400, s10  }
0x9: {  	[dreg:$0xf] =	wrdreg s29;
	s7 =	sshrl.u32 s5, $0x1;
	s16 =	sshrl.u32 s6, $0x2  }
0xa: {  	s12 =	sshrl.u32 s12, $0x2;
	s30 =	sadd.s32 s25, s1;
	s25 =	simm.s32 $0xD  }
0xb: {  	s11 =	ssub.s32 s5, s7;
	s5 =	smul.u32 $0x4E20, s9;
	s7 =	sadd.s32 s16, s2  }
0xc: {  	s6 =	sadd.s32 $0x1388, s4;
	s12 =	sadd.s32 s12, s2;
	s13 =	sadd.s32 $0x2800, s7  }
0xd: {  	s20 =	sadd.s32 s18, s4;
	s17 =	sadd.s32 $0x5000, s7;
	[dreg:$0x5] =	wrdreg s13  }
0xe: {  	s24 =	sshrl.u32 s10, $0x3;
	s14 =	sadd.s32 $0x7480, s7;
	[dreg:$0x6] =	wrdreg s17  }
0xf: {  	s9 =	simm.s32 $0x7;
	s21 =	sadd.s32 $0x2800, s12;
	[dreg:$0x7] =	wrdreg s14  }
0x10: {  	s10 =	simm.s32 $0x8;
	s22 =	sadd.s32 $0x5000, s12;
	[dreg:$0x9] =	wrdreg s21  }
0x11: {  	s23 =	sadd.s32 $0x7400, s12;
	s19 =	sshrl.u32 s5, $0x3;
	[dreg:$0xa] =	wrdreg s22  }
0x12: {  	s31 =	smax.u32 s11, $0x1;
	[dreg:$0xb] =	wrdreg s23;
	s0 =	sadd.s32 s0, s19  }
0x13: {  	s11 =	simm.s32 $0x9;
	[dreg:$0x8] =	wrdreg s0;
	s0 =	sshll.u32 s20, $0x4  }
0x14: {  	[dreg:$0x11] =	wrdreg s31;
	s23 =	simm.s32 $0x3;
	s16 =	sadd.s32 s8, s0  }
0x15: {  	s13 =	simm.s32 $0xA;
	s14 =	simm.s32 $0x0;
	s0 =	sadd.s32 $0x500, s16  }
.Ltmp0:
0x16: {  	s26 =	sadd.s32 $0xA00, s16;
	[dreg:$0xc] =	wrdreg s0;
	(pc) =	sbr.rel .LBB2_1-.Ltmp0, $4  }
0x17: {  	s28 =	sadd.s32 $0xE80, s16;
	[dreg:$0xd] =	wrdreg s26;
	s0 =	sadd.s32 s8, s24  }
0x18: {  	[dreg:$0xe] =	wrdreg s28;
	s24 =	simm.s32 $0x11680;
	s0 =	sadd.s32 $0x13800, s0  }
0x19: {  	s26 =	simm.s32 $0x1;
	[dreg:$0x10] =	wrdreg s0;
	s0 =	sadd.s32 $0x2D00, s30  }
0x1a: {  	v2 =	vimm.f32 $0.0e+00;
	v0 =	vmov s4;
	v1 =	vmov s6;
	s8 =	simm.s32 $0x4;
	[dreg:$0x12] =	wrdreg s0;
	s0 =	simm.s32 $0x2  }
.LBB2_10:
0x1b: {  	s17 =	sadd.s32 $0xFFFFFFFF, s17  }
0x1c: {  	s18 =	ssub.s32 s17, s15  }
0x1d: {  	s19 =	smulhi.u32 $0x2AAAAAAB, s18;
	s20 =	sshra.s32 s18, $0x1F  }
0x1e: {  	s20 =	smul.u32 $0x2AAAAAAB, s20;
	_ =	sdelay $0x1  }
0x1f: {  	s19 =	sadd.s32 s20, s19  }
0x20: {  	s20 =	sshrl.u32 s19, $0x1F  }
0x21: {  	s19 =	sadd.s32 s20, s19  }
0x22: {  	s19 =	smul.u32 $0x6, s19;
	_ =	sdelay $0x1  }
0x23: {  	s18 =	ssub.s32 s18, s19  }
0x24: {  	s19 =	sadd.s32 $0x6, s18;
	p2 =	slt.s32 s18, $0x0;
	s20 =	smov.u32 s18  }
0x25: {  	s20 =	smov.u32 @p2 s19  }
0x26: {  	s29 =	sadd.s32 $0x4, s18;
	p2 =	sne.s32 @!p1 s20, $0x0  }
0x27: {  	s30 =	sshll.u32 s29, $0x18;
	s19 =	ssub.s32 s17, s20;
	p3 =	por p2, p1  }
0x28: {  	s21 =	simm.s32 $0xFFFFFFFB;
	p3 =	slt.s32 @!p3 s19, s15;
	s19 =	sshra.s32 s30, $0x18  }
0x29: {  	s22 =	ssub.s32 s17, s18;
	p2 =	por @!p1 p3, p2;
	s19 =	smul.u32 $0x2B, s19  }
0x2a: {  	s20 =	sadd.s32 $0x3, s18;
	p3 =	slt.s32 s18, $0x1;
	p2 =	por p2, p1  }
0x2b: {  	s21 =	simm.s32 @!p3 $0x1;
	s31 =	sshrl.u32 s19, $0x1F;
	s19 =	sshrl.u32 s19, $0x8  }
0x2c: {  	s21 =	sadd.s32 s21, s22;
	s28 =	simm.s32 @!p2 $0x7;
	s19 =	sadd.s32 s31, s19  }
0x2d: {  	s22 =	sadd.s32 $0x2, s18;
	p3 =	slt.s32 @!p1 s21, s17;
	s19 =	smul.u32 $0x6, s19  }
0x2e: {  	s18 =	sadd.s32 $0x1, s18;
	_ =	swait.ge @!p2 [sflag:s28], $0x2800;
	p4 =	por p3, p1  }
0x2f: {  	[sflag:s28] =	ssyncset.done @!p2 $0x0;
	p4 =	slt.s32 @!p4 s21, s15;
	s19 =	ssub.s32 s29, s19  }
0x30: {  	[sflag:s28] =	ssyncadd.s32 @!p2 $0xFFFFD800;
	p2 =	por @!p1 p4, p3;
	s19 =	sshll.u32 s19, $0x18  }
0x31: {  	s29 =	sshll.u32 s20, $0x18;
	p2 =	por p2, p1;
	s19 =	sshra.s32 s19, $0x18  }
0x32: {  	s30 =	sshra.s32 s29, $0x18;
	s21 =	simm.s32 @!p2 $0x8;
	p3 =	sgt.s32 @!p1 s19, $0x0  }
0x33: {  	s28 =	ssub.s32 s17, s19;
	s19 =	smul.u32 $0x2B, s30;
	p4 =	por p3, p1  }
0x34: {  	s31 =	sshll.u32 s22, $0x18;
	_ =	swait.ge @!p2 [sflag:s21], $0x2800;
	p4 =	slt.s32 @!p4 s28, s15  }
0x35: {  	s29 =	sshrl.u32 s19, $0x1F;
	s19 =	sshrl.u32 s19, $0x8;
	s28 =	sshra.s32 s31, $0x18  }
0x36: {  	[sflag:s21] =	ssyncset.done @!p2 $0x0;
	s19 =	sadd.s32 s29, s19;
	s28 =	smul.u32 $0x2B, s28  }
0x37: {  	[sflag:s21] =	ssyncadd.s32 @!p2 $0xFFFFD800;
	s31 =	sshll.u32 s18, $0x18;
	s19 =	smul.u32 $0x6, s19  }
0x38: {  	p2 =	por @!p1 p4, p3;
	s30 =	sshrl.u32 s28, $0x1F;
	s28 =	sshrl.u32 s28, $0x8  }
0x39: {  	p2 =	por p2, p1;
	s21 =	sadd.s32 s30, s28;
	s19 =	ssub.s32 s20, s19  }
0x3a: {  	s30 =	sshra.s32 s31, $0x18;
	s28 =	simm.s32 @!p2 $0x9;
	s29 =	smul.u32 $0x6, s21  }
0x3b: {  	s19 =	sshll.u32 s19, $0x18;
	s21 =	smul.u32 $0x2B, s30;
	_ =	swait.ge @!p2 [sflag:s28], $0x2800  }
0x3c: {  	s19 =	sshra.s32 s19, $0x18;
	[sflag:s28] =	ssyncset.done @!p2 $0x0  }
0x3d: {  	s20 =	ssub.s32 s22, s29;
	s31 =	sshrl.u32 s21, $0x1F;
	s21 =	sshrl.u32 s21, $0x8  }
0x3e: {  	p3 =	sgt.s32 @!p1 s19, $0x0;
	s19 =	ssub.s32 s17, s19;
	[sflag:s28] =	ssyncadd.s32 @!p2 $0xFFFFD800  }
0x3f: {  	s21 =	sadd.s32 s31, s21;
	p4 =	por p3, p1;
	s28 =	sshll.u32 s20, $0x18  }
0x40: {  	s21 =	smul.u32 $0x6, s21;
	p2 =	slt.s32 @!p4 s19, s15;
	s19 =	sshra.s32 s28, $0x18  }
0x41: {  	p2 =	por @!p1 p2, p3;
	p3 =	sgt.s32 @!p1 s19, $0x0;
	s19 =	ssub.s32 s17, s19  }
0x42: {  	s18 =	ssub.s32 s18, s21;
	p2 =	por p2, p1;
	p4 =	por p3, p1  }
0x43: {  	s18 =	sshll.u32 s18, $0x18;
	p4 =	slt.s32 @!p4 s19, s15;
	s19 =	simm.s32 @!p2 $0xA  }
0x44: {  	s18 =	sshra.s32 s18, $0x18;
	_ =	swait.ge @!p2 [sflag:s19], $0x2800  }
0x45: {  	p3 =	por @!p1 p4, p3;
	s17 =	ssub.s32 s17, s18;
	p5 =	sgt.s32 @!p1 s18, $0x0  }
0x46: {  	[sflag:s19] =	ssyncset.done @!p2 $0x0;
	p3 =	por p3, p1;
	p4 =	por p5, p1  }
0x47: {  	[sflag:s19] =	ssyncadd.s32 @!p2 $0xFFFFD800;
	s18 =	simm.s32 @!p3 $0xB;
	p2 =	slt.s32 @!p4 s17, s15  }
0x48: {  	_ =	swait.ge @!p3 [sflag:s18], $0x2800;
	p2 =	por @!p1 p2, p5  }
0x49: {  	[sflag:s18] =	ssyncset.done @!p3 $0x0;
	p1 =	por p2, p1  }
0x4a: {  	[sflag:s18] =	ssyncadd.s32 @!p3 $0xFFFFD800;
	s15 =	simm.s32 @!p1 $0xC  }
0x4b: {  	_ =	swait.ge @!p1 [sflag:s15], $0x2800  }
0x4c: {  	[sflag:s15] =	ssyncset.done @!p1 $0x0  }
0x4d: {  	[sflag:s15] =	ssyncadd.s32 @!p1 $0xFFFFD800  }
0x4e: {  	s29 =	simm.s32 $0x4E80;
	[bflag:$0x0] =	sbarrier.arrive $0xFFFF  }
0x4f: {  	[tilespmem:s29], [sflag:$0x1] =	stream.linear.gather [spmem:s12], $0x2800, $0x38;
	[tilespmem:$0x1DE00] =	vst v63  }
0x50: {  	s31 =	simm.s32 $0x7680;
	s30 =	rddreg [dreg:$0x9]  }
0x51: {  	[tilespmem:s31], [sflag:$0x2] =	stream.linear.gather [spmem:s30], $0x2800, $0x38;
	[tilespmem:$0x1DE00] =	vst v63  }
0x52: {  	s20 =	simm.s32 $0x9E80;
	s19 =	rddreg [dreg:$0xa]  }
0x53: {  	[tilespmem:s20], [sflag:$0x3] =	stream.linear.gather [spmem:s19], $0x2800, $0x38;
	[tilespmem:$0x1DE00] =	vst v63  }
0x54: {  	s22 =	simm.s32 $0xC680;
	s21 =	rddreg [dreg:$0xb]  }
0x55: {  	[tilespmem:s22], [sflag:$0x4] =	stream.linear.gather [spmem:s21], $0x2800, $0x38;
	[tilespmem:$0x1DE00] =	vst v63  }
0x56: {  	_ =	swait.ge [sflag:s26], $0x2800  }
0x57: {  	[sflag:s26] =	ssyncset.done $0x0  }
0x58: {  	[sflag:s26] =	ssyncadd.s32 $0xFFFFD800  }
0x59: {  	[hbm4b:s16+s3] =	stream.linear.scatter [tilespmem:s29], [sflag:$0x7], $0x2800, $0x38;
	[tilespmem:$0x1DE00] =	vst v63  }
0x5a: {  	_ =	swait.ge [sflag:s0], $0x2800  }
0x5b: {  	[sflag:s0] =	ssyncset.done $0x0  }
0x5c: {  	s28 =	rddreg [dreg:$0xc];
	[sflag:s0] =	ssyncadd.s32 $0xFFFFD800  }
0x5d: {  	[hbm4b:s28+s3] =	stream.linear.scatter [tilespmem:s31], [sflag:$0x8], $0x2800, $0x38;
	[tilespmem:$0x1DE00] =	vst v63  }
0x5e: {  	_ =	swait.ge [sflag:s23], $0x2800  }
0x5f: {  	[sflag:s23] =	ssyncset.done $0x0  }
0x60: {  	s29 =	rddreg [dreg:$0xd];
	[sflag:s23] =	ssyncadd.s32 $0xFFFFD800  }
0x61: {  	[hbm4b:s29+s3] =	stream.linear.scatter [tilespmem:s20], [sflag:$0x9], $0x2800, $0x38;
	[tilespmem:$0x1DE00] =	vst v63  }
0x62: {  	_ =	swait.ge [sflag:s8], $0x2800  }
0x63: {  	[sflag:s8] =	ssyncset.done $0x0  }
0x64: {  	s30 =	rddreg [dreg:$0xe];
	[sflag:s8] =	ssyncadd.s32 $0xFFFFD800  }
0x65: {  	[hbm4b:s30+s3] =	stream.linear.scatter [tilespmem:s22], [sflag:$0xA], $0x2800, $0x38;
	[tilespmem:$0x1DE00] =	vst v63  }
0x66: {  	_ =	swait.ge [sflag:s9], $0x2800  }
0x67: {  	[sflag:s9] =	ssyncset.done $0x0  }
0x68: {  	[sflag:s9] =	ssyncadd.s32 $0xFFFFD800  }
0x69: {  	_ =	swait.ge [sflag:s10], $0x2800  }
0x6a: {  	[sflag:s10] =	ssyncset.done $0x0  }
0x6b: {  	[sflag:s10] =	ssyncadd.s32 $0xFFFFD800  }
0x6c: {  	_ =	swait.ge [sflag:s11], $0x2800  }
0x6d: {  	[sflag:s11] =	ssyncset.done $0x0  }
0x6e: {  	[sflag:s11] =	ssyncadd.s32 $0xFFFFD800  }
0x6f: {  	_ =	swait.ge [sflag:s13], $0x2800  }
0x70: {  	[sflag:s13] =	ssyncset.done $0x0  }
0x71: {  	s15 =	simm.s32 @!p0 $0xEE80;
	s17 =	rddreg [dreg:$0xf];
	[sflag:s13] =	ssyncadd.s32 $0xFFFFD800  }
0x72: {  	[tilespmem:s15], [sflag:$0xD] =	stream.linear.gather @!p0 [spmem:s17], $0x400, $0x38;
	[tilespmem:$0x1DE00] =	vst v63  }
0x73: {  	s17 =	simm.s32 @!p0 $0xD  }
0x74: {  	_ =	swait.ge @!p0 [sflag:s17], $0x400  }
0x75: {  	[sflag:s17] =	ssyncset.done @!p0 $0x0  }
0x76: {  	s18 =	simm.s32 @!p0 $0x0;
	s19 =	rddreg [dreg:$0x10];
	[sflag:s17] =	ssyncadd.s32 @!p0 $0xFFFFFC00  }
0x77: {  	[hbm4b:s19+s18] =	stream.linear.scatter @!p0 [tilespmem:s15], [sflag:$0xD], $0x400, $0x38;
	[tilespmem:$0x1DE00] =	vst v63  }
0x78: {  	_ =	swait.ge @!p0 [sflag:s17], $0x400  }
0x79: {  	s14 =	sadd.s32 $0x1, s14;
	s31 =	rddreg [dreg:$0x11]  }
0x7a: {  	p1 =	sne.s32 s14, s31  }
.Ltmp1:
0x7b: {  	_ = 	snop;
	(pc) =	sbr.rel @!p1 .LBB2_11-.Ltmp1, $3  }
0x7c: {  	_ =	sdelay $0x1  }
0x7d: {  	[sflag:s17] =	ssyncset.done @!p0 $0x0  }
0x7e: {  	[sflag:s17] =	ssyncadd.s32 @!p0 $0xFFFFFC00  }
.LBB2_1:
0x7f: {  	s15 =	simm.s32 $0x0;
	s17 =	simm.s32 $0x200  }
.LBB2_2:
0x80: {  	p1 =	sne.s32 s17, $0x9E00;
	[tilespmem:s15+$0x116F0] =	vst v2  }
0x81: {  	[tilespmem:s15+$0x11680] =	vst v2  }
0x82: {  	[tilespmem:s15+$0x11690] =	vst v2  }
.Ltmp2:
0x83: {  	[tilespmem:s15+$0x116A0] =	vst v2;
	(pc) =	sbr.rel @p1 .LBB2_2-.Ltmp2, $4  }
0x84: {  	[tilespmem:s15+$0x116B0] =	vst v2  }
0x85: {  	[tilespmem:s15+$0x116C0] =	vst v2  }
0x86: {  	[tilespmem:s15+$0x116D0] =	vst v2  }
0x87: {  	[tilespmem:s15+$0x116E0] =	vst v2;
	s15 =	sshra.s32 s17, $0x2;
	s17 =	sadd.s32 $0x200, s17  }
0x88: {  	[tilespmem:s15+$0x116F0] =	vst v2  }
0x89: {  	[tilespmem:s15+$0x11680] =	vst v2  }
0x8a: {  	[tilespmem:s15+$0x11690] =	vst v2  }
0x8b: {  	[tilespmem:s15+$0x116A0] =	vst v2  }
0x8c: {  	[tilespmem:s15+$0x116B0] =	vst v2  }
0x8d: {  	[tilespmem:s15+$0x116C0] =	vst v2  }
0x8e: {  	[tilespmem:s15+$0x116D0] =	vst v2  }
0x8f: {  	[tilespmem:s15+$0x116E0] =	vst v2  }
0x90: {  	[spmem:s7] =	stream.linear.scatter [tilespmem:s24], [sflag:$0xD], $0x2800, $0x38;
	[tilespmem:$0x1DE00] =	vst v63  }
0x91: {  	_ =	swait.ge [sflag:s25], $0x2800  }
0x92: {  	[sflag:s25] =	ssyncset.done $0x0  }
0x93: {  	s21 =	rddreg [dreg:$0x5];
	[sflag:s25] =	ssyncadd.s32 $0xFFFFD800  }
0x94: {  	[spmem:s21] =	stream.linear.scatter [tilespmem:s24], [sflag:$0xD], $0x2800, $0x38;
	[tilespmem:$0x1DE00] =	vst v63  }
0x95: {  	_ =	swait.ge [sflag:s25], $0x2800  }
0x96: {  	[sflag:s25] =	ssyncset.done $0x0  }
0x97: {  	s22 =	rddreg [dreg:$0x6];
	[sflag:s25] =	ssyncadd.s32 $0xFFFFD800  }
0x98: {  	[spmem:s22] =	stream.linear.scatter [tilespmem:s24], [sflag:$0xD], $0x2800, $0x38;
	[tilespmem:$0x1DE00] =	vst v63  }
0x99: {  	_ =	swait.ge [sflag:s25], $0x2800  }
0x9a: {  	[sflag:s25] =	ssyncset.done $0x0  }
0x9b: {  	s30 =	rddreg [dreg:$0x7];
	[sflag:s25] =	ssyncadd.s32 $0xFFFFD800  }
0x9c: {  	[spmem:s30] =	stream.linear.scatter [tilespmem:s24], [sflag:$0xD], $0x2800, $0x38;
	[tilespmem:$0x1DE00] =	vst v63  }
0x9d: {  	_ =	swait.ge [sflag:s25], $0x2800  }
0x9e: {  	[sflag:s25] =	ssyncset.done $0x0  }
0x9f: {  	s17 =	simm.s32 $0x0;
	s31 =	rddreg [dreg:$0x8];
	[sflag:s25] =	ssyncadd.s32 $0xFFFFD800  }
0xa0: {  	[tilespmem:s17], [sflag:$0xD] =	stream.linear.gather [hbm4b:s31+s17], $0x4E20, $0x38;
	[tilespmem:$0x1DE00] =	vst v63  }
0xa1: {  	_ =	swait.ge [sflag:s25], $0x4E20  }
0xa2: {  	s18 =	simm.s32 $0xFA;
	[sflag:s25] =	ssyncset.done $0x0  }
0xa3: {  	s29 =	simm.s32 $0xFA;
	s28 =	simm.s32 $0x7;
	[sflag:s25] =	ssyncadd.s32 $0xFFFFB1E0  }
0xa4: {  	s15 =	simm.s32 $0x0;
	s19 =	simm.s32 $0xFA;
	[bflag:$0x0] =	sbarrier.arrive $0xFFFF  }
.LBB2_4:
0xa5: {  	p1 =	sne.s32 s28, $0x1;
	p2 =	slt.s32 s29, $0x1;
	s30 =	sand.u32 $0x1, s29  }
0xa6: {  	s31 =	sshrl.u32 s29, $0x1F;
	p3 =	seq.s32 s30, $0x1  }
0xa7: {  	s29 =	sadd.s32 s31, s29;
	p2 =	por !p2, !p3  }
0xa8: {  	s30 =	simm.s32 $0x1;
	s29 =	sshra.s32 s29, $0x1;
	p2 =	por !p2, !p2  }
0xa9: {  	s30 =	simm.s32 @!p2 $0x0  }
0xaa: {  	s29 =	ssub.s32 s29, s30  }
0xab: {  	s30 =	smul.u32 $0x140, s29;
	s31 =	sadd.s32 $0x1, s29;
	_ =	sdelay $0x1  }
0xac: {  	s30 =	sshra.s32 s30, $0x2  }
0xad: {  	v3 =	vld [tilespmem:s30+$0x40];
	_ =	sdelay $0x4  }
0xae: {  	(v2sf) =	vpush v3, $0xF;
	_ =	sdelay $0xe  }
.Ltmp3:
0xaf: {  	s30 =	spop (v2sf);
	(pc) =	sbr.rel @p1 .LBB2_4-.Ltmp3, $4  }
0xb0: {  	p2 =	slt.s32 s30, s4;
	s30 =	smov.u32 s15  }
0xb1: {  	p3 =	slt.s32 s15, s19;
	s30 =	smov.u32 @p2 s31;
	s29 =	smov.u32 @p2 s19  }
0xb2: {  	s15 =	smov.u32 @p3 s30;
	s19 =	smov.u32 @p3 s29  }
0xb3: {  	s28 =	sadd.s32 $0xFFFFFFFF, s28;
	s29 =	sadd.s32 s15, s19  }
0xb4: {  	s28 =	sand.u32 $0x1, s29  }
0xb5: {  	p1 =	slt.s32 s29, $0x1;
	p2 =	seq.s32 s28, $0x1  }
0xb6: {  	s28 =	sshrl.u32 s29, $0x1F;
	p1 =	por !p1, !p2  }
0xb7: {  	s28 =	sadd.s32 s28, s29;
	s29 =	simm.s32 $0x1;
	p1 =	por !p1, !p1  }
0xb8: {  	s28 =	sshra.s32 s28, $0x1;
	s29 =	simm.s32 @!p1 $0x0  }
0xb9: {  	s28 =	ssub.s32 s28, s29  }
0xba: {  	s29 =	smul.u32 $0x140, s28;
	_ =	sdelay $0x1  }
0xbb: {  	s29 =	sshra.s32 s29, $0x2  }
0xbc: {  	v3 =	vld [tilespmem:s29+$0x40];
	_ =	sdelay $0x4  }
0xbd: {  	(v2sf) =	vpush v3, $0xF;
	_ =	sdelay $0xe  }
0xbe: {  	s31 =	spop (v2sf)  }
0xbf: {  	s28 =	sadd.s32 $0x1, s28;
	s29 =	smov.u32 s15;
	p1 =	slt.s32 s31, s4  }
0xc0: {  	p2 =	slt.s32 s15, s19;
	s29 =	smov.u32 @p1 s28  }
0xc1: {  	s19 =	simm.s32 $0x7;
	s28 =	simm.s32 $0xFA;
	s15 =	smov.u32 @p2 s29  }
.LBB2_6:
0xc2: {  	p1 =	sne.s32 s19, $0x1;
	p2 =	slt.s32 s28, $0x1;
	s29 =	sand.u32 $0x1, s28  }
0xc3: {  	s30 =	sshrl.u32 s28, $0x1F;
	p3 =	seq.s32 s29, $0x1  }
0xc4: {  	s28 =	sadd.s32 s30, s28;
	p2 =	por !p2, !p3  }
0xc5: {  	s29 =	simm.s32 $0x1;
	s28 =	sshra.s32 s28, $0x1;
	p2 =	por !p2, !p2  }
0xc6: {  	s29 =	simm.s32 @!p2 $0x0  }
0xc7: {  	s28 =	ssub.s32 s28, s29  }
0xc8: {  	s29 =	smul.u32 $0x140, s28;
	s30 =	sadd.s32 $0x1, s28;
	_ =	sdelay $0x1  }
0xc9: {  	s29 =	sshra.s32 s29, $0x2  }
0xca: {  	v3 =	vld [tilespmem:s29+$0x0];
	_ =	sdelay $0x4  }
0xcb: {  	(v2sf) =	vpush v3, $0x0;
	_ =	sdelay $0xe  }
.Ltmp4:
0xcc: {  	s29 =	spop (v2sf);
	(pc) =	sbr.rel @p1 .LBB2_6-.Ltmp4, $4  }
0xcd: {  	p2 =	slt.s32 s29, s6;
	s29 =	smov.u32 s17  }
0xce: {  	p3 =	slt.s32 s17, s18;
	s29 =	smov.u32 @p2 s30;
	s28 =	smov.u32 @p2 s18  }
0xcf: {  	s17 =	smov.u32 @p3 s29;
	s18 =	smov.u32 @p3 s28  }
0xd0: {  	s19 =	sadd.s32 $0xFFFFFFFF, s19;
	s28 =	sadd.s32 s17, s18  }
0xd1: {  	s19 =	sand.u32 $0x1, s28  }
0xd2: {  	p1 =	slt.s32 s28, $0x1;
	p2 =	seq.s32 s19, $0x1  }
0xd3: {  	s20 =	sshrl.u32 s28, $0x1F;
	p1 =	por !p1, !p2  }
0xd4: {  	s19 =	sadd.s32 s20, s28;
	s28 =	simm.s32 $0x1;
	p1 =	por !p1, !p1  }
0xd5: {  	s19 =	sshra.s32 s19, $0x1;
	s28 =	simm.s32 @!p1 $0x0  }
0xd6: {  	s19 =	ssub.s32 s19, s28  }
0xd7: {  	s28 =	smul.u32 $0x140, s19;
	_ =	sdelay $0x1  }
0xd8: {  	s28 =	sshra.s32 s28, $0x2  }
0xd9: {  	v3 =	vld [tilespmem:s28+$0x0];
	_ =	sdelay $0x4  }
0xda: {  	(v2sf) =	vpush v3, $0x0;
	_ =	sdelay $0xe  }
0xdb: {  	s28 =	spop (v2sf)  }
0xdc: {  	s19 =	sadd.s32 $0x1, s19;
	p1 =	slt.s32 s28, s6;
	s28 =	smov.u32 s17  }
0xdd: {  	p2 =	slt.s32 s17, s18;
	s28 =	smov.u32 @p1 s19  }
0xde: {  	s17 =	smov.u32 @p2 s28  }
0xdf: {  	p1 =	sle.s32 s17, s15  }
0xe0: {  	s18 =	smul.u32 @!p1 $0x50, s15;
	_ =	sdelay $0x1  }
0xe1: {  	s19 =	sadd.s32 $0x1, s15;
	s18 =	sadd.s32 @!p1 s5, s18  }
0xe2: {  	p2 =	sge.s32 s19, s17;
	s28 =	simm.s32 @!p1 $0x0;
	s18 =	sshll.u32 @!p1 s18, $0x4  }
0xe3: {  	s29 =	simm.s32 @!p1 $0x4E80;
	s19 =	smul.u32 @!p2 $0x50, s19;
	s18 =	sadd.s32 @!p1 s1, s18  }
0xe4: {  	[tilespmem:s29], [sflag:$0x1] =	stream.linear.gather @!p1 [hbm4b:s18+s28], $0x2800, $0x38;
	[tilespmem:$0x1DE00] =	vst v63  }
0xe5: {  	s18 =	sadd.s32 @!p2 s5, s19;
	s19 =	sadd.s32 $0x2, s15  }
0xe6: {  	s28 =	simm.s32 @!p2 $0x0;
	s18 =	sshll.u32 @!p2 s18, $0x4;
	p3 =	sge.s32 s19, s17  }
0xe7: {  	s29 =	simm.s32 @!p2 $0x7680;
	s18 =	sadd.s32 @!p2 s1, s18;
	s19 =	smul.u32 @!p3 $0x50, s19  }
0xe8: {  	[tilespmem:s29], [sflag:$0x2] =	stream.linear.gather @!p2 [hbm4b:s18+s28], $0x2800, $0x38;
	[tilespmem:$0x1DE00] =	vst v63  }
0xe9: {  	s21 =	ssub.s32 s17, s15;
	s18 =	sadd.s32 @!p3 s5, s19;
	s19 =	sadd.s32 $0x3, s15  }
0xea: {  	s28 =	simm.s32 @!p3 $0x0;
	s18 =	sshll.u32 @!p3 s18, $0x4;
	p2 =	sge.s32 s19, s17  }
0xeb: {  	s29 =	simm.s32 @!p3 $0x9E80;
	s18 =	sadd.s32 @!p3 s1, s18;
	s19 =	smul.u32 @!p2 $0x50, s19  }
0xec: {  	[tilespmem:s29], [sflag:$0x3] =	stream.linear.gather @!p3 [hbm4b:s18+s28], $0x2800, $0x38;
	[tilespmem:$0x1DE00] =	vst v63  }
0xed: {  	s31 =	simm.s32 @!p2 $0x0;
	s28 =	sadd.s32 $0x5, s21;
	s18 =	sadd.s32 @!p2 s5, s19  }
0xee: {  	s22 =	smulhi.u32 $0x2AAAAAAB, s28;
	s30 =	sshra.s32 s28, $0x1F;
	s18 =	sshll.u32 @!p2 s18, $0x4  }
0xef: {  	s20 =	simm.s32 @!p2 $0xC680;
	s30 =	smul.u32 $0x2AAAAAAB, s30;
	s18 =	sadd.s32 @!p2 s1, s18  }
0xf0: {  	[tilespmem:s20], [sflag:$0x4] =	stream.linear.gather @!p2 [hbm4b:s18+s31], $0x2800, $0x38;
	[tilespmem:$0x1DE00] =	vst v63  }
0xf1: {  	s30 =	sadd.s32 s30, s22  }
0xf2: {  	s31 =	sshrl.u32 s30, $0x1F  }
0xf3: {  	s18 =	sadd.s32 s31, s30  }
0xf4: {  	s20 =	smul.u32 $0xFFFFFFFA, s18  }
0xf5: {  	s19 =	ssub.s32 $0xFFFFFFFB, s21  }
0xf6: {  	p5 =	slt.s32 s28, $0x1;
	p6 =	sne.s32 s20, s19  }
0xf7: {  	p2 =	por !p5, !p6  }
0xf8: {  	s19 =	simm.s32 $0x1;
	p2 =	por !p2, !p2  }
0xf9: {  	s19 =	simm.s32 @!p2 $0x0  }
0xfa: {  	s28 =	ssub.s32 s18, s19  }
0xfb: {  	p2 =	slt.s32 s28, $0x1  }
.Ltmp5:
0xfc: {  	_ = 	snop;
	(pc) =	sbr.rel @p2 .LBB2_10-.Ltmp5, $1  }
0xfd: {  	_ =	sdelay $0x3  }
0xfe: {  	s18 =	smul.u32 $0x140, s15  }
0xff: {  	s19 =	smul.u32 $0x500, s15  }
0x100: {  	s20 =	rddreg [dreg:$0x12];
	s18 =	sshra.s32 s18, $0x2  }
0x101: {  	s30 =	sadd.s32 $0xFFFFFFFF, s15;
	s29 =	sadd.s32 s19, s20;
	s18 =	sadd.s32 $0xF0, s18  }
.LBB2_9:
0x102: {  	s19 =	sadd.s32 $0x1, s30  }
0x103: {  	p2 =	sge.s32 s19, s17  }
0x104: {  	s20 =	simm.s32 @!p2 $0x1  }
0x105: {  	_ =	swait.ge @!p2 [sflag:s20], $0x2800  }
0x106: {  	[sflag:s20] =	ssyncset.done @!p2 $0x0  }
0x107: {  	[sflag:s20] =	ssyncadd.s32 @!p2 $0xFFFFD800  }
0x108: {  	v3 =	vld @!p2 [tilespmem:s18+$0xFFFFFF10];
	_ =	sdelay $0x4  }
0x109: {  	vm0 =	vge.s32 @!p2 v3, v0;
	vm1 =	vlt.s32 @!p2 v3, v1  }
0x10a: {  	v3 =	vsub.s32 @!p2 v3, v0;
	vm0 =	vmand @!p2 vm0, vm1  }
0x10b: {  	v3 =	vnsel @!p2 vm0, $0x1388, v3  }
0x10c: {  	[tilespmem:$0x13E80] =	vst @!p2 v3  }
0x10d: {  	v3 =	vld @!p2 [tilespmem:s18+$0xFFFFFF20];
	_ =	sdelay $0x4  }
0x10e: {  	vm0 =	vge.s32 @!p2 v3, v0;
	vm1 =	vlt.s32 @!p2 v3, v1  }
0x10f: {  	v3 =	vsub.s32 @!p2 v3, v0;
	vm0 =	vmand @!p2 vm0, vm1  }
0x110: {  	v3 =	vnsel @!p2 vm0, $0x1388, v3  }
0x111: {  	[tilespmem:$0x13E90] =	vst @!p2 v3  }
0x112: {  	v3 =	vld @!p2 [tilespmem:s18+$0xFFFFFF30];
	_ =	sdelay $0x4  }
0x113: {  	vm0 =	vge.s32 @!p2 v3, v0;
	vm1 =	vlt.s32 @!p2 v3, v1  }
0x114: {  	v3 =	vsub.s32 @!p2 v3, v0;
	vm0 =	vmand @!p2 vm0, vm1  }
0x115: {  	v3 =	vnsel @!p2 vm0, $0x1388, v3  }
0x116: {  	[tilespmem:$0x13EA0] =	vst @!p2 v3  }
0x117: {  	v3 =	vld @!p2 [tilespmem:s18+$0xFFFFFF40];
	_ =	sdelay $0x4  }
0x118: {  	vm0 =	vge.s32 @!p2 v3, v0;
	vm1 =	vlt.s32 @!p2 v3, v1  }
0x119: {  	v3 =	vsub.s32 @!p2 v3, v0;
	vm0 =	vmand @!p2 vm0, vm1  }
0x11a: {  	v3 =	vnsel @!p2 vm0, $0x1388, v3  }
0x11b: {  	[tilespmem:$0x13EB0] =	vst @!p2 v3  }
0x11c: {  	v3 =	vld @!p2 [tilespmem:s18+$0xFFFFFF50];
	_ =	sdelay $0x4  }
0x11d: {  	vm0 =	vge.s32 @!p2 v3, v0;
	vm1 =	vlt.s32 @!p2 v3, v1  }
0x11e: {  	v3 =	vsub.s32 @!p2 v3, v0;
	vm0 =	vmand @!p2 vm0, vm1  }
0x11f: {  	s31 =	simm.s32 @!p2 $0x13E80;
	p3 =	slt.s32 @!p2 s30, s15;
	v3 =	vnsel @!p2 vm0, $0x1388, v3  }
0x120: {  	s21 =	simm.s32 @!p2 $0x4E80;
	p3 =	por p3, p2;
	s20 =	simm.s32 @!p2 $0x50;
	[tilespmem:$0x13EC0] =	vst @!p2 v3  }
0x121: {  	[spmem:s2] =	stream.indirect.scatter.add.f32 @!p2 [tilespmem:s21], [sflag:$0x7], $0x80, s31, s20, $0xb8;
	[tilespmem:$0x1DE00] =	vst v63  }
0x122: {  	s20 =	simm.s32 @!p3 $0xC  }
0x123: {  	s21 =	sadd.s32 @!p2 $0x5, s30;
	_ =	swait.ge @!p3 [sflag:s20], $0x2800  }
0x124: {  	p4 =	sge.s32 @!p2 s21, s17;
	[sflag:s20] =	ssyncset.done @!p3 $0x0  }
0x125: {  	p2 =	por p4, p2;
	[sflag:s20] =	ssyncadd.s32 @!p3 $0xFFFFD800  }
0x126: {  	s20 =	sadd.s32 @!p2 $0xFFFFE700, s29;
	s21 =	simm.s32 @!p2 $0x0;
	s31 =	simm.s32 @!p2 $0xEE80  }
0x127: {  	[tilespmem:s31], [sflag:$0x5] =	stream.linear.gather @!p2 [hbm4b:s20+s21], $0x2800, $0x38;
	[tilespmem:$0x1DE00] =	vst v63  }
0x128: {  	s31 =	sadd.s32 $0x2, s30  }
0x129: {  	p2 =	sge.s32 s31, s17  }
0x12a: {  	s20 =	simm.s32 @!p2 $0x2  }
0x12b: {  	_ =	swait.ge @!p2 [sflag:s20], $0x2800  }
0x12c: {  	[sflag:s20] =	ssyncset.done @!p2 $0x0  }
0x12d: {  	[sflag:s20] =	ssyncadd.s32 @!p2 $0xFFFFD800  }
0x12e: {  	v3 =	vld @!p2 [tilespmem:s18+$0xFFFFFF60];
	_ =	sdelay $0x4  }
0x12f: {  	vm0 =	vge.s32 @!p2 v3, v0;
	vm1 =	vlt.s32 @!p2 v3, v1  }
0x130: {  	v3 =	vsub.s32 @!p2 v3, v0;
	vm0 =	vmand @!p2 vm0, vm1  }
0x131: {  	v3 =	vnsel @!p2 vm0, $0x1388, v3  }
0x132: {  	[tilespmem:$0x13F00] =	vst @!p2 v3  }
0x133: {  	v3 =	vld @!p2 [tilespmem:s18+$0xFFFFFF70];
	_ =	sdelay $0x4  }
0x134: {  	vm0 =	vge.s32 @!p2 v3, v0;
	vm1 =	vlt.s32 @!p2 v3, v1  }
0x135: {  	v3 =	vsub.s32 @!p2 v3, v0;
	vm0 =	vmand @!p2 vm0, vm1  }
0x136: {  	v3 =	vnsel @!p2 vm0, $0x1388, v3  }
0x137: {  	[tilespmem:$0x13F10] =	vst @!p2 v3  }
0x138: {  	v3 =	vld @!p2 [tilespmem:s18+$0xFFFFFF80];
	_ =	sdelay $0x4  }
0x139: {  	vm0 =	vge.s32 @!p2 v3, v0;
	vm1 =	vlt.s32 @!p2 v3, v1  }
0x13a: {  	v3 =	vsub.s32 @!p2 v3, v0;
	vm0 =	vmand @!p2 vm0, vm1  }
0x13b: {  	v3 =	vnsel @!p2 vm0, $0x1388, v3  }
0x13c: {  	[tilespmem:$0x13F20] =	vst @!p2 v3  }
0x13d: {  	v3 =	vld @!p2 [tilespmem:s18+$0xFFFFFF90];
	_ =	sdelay $0x4  }
0x13e: {  	vm0 =	vge.s32 @!p2 v3, v0;
	vm1 =	vlt.s32 @!p2 v3, v1  }
0x13f: {  	v3 =	vsub.s32 @!p2 v3, v0;
	vm0 =	vmand @!p2 vm0, vm1  }
0x140: {  	v3 =	vnsel @!p2 vm0, $0x1388, v3  }
0x141: {  	[tilespmem:$0x13F30] =	vst @!p2 v3  }
0x142: {  	v3 =	vld @!p2 [tilespmem:s18+$0xFFFFFFA0];
	_ =	sdelay $0x4  }
0x143: {  	vm0 =	vge.s32 @!p2 v3, v0;
	vm1 =	vlt.s32 @!p2 v3, v1  }
0x144: {  	p3 =	slt.s32 @!p2 s19, s15;
	v3 =	vsub.s32 @!p2 v3, v0;
	vm0 =	vmand @!p2 vm0, vm1  }
0x145: {  	s21 =	simm.s32 @!p2 $0x13F00;
	p3 =	por p3, p2;
	v3 =	vnsel @!p2 vm0, $0x1388, v3  }
0x146: {  	s22 =	simm.s32 @!p2 $0x7680;
	s19 =	simm.s32 @!p3 $0x7;
	s20 =	simm.s32 @!p2 $0x50;
	[tilespmem:$0x13F40] =	vst @!p2 v3  }
0x147: {  	[spmem:s2] =	stream.indirect.scatter.add.f32 @!p2 [tilespmem:s22], [sflag:$0x8], $0x80, s21, s20, $0xb8;
	[tilespmem:$0x1DE00] =	vst v63  }
0x148: {  	s20 =	sadd.s32 @!p2 $0x6, s30;
	_ =	swait.ge @!p3 [sflag:s19], $0x2800  }
0x149: {  	p4 =	sge.s32 @!p2 s20, s17;
	[sflag:s19] =	ssyncset.done @!p3 $0x0  }
0x14a: {  	p2 =	por p4, p2;
	[sflag:s19] =	ssyncadd.s32 @!p3 $0xFFFFD800  }
0x14b: {  	s19 =	sadd.s32 @!p2 $0xFFFFEC00, s29;
	s20 =	simm.s32 @!p2 $0x0;
	s21 =	simm.s32 @!p2 $0x11680  }
0x14c: {  	[tilespmem:s21], [sflag:$0x6] =	stream.linear.gather @!p2 [hbm4b:s19+s20], $0x2800, $0x38;
	[tilespmem:$0x1DE00] =	vst v63  }
0x14d: {  	s19 =	sadd.s32 $0x3, s30  }
0x14e: {  	p2 =	sge.s32 s19, s17  }
0x14f: {  	s20 =	simm.s32 @!p2 $0x3  }
0x150: {  	_ =	swait.ge @!p2 [sflag:s20], $0x2800  }
0x151: {  	[sflag:s20] =	ssyncset.done @!p2 $0x0  }
0x152: {  	[sflag:s20] =	ssyncadd.s32 @!p2 $0xFFFFD800  }
0x153: {  	v3 =	vld @!p2 [tilespmem:s18+$0xFFFFFFB0];
	_ =	sdelay $0x4  }
0x154: {  	vm0 =	vge.s32 @!p2 v3, v0;
	vm1 =	vlt.s32 @!p2 v3, v1  }
0x155: {  	v3 =	vsub.s32 @!p2 v3, v0;
	vm0 =	vmand @!p2 vm0, vm1  }
0x156: {  	v3 =	vnsel @!p2 vm0, $0x1388, v3  }
0x157: {  	[tilespmem:$0x13F80] =	vst @!p2 v3  }
0x158: {  	v3 =	vld @!p2 [tilespmem:s18+$0xFFFFFFC0];
	_ =	sdelay $0x4  }
0x159: {  	vm0 =	vge.s32 @!p2 v3, v0;
	vm1 =	vlt.s32 @!p2 v3, v1  }
0x15a: {  	v3 =	vsub.s32 @!p2 v3, v0;
	vm0 =	vmand @!p2 vm0, vm1  }
0x15b: {  	v3 =	vnsel @!p2 vm0, $0x1388, v3  }
0x15c: {  	[tilespmem:$0x13F90] =	vst @!p2 v3  }
0x15d: {  	v3 =	vld @!p2 [tilespmem:s18+$0xFFFFFFD0];
	_ =	sdelay $0x4  }
0x15e: {  	vm0 =	vge.s32 @!p2 v3, v0;
	vm1 =	vlt.s32 @!p2 v3, v1  }
0x15f: {  	v3 =	vsub.s32 @!p2 v3, v0;
	vm0 =	vmand @!p2 vm0, vm1  }
0x160: {  	v3 =	vnsel @!p2 vm0, $0x1388, v3  }
0x161: {  	[tilespmem:$0x13FA0] =	vst @!p2 v3  }
0x162: {  	v3 =	vld @!p2 [tilespmem:s18+$0xFFFFFFE0];
	_ =	sdelay $0x4  }
0x163: {  	vm0 =	vge.s32 @!p2 v3, v0;
	vm1 =	vlt.s32 @!p2 v3, v1  }
0x164: {  	v3 =	vsub.s32 @!p2 v3, v0;
	vm0 =	vmand @!p2 vm0, vm1  }
0x165: {  	v3 =	vnsel @!p2 vm0, $0x1388, v3  }
0x166: {  	[tilespmem:$0x13FB0] =	vst @!p2 v3  }
0x167: {  	v3 =	vld @!p2 [tilespmem:s18+$0xFFFFFFF0];
	_ =	sdelay $0x4  }
0x168: {  	vm0 =	vge.s32 @!p2 v3, v0;
	vm1 =	vlt.s32 @!p2 v3, v1  }
0x169: {  	v3 =	vsub.s32 @!p2 v3, v0;
	vm0 =	vmand @!p2 vm0, vm1  }
0x16a: {  	s21 =	simm.s32 @!p2 $0x13F80;
	p3 =	slt.s32 @!p2 s31, s15;
	v3 =	vnsel @!p2 vm0, $0x1388, v3  }
0x16b: {  	s22 =	simm.s32 @!p2 $0x9E80;
	p3 =	por p3, p2;
	s20 =	simm.s32 @!p2 $0x50;
	[tilespmem:$0x13FC0] =	vst @!p2 v3  }
0x16c: {  	[spmem:s2] =	stream.indirect.scatter.add.f32 @!p2 [tilespmem:s22], [sflag:$0x9], $0x80, s21, s20, $0xb8;
	[tilespmem:$0x1DE00] =	vst v63  }
0x16d: {  	s20 =	simm.s32 @!p3 $0x8  }
0x16e: {  	s21 =	sadd.s32 @!p2 $0x7, s30;
	_ =	swait.ge @!p3 [sflag:s20], $0x2800  }
0x16f: {  	p4 =	sge.s32 @!p2 s21, s17;
	[sflag:s20] =	ssyncset.done @!p3 $0x0  }
0x170: {  	s31 =	sadd.s32 $0x4, s30;
	p2 =	por p4, p2;
	[sflag:s20] =	ssyncadd.s32 @!p3 $0xFFFFD800  }
0x171: {  	s20 =	sadd.s32 @!p2 $0xFFFFF100, s29;
	s21 =	simm.s32 @!p2 $0x0;
	s22 =	simm.s32 @!p2 $0x4E80  }
0x172: {  	[tilespmem:s22], [sflag:$0x1] =	stream.linear.gather @!p2 [hbm4b:s20+s21], $0x2800, $0x38;
	[tilespmem:$0x1DE00] =	vst v63  }
0x173: {  	p2 =	sge.s32 s31, s17  }
0x174: {  	s20 =	simm.s32 @!p2 $0x4  }
0x175: {  	_ =	swait.ge @!p2 [sflag:s20], $0x2800  }
0x176: {  	[sflag:s20] =	ssyncset.done @!p2 $0x0  }
0x177: {  	[sflag:s20] =	ssyncadd.s32 @!p2 $0xFFFFD800  }
0x178: {  	v3 =	vld @!p2 [tilespmem:s18+$0x0];
	_ =	sdelay $0x4  }
0x179: {  	vm0 =	vge.s32 @!p2 v3, v0;
	vm1 =	vlt.s32 @!p2 v3, v1  }
0x17a: {  	v3 =	vsub.s32 @!p2 v3, v0;
	vm0 =	vmand @!p2 vm0, vm1  }
0x17b: {  	v3 =	vnsel @!p2 vm0, $0x1388, v3  }
0x17c: {  	[tilespmem:$0x14000] =	vst @!p2 v3  }
0x17d: {  	v3 =	vld @!p2 [tilespmem:s18+$0x10];
	_ =	sdelay $0x4  }
0x17e: {  	vm0 =	vge.s32 @!p2 v3, v0;
	vm1 =	vlt.s32 @!p2 v3, v1  }
0x17f: {  	v3 =	vsub.s32 @!p2 v3, v0;
	vm0 =	vmand @!p2 vm0, vm1  }
0x180: {  	v3 =	vnsel @!p2 vm0, $0x1388, v3  }
0x181: {  	[tilespmem:$0x14010] =	vst @!p2 v3  }
0x182: {  	v3 =	vld @!p2 [tilespmem:s18+$0x20];
	_ =	sdelay $0x4  }
0x183: {  	vm0 =	vge.s32 @!p2 v3, v0;
	vm1 =	vlt.s32 @!p2 v3, v1  }
0x184: {  	v3 =	vsub.s32 @!p2 v3, v0;
	vm0 =	vmand @!p2 vm0, vm1  }
0x185: {  	v3 =	vnsel @!p2 vm0, $0x1388, v3  }
0x186: {  	[tilespmem:$0x14020] =	vst @!p2 v3  }
0x187: {  	v3 =	vld @!p2 [tilespmem:s18+$0x30];
	_ =	sdelay $0x4  }
0x188: {  	vm0 =	vge.s32 @!p2 v3, v0;
	vm1 =	vlt.s32 @!p2 v3, v1  }
0x189: {  	v3 =	vsub.s32 @!p2 v3, v0;
	vm0 =	vmand @!p2 vm0, vm1  }
0x18a: {  	v3 =	vnsel @!p2 vm0, $0x1388, v3  }
0x18b: {  	[tilespmem:$0x14030] =	vst @!p2 v3  }
0x18c: {  	v3 =	vld @!p2 [tilespmem:s18+$0x40];
	_ =	sdelay $0x4  }
0x18d: {  	vm0 =	vge.s32 @!p2 v3, v0;
	vm1 =	vlt.s32 @!p2 v3, v1  }
0x18e: {  	p3 =	slt.s32 @!p2 s19, s15;
	v3 =	vsub.s32 @!p2 v3, v0;
	vm0 =	vmand @!p2 vm0, vm1  }
0x18f: {  	s21 =	simm.s32 @!p2 $0x14000;
	p3 =	por p3, p2;
	v3 =	vnsel @!p2 vm0, $0x1388, v3  }
0x190: {  	s22 =	simm.s32 @!p2 $0xC680;
	s19 =	simm.s32 @!p3 $0x9;
	s20 =	simm.s32 @!p2 $0x50;
	[tilespmem:$0x14040] =	vst @!p2 v3  }
0x191: {  	[spmem:s2] =	stream.indirect.scatter.add.f32 @!p2 [tilespmem:s22], [sflag:$0xA], $0x80, s21, s20, $0xb8;
	[tilespmem:$0x1DE00] =	vst v63  }
0x192: {  	s20 =	sadd.s32 @!p2 $0x8, s30;
	_ =	swait.ge @!p3 [sflag:s19], $0x2800  }
0x193: {  	p4 =	sge.s32 @!p2 s20, s17;
	[sflag:s19] =	ssyncset.done @!p3 $0x0  }
0x194: {  	p2 =	por p4, p2;
	[sflag:s19] =	ssyncadd.s32 @!p3 $0xFFFFD800  }
0x195: {  	s19 =	sadd.s32 @!p2 $0xFFFFF600, s29;
	s20 =	simm.s32 @!p2 $0x0;
	s21 =	simm.s32 @!p2 $0x7680  }
0x196: {  	[tilespmem:s21], [sflag:$0x2] =	stream.linear.gather @!p2 [hbm4b:s19+s20], $0x2800, $0x38;
	[tilespmem:$0x1DE00] =	vst v63  }
0x197: {  	s19 =	sadd.s32 $0x5, s30  }
0x198: {  	p2 =	sge.s32 s19, s17  }
0x199: {  	s20 =	simm.s32 @!p2 $0x5  }
0x19a: {  	_ =	swait.ge @!p2 [sflag:s20], $0x2800  }
0x19b: {  	[sflag:s20] =	ssyncset.done @!p2 $0x0  }
0x19c: {  	[sflag:s20] =	ssyncadd.s32 @!p2 $0xFFFFD800  }
0x19d: {  	v3 =	vld @!p2 [tilespmem:s18+$0x50];
	_ =	sdelay $0x4  }
0x19e: {  	vm0 =	vge.s32 @!p2 v3, v0;
	vm1 =	vlt.s32 @!p2 v3, v1  }
0x19f: {  	v3 =	vsub.s32 @!p2 v3, v0;
	vm0 =	vmand @!p2 vm0, vm1  }
0x1a0: {  	v3 =	vnsel @!p2 vm0, $0x1388, v3  }
0x1a1: {  	[tilespmem:$0x14080] =	vst @!p2 v3  }
0x1a2: {  	v3 =	vld @!p2 [tilespmem:s18+$0x60];
	_ =	sdelay $0x4  }
0x1a3: {  	vm0 =	vge.s32 @!p2 v3, v0;
	vm1 =	vlt.s32 @!p2 v3, v1  }
0x1a4: {  	v3 =	vsub.s32 @!p2 v3, v0;
	vm0 =	vmand @!p2 vm0, vm1  }
0x1a5: {  	v3 =	vnsel @!p2 vm0, $0x1388, v3  }
0x1a6: {  	[tilespmem:$0x14090] =	vst @!p2 v3  }
0x1a7: {  	v3 =	vld @!p2 [tilespmem:s18+$0x70];
	_ =	sdelay $0x4  }
0x1a8: {  	vm0 =	vge.s32 @!p2 v3, v0;
	vm1 =	vlt.s32 @!p2 v3, v1  }
0x1a9: {  	v3 =	vsub.s32 @!p2 v3, v0;
	vm0 =	vmand @!p2 vm0, vm1  }
0x1aa: {  	v3 =	vnsel @!p2 vm0, $0x1388, v3  }
0x1ab: {  	[tilespmem:$0x140A0] =	vst @!p2 v3  }
0x1ac: {  	v3 =	vld @!p2 [tilespmem:s18+$0x80];
	_ =	sdelay $0x4  }
0x1ad: {  	vm0 =	vge.s32 @!p2 v3, v0;
	vm1 =	vlt.s32 @!p2 v3, v1  }
0x1ae: {  	v3 =	vsub.s32 @!p2 v3, v0;
	vm0 =	vmand @!p2 vm0, vm1  }
0x1af: {  	v3 =	vnsel @!p2 vm0, $0x1388, v3  }
0x1b0: {  	[tilespmem:$0x140B0] =	vst @!p2 v3  }
0x1b1: {  	v3 =	vld @!p2 [tilespmem:s18+$0x90];
	_ =	sdelay $0x4  }
0x1b2: {  	vm0 =	vge.s32 @!p2 v3, v0;
	vm1 =	vlt.s32 @!p2 v3, v1  }
0x1b3: {  	v3 =	vsub.s32 @!p2 v3, v0;
	vm0 =	vmand @!p2 vm0, vm1  }
0x1b4: {  	s21 =	simm.s32 @!p2 $0x14080;
	p3 =	slt.s32 @!p2 s31, s15;
	v3 =	vnsel @!p2 vm0, $0x1388, v3  }
0x1b5: {  	s22 =	simm.s32 @!p2 $0xEE80;
	p3 =	por p3, p2;
	s20 =	simm.s32 @!p2 $0x50;
	[tilespmem:$0x140C0] =	vst @!p2 v3  }
0x1b6: {  	[spmem:s2] =	stream.indirect.scatter.add.f32 @!p2 [tilespmem:s22], [sflag:$0xB], $0x80, s21, s20, $0xb8;
	[tilespmem:$0x1DE00] =	vst v63  }
0x1b7: {  	s20 =	simm.s32 @!p3 $0xA  }
0x1b8: {  	s21 =	sadd.s32 @!p2 $0x9, s30;
	_ =	swait.ge @!p3 [sflag:s20], $0x2800  }
0x1b9: {  	p4 =	sge.s32 @!p2 s21, s17;
	[sflag:s20] =	ssyncset.done @!p3 $0x0  }
0x1ba: {  	p2 =	por p4, p2;
	[sflag:s20] =	ssyncadd.s32 @!p3 $0xFFFFD800  }
0x1bb: {  	s20 =	sadd.s32 @!p2 $0xFFFFFB00, s29;
	s21 =	simm.s32 @!p2 $0x0;
	s22 =	simm.s32 @!p2 $0x9E80  }
0x1bc: {  	[tilespmem:s22], [sflag:$0x3] =	stream.linear.gather @!p2 [hbm4b:s20+s21], $0x2800, $0x38;
	[tilespmem:$0x1DE00] =	vst v63  }
0x1bd: {  	s20 =	sadd.s32 $0x6, s30  }
0x1be: {  	p2 =	sge.s32 s20, s17  }
0x1bf: {  	s21 =	simm.s32 @!p2 $0x6  }
0x1c0: {  	_ =	swait.ge @!p2 [sflag:s21], $0x2800  }
0x1c1: {  	[sflag:s21] =	ssyncset.done @!p2 $0x0  }
0x1c2: {  	[sflag:s21] =	ssyncadd.s32 @!p2 $0xFFFFD800  }
0x1c3: {  	v3 =	vld @!p2 [tilespmem:s18+$0xA0];
	_ =	sdelay $0x4  }
0x1c4: {  	vm0 =	vge.s32 @!p2 v3, v0;
	vm1 =	vlt.s32 @!p2 v3, v1  }
0x1c5: {  	v3 =	vsub.s32 @!p2 v3, v0;
	vm0 =	vmand @!p2 vm0, vm1  }
0x1c6: {  	v3 =	vnsel @!p2 vm0, $0x1388, v3  }
0x1c7: {  	[tilespmem:$0x14100] =	vst @!p2 v3  }
0x1c8: {  	v3 =	vld @!p2 [tilespmem:s18+$0xB0];
	_ =	sdelay $0x4  }
0x1c9: {  	vm0 =	vge.s32 @!p2 v3, v0;
	vm1 =	vlt.s32 @!p2 v3, v1  }
0x1ca: {  	v3 =	vsub.s32 @!p2 v3, v0;
	vm0 =	vmand @!p2 vm0, vm1  }
0x1cb: {  	v3 =	vnsel @!p2 vm0, $0x1388, v3  }
0x1cc: {  	[tilespmem:$0x14110] =	vst @!p2 v3  }
0x1cd: {  	v3 =	vld @!p2 [tilespmem:s18+$0xC0];
	_ =	sdelay $0x4  }
0x1ce: {  	vm0 =	vge.s32 @!p2 v3, v0;
	vm1 =	vlt.s32 @!p2 v3, v1  }
0x1cf: {  	v3 =	vsub.s32 @!p2 v3, v0;
	vm0 =	vmand @!p2 vm0, vm1  }
0x1d0: {  	v3 =	vnsel @!p2 vm0, $0x1388, v3  }
0x1d1: {  	[tilespmem:$0x14120] =	vst @!p2 v3  }
0x1d2: {  	v3 =	vld @!p2 [tilespmem:s18+$0xD0];
	_ =	sdelay $0x4  }
0x1d3: {  	vm0 =	vge.s32 @!p2 v3, v0;
	vm1 =	vlt.s32 @!p2 v3, v1  }
0x1d4: {  	v3 =	vsub.s32 @!p2 v3, v0;
	vm0 =	vmand @!p2 vm0, vm1  }
0x1d5: {  	v3 =	vnsel @!p2 vm0, $0x1388, v3  }
0x1d6: {  	[tilespmem:$0x14130] =	vst @!p2 v3  }
0x1d7: {  	v3 =	vld @!p2 [tilespmem:s18+$0xE0];
	_ =	sdelay $0x4  }
0x1d8: {  	vm0 =	vge.s32 @!p2 v3, v0;
	vm1 =	vlt.s32 @!p2 v3, v1  }
0x1d9: {  	v3 =	vsub.s32 @!p2 v3, v0;
	vm0 =	vmand @!p2 vm0, vm1  }
0x1da: {  	s22 =	simm.s32 @!p2 $0x14100;
	p3 =	slt.s32 @!p2 s19, s15;
	v3 =	vnsel @!p2 vm0, $0x1388, v3  }
0x1db: {  	s31 =	simm.s32 @!p2 $0x11680;
	p3 =	por p3, p2;
	s21 =	simm.s32 @!p2 $0x50;
	[tilespmem:$0x14140] =	vst @!p2 v3  }
0x1dc: {  	[spmem:s2] =	stream.indirect.scatter.add.f32 @!p2 [tilespmem:s31], [sflag:$0xC], $0x80, s22, s21, $0xb8;
	[tilespmem:$0x1DE00] =	vst v63  }
0x1dd: {  	s19 =	simm.s32 @!p3 $0xB;
	s21 =	sadd.s32 @!p2 $0xA, s30  }
0x1de: {  	_ =	swait.ge @!p3 [sflag:s19], $0x2800;
	p4 =	sge.s32 @!p2 s21, s17  }
0x1df: {  	s28 =	sadd.s32 $0xFFFFFFFF, s28;
	p2 =	por p4, p2;
	[sflag:s19] =	ssyncset.done @!p3 $0x0  }
0x1e0: {  	[sflag:s19] =	ssyncadd.s32 @!p3 $0xFFFFD800;
	s19 =	simm.s32 @!p2 $0x0;
	s21 =	simm.s32 @!p2 $0xC680  }
0x1e1: {  	[tilespmem:s21], [sflag:$0x4] =	stream.linear.gather @!p2 [hbm4b:s29+s19], $0x2800, $0x38;
	[tilespmem:$0x1DE00] =	vst v63  }
0x1e2: {  	p2 =	sne.s32 s28, $0x0  }
.Ltmp6:
0x1e3: {  	_ = 	snop;
	(pc) =	sbr.rel @p2 .LBB2_9-.Ltmp6, $2  }
0x1e4: {  	_ =	sdelay $0x2  }
0x1e5: {  	s18 =	sadd.s32 $0x1E0, s18;
	s30 =	smov.u32 s20;
	s29 =	sadd.s32 $0x1E00, s29  }
.Ltmp7:
0x1e6: {  	_ = 	snop;
	(pc) =	sbr.rel .LBB2_10-.Ltmp7, $1  }
0x1e7: {  	_ =	sdelay $0x3  }
.LBB2_11:
0x1e8: {  	_ =	sfence.sel $0x180000  }
0x1e9: {  	[bflag:$0x0] =	sbarrier.arrive $0xFFFF  }
0x1ea: {  	_ =	strace $0x90000047  }
0x1eb: {  	[bflag:$0x2] =	sbarrier.arrive $0xFFFF  }
0x1ec: {  	s0 =	rddreg [dreg:$0x4]  }
0x1ed: {  	s0 =	sadd.s32 @!p0 $0x100000, s0  }
0x1ee: {  	[sflag:s0] =	ssyncadd.tile.s32 @!p0 $0x1;
	_ =	shalt  }
.Lfunc_end2:
_tile_overlayer_lowered:
.L_overlay_start_2:
0x1ef: {  	(tag) =	ssettag $0x2  }
0x1f0: {  	s0 =	rddreg [dreg:$0x0];
	s2 =	stileid.u32  }
0x1f1: {  	s1 =	rddreg [dreg:$0x1];
	p0 =	sne.s32 s2, $0x0  }
0x1f2: {  	s3 =	rddreg [dreg:$0x2];
	[bflag:$0x3] =	sbarrier.arrive $0xFFFF;
	s2 =	simm.s32 @!p0 $0x1C0D  }
0x1f3: {  	[timem:s3], [sflag:s2] =	dma.local @!p0 [hbm:s0], s1  }
0x1f4: {  	s0 =	simm.s32 @!p0 $0xD  }
0x1f5: {  	_ =	swait.ge @!p0 [sflag:s0], s1  }
0x1f6: {  	s1 =	ssub.s32 @!p0 $0x0, s1;
	[sflag:s0] =	ssyncset.done @!p0 $0x0  }
0x1f7: {  	[sflag:s0] =	ssyncadd.s32 @!p0 s1  }
0x1f8: {  	[bflag:$0x3] =	sbarrier.arrive $0xFFFF  }
0x1f9: {  	_ =	shalt  }

</sc_bundles>
